<compile_context>
chip_gen: v7x
topology: tpu7x:2x2x1
jax: 0.10.2.dev20260603
libtpu: 0.0.44.dev20260713+nightly
codegen_flags: <defaults>
</compile_context>

<pallas_src>
import functools

import jax
import jax.numpy as jnp
import numpy as np
from jax import lax
from jax.experimental import pallas as pl
from jax.experimental.pallas import tpu as pltpu
from jax.experimental.pallas import tpu_sc as plsc

H = 16
S = 2048
NB = 32
SHIFTS = 128
PW = 3968
LW = 4096
_BLOCKS_PER_HEAD = S // SHIFTS
_HEADS_PER_SC = H // 2
_STAGE_ROWS = SHIFTS // 16
_LOG16 = np.float32(np.log(np.float64(16.0)))


def _pack_tc_body(tt_ref, p_ref):
    u = lax.broadcasted_iota(jnp.int32, (H, LW), 1)
    d = u - (S - 1)
    neg = d < 0
    ad = jnp.abs(d)
    is_small = ad < 8
    x = ad.astype(jnp.float32) / jnp.float32(8.0)
    vlarge = 8 + (jnp.log(x) / _LOG16 * jnp.float32(8.0)).astype(jnp.int32)
    vlarge = jnp.minimum(vlarge, 15)
    bucket = jnp.where(neg, 16, 0) + jnp.where(is_small, ad, vlarge)
    line = jnp.zeros((H, LW), jnp.float32)
    for b in range(NB):
        line = jnp.where(bucket == b, tt_ref[:, b : b + 1], line)
    w = pltpu.roll(line, LW - (SHIFTS - 1), axis=1)
    for r in range(SHIFTS):
        p_ref[:, r, :] = w[:, :PW]
        if r < SHIFTS - 1:
            w = pltpu.roll(w, 1, axis=1)


_pack_tc = pl.pallas_call(
    _pack_tc_body,
    out_shape=jax.ShapeDtypeStruct((H, SHIFTS, PW), jnp.float32),
)


@functools.partial(
    pl.kernel,
    out_type=jax.ShapeDtypeStruct((1, H, S, S), jnp.float32),
    mesh=plsc.VectorSubcoreMesh(core_axis_name="c", subcore_axis_name="s"),
    scratch_types=[
        pltpu.VMEM_SHARED((2, SHIFTS, PW), jnp.float32),
        pltpu.SemaphoreType.DMA,
    ],
    compiler_params=pltpu.CompilerParams(use_tc_tiling_on_sc=True),
)
def _expand_sc(p_hbm, out_hbm, shared, sem):
    sc = lax.axis_index("c")
    sid = lax.axis_index("s")
    h0 = sc * _HEADS_PER_SC

    pltpu.sync_copy(
        p_hbm.at[h0, pl.ds(sid * _STAGE_ROWS, _STAGE_ROWS), :],
        shared.at[0, pl.ds(sid * _STAGE_ROWS, _STAGE_ROWS), :],
    )
    plsc.subcore_barrier()
    for w in range(_HEADS_PER_SC):
        cur = w % 2
        nxt = (w + 1) % 2
        stage = None
        if w + 1 < _HEADS_PER_SC:
            stage = pltpu.async_copy(
                p_hbm.at[h0 + w + 1, pl.ds(sid * _STAGE_ROWS, _STAGE_ROWS), :],
                shared.at[nxt, pl.ds(sid * _STAGE_ROWS, _STAGE_ROWS), :],
                sem,
            )
        base = SHIFTS * (_BLOCKS_PER_HEAD - 1 - sid)
        pltpu.sync_copy(
            shared.at[cur, :, pl.ds(base, S)],
            out_hbm.at[0, h0 + w, pl.ds(SHIFTS * sid, SHIFTS)],
        )
        if stage is not None:
            stage.wait()
        plsc.subcore_barrier()


def kernel(qlen, klen, rel_bias_table):
    tt = jnp.transpose(rel_bias_table)
    p_all = _pack_tc(tt)
    return _expand_sc(p_all)

# --- scband reference (transcript-rebuilt; emitter-appended) ---
"""Pipeline reference for scband-relative-position-bias-3049426780672 (READ-ONLY COPY).

The authoritative reference and input builder live on the scoring server;
editing this copy changes nothing except your own understanding.
"""

import jax, jax.numpy as jnp
import numpy as np

NUM_BUCKETS = 32
MAX_DISTANCE = 128
NUM_HEADS = 16
BIDIRECTIONAL = True
QLEN = 2048
KLEN = 2048


def _relative_position_bucket(relative_position, bidirectional=True, num_buckets=32, max_distance=128):
    ret = jnp.zeros_like(relative_position)
    if bidirectional:
        num_buckets //= 2
        ret = ret + (relative_position < 0).astype(jnp.int64) * num_buckets
        relative_position = jnp.abs(relative_position)
    max_exact = num_buckets // 2
    is_small = relative_position < max_exact
    val_if_large = max_exact + (
        jnp.log(relative_position.astype(jnp.float32) / max_exact)
        / jnp.log(jnp.float32(max_distance / max_exact))
        * (num_buckets - max_exact)
    ).astype(jnp.int64)
    val_if_large = jnp.minimum(val_if_large, jnp.int64(num_buckets - 1))
    ret = ret + jnp.where(is_small, relative_position, val_if_large)
    return ret


def setup_inputs(seed: int = 0) -> dict:
    key = jax.random.key(seed)
    k_tab, _ = jax.random.split(key)
    # learned parameter: nn.Embedding(num_buckets, num_heads).weight
    rel_bias_table = jax.random.normal(k_tab, (NUM_BUCKETS, NUM_HEADS), dtype=jnp.float32)
    return {"qlen": 2048, "klen": 2048, "rel_bias_table": rel_bias_table}


def reference(qlen, klen, rel_bias_table):
    context_position = (jnp.arange(QLEN, dtype=jnp.int64) + qlen * 0)[:, None]
    memory_position = (jnp.arange(KLEN, dtype=jnp.int64) + klen * 0)[None, :]
    relative_position = memory_position - context_position
    rp_bucket = _relative_position_bucket(
        relative_position,
        bidirectional=BIDIRECTIONAL,
        num_buckets=NUM_BUCKETS,
        max_distance=MAX_DISTANCE,
    )
    # embedding lookup: gather rows of the bias table by bucket id
    values = jnp.take(rel_bias_table, rp_bucket, axis=0)  # [qlen, klen, H]
    values = jnp.transpose(values, (2, 0, 1))[None, :, :, :]  # [1, H, qlen, klen]
    return values

if __name__ == "__main__":
    import jax
    _d = setup_inputs()
    print(jax.jit(kernel)(*tuple(_d.values())))

</pallas_src>

<mosaic_0001>
#map = affine_map<(d0, d1) -> (0, 0, 0)>
#map1 = affine_map<(d0, d1) -> (0, 0, 0, 0)>
module attributes {stable_mosaic.version = 14 : i64} {
  func.func @_expand_sc(%arg0: i32, %arg1: i32, %arg2: memref<16x128x3968xf32, #tpu.memory_space<hbm>>, %arg3: memref<1x16x2048x2048xf32, #tpu.memory_space<hbm>>, %arg4: memref<2x128x3968xf32, #tpu.memory_space<vmem_shared>>, %arg5: memref<!tpu.dma_semaphore, #tpu.memory_space<semaphore_mem>>) attributes {dimension_semantics = [#tpu.dimension_semantics<core_parallel>, #tpu.dimension_semantics<subcore_parallel>], iteration_bounds = array<i64: 2, 16>, scalar_prefetch = 0 : i64, scratch_operands = 2 : i64, tpu.core_type = #tpu.core_type<sc_vector_subcore>, window_params = [{transform_indices = #map}, {transform_indices = #map1}]} {
    %mul3A = arith.constant 8 : i32
    %mul3A_0 = arith.muli %arg0, %mul3A : i32
    %mul3A_1 = arith.constant 8 : i32
    %mul3A_2 = arith.muli %arg1, %mul3A_1 : i32
    %mul3A_3 = arith.constant 8 : i32
    %mul3A_4 = arith.muli %arg1, %mul3A_3 : i32
    %run_scoped3A = arith.constant 0 : i32
    "tpu.region"() ({
      %run_scoped3A_243 = tpu.sem_alloc : memref<!tpu.dma_semaphore, #tpu.memory_space<semaphore_mem>>
      %dma_start3A_244 = arith.constant 0 : i32
      %dma_start3A_245 = tpu.memref_slice %arg4[%run_scoped3A, %mul3A_4, %dma_start3A_244] : memref<2x128x3968xf32, #tpu.memory_space<vmem_shared>> -> memref<1x8x3968xf32, #tpu.memory_space<vmem_shared>>
      %dma_start3A_246 = tpu.memref_squeeze %dma_start3A_245 : memref<1x8x3968xf32, #tpu.memory_space<vmem_shared>> -> memref<8x3968xf32, #tpu.memory_space<vmem_shared>>
      %dma_start3A_247 = arith.constant 0 : i32
      %dma_start3A_248 = tpu.memref_slice %arg2[%mul3A_0, %mul3A_2, %dma_start3A_247] : memref<16x128x3968xf32, #tpu.memory_space<hbm>> -> memref<1x8x3968xf32, #tpu.memory_space<hbm>>
      %dma_start3A_249 = tpu.memref_squeeze %dma_start3A_248 : memref<1x8x3968xf32, #tpu.memory_space<hbm>> -> memref<8x3968xf32, #tpu.memory_space<hbm>>
      tpu.enqueue_dma source(%dma_start3A_249 : memref<8x3968xf32, #tpu.memory_space<hbm>>) target(%dma_start3A_246 : memref<8x3968xf32, #tpu.memory_space<vmem_shared>>) target_semaphore(%run_scoped3A_243 : memref<!tpu.dma_semaphore, #tpu.memory_space<semaphore_mem>>)
      %dma_wait3A_250 = arith.constant 0 : i32
      %dma_wait3A_251 = tpu.memref_slice %arg4[%run_scoped3A, %mul3A_4, %dma_wait3A_250] : memref<2x128x3968xf32, #tpu.memory_space<vmem_shared>> -> memref<1x8x3968xf32, #tpu.memory_space<vmem_shared>>
      %dma_wait3A_252 = tpu.memref_squeeze %dma_wait3A_251 : memref<1x8x3968xf32, #tpu.memory_space<vmem_shared>> -> memref<8x3968xf32, #tpu.memory_space<vmem_shared>>
      %dma_wait3A_253 = arith.constant 0 : i32
      %dma_wait3A_254 = tpu.memref_slice %arg2[%mul3A_0, %mul3A_2, %dma_wait3A_253] : memref<16x128x3968xf32, #tpu.memory_space<hbm>> -> memref<1x8x3968xf32, #tpu.memory_space<hbm>>
      %dma_wait3A_255 = tpu.memref_squeeze %dma_wait3A_254 : memref<1x8x3968xf32, #tpu.memory_space<hbm>> -> memref<8x3968xf32, #tpu.memory_space<hbm>>
      tpu.wait_dma2 semaphore(%run_scoped3A_243 : memref<!tpu.dma_semaphore, #tpu.memory_space<semaphore_mem>>) src(%dma_wait3A_255 : memref<8x3968xf32, #tpu.memory_space<hbm>>) dst(%dma_wait3A_252 : memref<8x3968xf32, #tpu.memory_space<vmem_shared>>)
      tpu.yield
    }) : () -> ()
    %barrier3A = arith.constant 0 : index
    tpu.barrier barrier_id(%barrier3A)
    %add3A = arith.constant 0 : i32
    %add3A_5 = arith.addi %mul3A_0, %add3A : i32
    %add3A_6 = arith.constant 1 : i32
    %add3A_7 = arith.addi %add3A_5, %add3A_6 : i32
    %mul3A_8 = arith.constant 8 : i32
    %mul3A_9 = arith.muli %arg1, %mul3A_8 : i32
    %mul3A_10 = arith.constant 8 : i32
    %mul3A_11 = arith.muli %arg1, %mul3A_10 : i32
    %dma_start3A = arith.constant 1 : i32
    %dma_start3A_12 = arith.constant 0 : i32
    %dma_start3A_13 = tpu.memref_slice %arg4[%dma_start3A, %mul3A_11, %dma_start3A_12] : memref<2x128x3968xf32, #tpu.memory_space<vmem_shared>> -> memref<1x8x3968xf32, #tpu.memory_space<vmem_shared>>
    %dma_start3A_14 = tpu.memref_squeeze %dma_start3A_13 : memref<1x8x3968xf32, #tpu.memory_space<vmem_shared>> -> memref<8x3968xf32, #tpu.memory_space<vmem_shared>>
    %dma_start3A_15 = arith.constant 0 : i32
    %dma_start3A_16 = tpu.memref_slice %arg2[%add3A_7, %mul3A_9, %dma_start3A_15] : memref<16x128x3968xf32, #tpu.memory_space<hbm>> -> memref<1x8x3968xf32, #tpu.memory_space<hbm>>
    %dma_start3A_17 = tpu.memref_squeeze %dma_start3A_16 : memref<1x8x3968xf32, #tpu.memory_space<hbm>> -> memref<8x3968xf32, #tpu.memory_space<hbm>>
    tpu.enqueue_dma source(%dma_start3A_17 : memref<8x3968xf32, #tpu.memory_space<hbm>>) target(%dma_start3A_14 : memref<8x3968xf32, #tpu.memory_space<vmem_shared>>) target_semaphore(%arg5 : memref<!tpu.dma_semaphore, #tpu.memory_space<semaphore_mem>>)
    %sub3A = arith.constant 15 : i32
    %sub3A_18 = arith.subi %sub3A, %arg1 : i32
    %mul3A_19 = arith.constant 128 : i32
    %mul3A_20 = arith.muli %mul3A_19, %sub3A_18 : i32
    %add3A_21 = arith.constant 0 : i32
    %add3A_22 = arith.addi %mul3A_0, %add3A_21 : i32
    %mul3A_23 = arith.constant 128 : i32
    %mul3A_24 = arith.muli %mul3A_23, %arg1 : i32
    %run_scoped3A_25 = arith.constant 0 : i32
    %run_scoped3A_26 = arith.constant 0 : i32
    "tpu.region"() ({
      %run_scoped3A_243 = tpu.sem_alloc : memref<!tpu.dma_semaphore, #tpu.memory_space<semaphore_mem>>
      %dma_start3A_244 = arith.constant 0 : i32
      %dma_start3A_245 = tpu.memref_slice %arg3[%run_scoped3A_26, %add3A_22, %mul3A_24, %dma_start3A_244] : memref<1x16x2048x2048xf32, #tpu.memory_space<hbm>> -> memref<1x1x128x2048xf32, #tpu.memory_space<hbm>>
      %dma_start3A_246 = tpu.memref_squeeze %dma_start3A_245 : memref<1x1x128x2048xf32, #tpu.memory_space<hbm>> -> memref<128x2048xf32, #tpu.memory_space<hbm>>
      %dma_start3A_247 = arith.constant 0 : i32
      %dma_start3A_248 = tpu.memref_slice %arg4[%run_scoped3A_25, %dma_start3A_247, %mul3A_20] : memref<2x128x3968xf32, #tpu.memory_space<vmem_shared>> -> memref<1x128x2048xf32, #tpu.memory_space<vmem_shared>>
      %dma_start3A_249 = tpu.memref_squeeze %dma_start3A_248 : memref<1x128x2048xf32, #tpu.memory_space<vmem_shared>> -> memref<128x2048xf32, #tpu.memory_space<vmem_shared>>
      tpu.enqueue_dma source(%dma_start3A_249 : memref<128x2048xf32, #tpu.memory_space<vmem_shared>>) target(%dma_start3A_246 : memref<128x2048xf32, #tpu.memory_space<hbm>>) target_semaphore(%run_scoped3A_243 : memref<!tpu.dma_semaphore, #tpu.memory_space<semaphore_mem>>)
      %dma_wait3A_250 = arith.constant 0 : i32
      %dma_wait3A_251 = tpu.memref_slice %arg3[%run_scoped3A_26, %add3A_22, %mul3A_24, %dma_wait3A_250] : memref<1x16x2048x2048xf32, #tpu.memory_space<hbm>> -> memref<1x1x128x2048xf32, #tpu.memory_space<hbm>>
      %dma_wait3A_252 = tpu.memref_squeeze %dma_wait3A_251 : memref<1x1x128x2048xf32, #tpu.memory_space<hbm>> -> memref<128x2048xf32, #tpu.memory_space<hbm>>
      %dma_wait3A_253 = arith.constant 0 : i32
      %dma_wait3A_254 = tpu.memref_slice %arg4[%run_scoped3A_25, %dma_wait3A_253, %mul3A_20] : memref<2x128x3968xf32, #tpu.memory_space<vmem_shared>> -> memref<1x128x2048xf32, #tpu.memory_space<vmem_shared>>
      %dma_wait3A_255 = tpu.memref_squeeze %dma_wait3A_254 : memref<1x128x2048xf32, #tpu.memory_space<vmem_shared>> -> memref<128x2048xf32, #tpu.memory_space<vmem_shared>>
      tpu.wait_dma2 semaphore(%run_scoped3A_243 : memref<!tpu.dma_semaphore, #tpu.memory_space<semaphore_mem>>) src(%dma_wait3A_255 : memref<128x2048xf32, #tpu.memory_space<vmem_shared>>) dst(%dma_wait3A_252 : memref<128x2048xf32, #tpu.memory_space<hbm>>)
      tpu.yield
    }) : () -> ()
    %dma_wait3A = arith.constant 1 : i32
    %dma_wait3A_27 = arith.constant 0 : i32
    %dma_wait3A_28 = tpu.memref_slice %arg4[%dma_wait3A, %mul3A_11, %dma_wait3A_27] : memref<2x128x3968xf32, #tpu.memory_space<vmem_shared>> -> memref<1x8x3968xf32, #tpu.memory_space<vmem_shared>>
    %dma_wait3A_29 = tpu.memref_squeeze %dma_wait3A_28 : memref<1x8x3968xf32, #tpu.memory_space<vmem_shared>> -> memref<8x3968xf32, #tpu.memory_space<vmem_shared>>
    %dma_wait3A_30 = arith.constant 0 : i32
    %dma_wait3A_31 = tpu.memref_slice %arg2[%add3A_7, %mul3A_9, %dma_wait3A_30] : memref<16x128x3968xf32, #tpu.memory_space<hbm>> -> memref<1x8x3968xf32, #tpu.memory_space<hbm>>
    %dma_wait3A_32 = tpu.memref_squeeze %dma_wait3A_31 : memref<1x8x3968xf32, #tpu.memory_space<hbm>> -> memref<8x3968xf32, #tpu.memory_space<hbm>>
    tpu.wait_dma2 semaphore(%arg5 : memref<!tpu.dma_semaphore, #tpu.memory_space<semaphore_mem>>) src(%dma_wait3A_32 : memref<8x3968xf32, #tpu.memory_space<hbm>>) dst(%dma_wait3A_29 : memref<8x3968xf32, #tpu.memory_space<vmem_shared>>)
    %barrier3A_33 = arith.constant 0 : index
    tpu.barrier barrier_id(%barrier3A_33)
    %add3A_34 = arith.constant 1 : i32
    %add3A_35 = arith.addi %mul3A_0, %add3A_34 : i32
    %add3A_36 = arith.constant 1 : i32
    %add3A_37 = arith.addi %add3A_35, %add3A_36 : i32
    %mul3A_38 = arith.constant 8 : i32
    %mul3A_39 = arith.muli %arg1, %mul3A_38 : i32
    %mul3A_40 = arith.constant 8 : i32
    %mul3A_41 = arith.muli %arg1, %mul3A_40 : i32
    %dma_start3A_42 = arith.constant 0 : i32
    %dma_start3A_43 = arith.constant 0 : i32
    %dma_start3A_44 = tpu.memref_slice %arg4[%dma_start3A_42, %mul3A_41, %dma_start3A_43] : memref<2x128x3968xf32, #tpu.memory_space<vmem_shared>> -> memref<1x8x3968xf32, #tpu.memory_space<vmem_shared>>
    %dma_start3A_45 = tpu.memref_squeeze %dma_start3A_44 : memref<1x8x3968xf32, #tpu.memory_space<vmem_shared>> -> memref<8x3968xf32, #tpu.memory_space<vmem_shared>>
    %dma_start3A_46 = arith.constant 0 : i32
    %dma_start3A_47 = tpu.memref_slice %arg2[%add3A_37, %mul3A_39, %dma_start3A_46] : memref<16x128x3968xf32, #tpu.memory_space<hbm>> -> memref<1x8x3968xf32, #tpu.memory_space<hbm>>
    %dma_start3A_48 = tpu.memref_squeeze %dma_start3A_47 : memref<1x8x3968xf32, #tpu.memory_space<hbm>> -> memref<8x3968xf32, #tpu.memory_space<hbm>>
    tpu.enqueue_dma source(%dma_start3A_48 : memref<8x3968xf32, #tpu.memory_space<hbm>>) target(%dma_start3A_45 : memref<8x3968xf32, #tpu.memory_space<vmem_shared>>) target_semaphore(%arg5 : memref<!tpu.dma_semaphore, #tpu.memory_space<semaphore_mem>>)
    %sub3A_49 = arith.constant 15 : i32
    %sub3A_50 = arith.subi %sub3A_49, %arg1 : i32
    %mul3A_51 = arith.constant 128 : i32
    %mul3A_52 = arith.muli %mul3A_51, %sub3A_50 : i32
    %add3A_53 = arith.constant 1 : i32
    %add3A_54 = arith.addi %mul3A_0, %add3A_53 : i32
    %mul3A_55 = arith.constant 128 : i32
    %mul3A_56 = arith.muli %mul3A_55, %arg1 : i32
    %run_scoped3A_57 = arith.constant 1 : i32
    %run_scoped3A_58 = arith.constant 0 : i32
    "tpu.region"() ({
      %run_scoped3A_243 = tpu.sem_alloc : memref<!tpu.dma_semaphore, #tpu.memory_space<semaphore_mem>>
      %dma_start3A_244 = arith.constant 0 : i32
      %dma_start3A_245 = tpu.memref_slice %arg3[%run_scoped3A_58, %add3A_54, %mul3A_56, %dma_start3A_244] : memref<1x16x2048x2048xf32, #tpu.memory_space<hbm>> -> memref<1x1x128x2048xf32, #tpu.memory_space<hbm>>
      %dma_start3A_246 = tpu.memref_squeeze %dma_start3A_245 : memref<1x1x128x2048xf32, #tpu.memory_space<hbm>> -> memref<128x2048xf32, #tpu.memory_space<hbm>>
      %dma_start3A_247 = arith.constant 0 : i32
      %dma_start3A_248 = tpu.memref_slice %arg4[%run_scoped3A_57, %dma_start3A_247, %mul3A_52] : memref<2x128x3968xf32, #tpu.memory_space<vmem_shared>> -> memref<1x128x2048xf32, #tpu.memory_space<vmem_shared>>
      %dma_start3A_249 = tpu.memref_squeeze %dma_start3A_248 : memref<1x128x2048xf32, #tpu.memory_space<vmem_shared>> -> memref<128x2048xf32, #tpu.memory_space<vmem_shared>>
      tpu.enqueue_dma source(%dma_start3A_249 : memref<128x2048xf32, #tpu.memory_space<vmem_shared>>) target(%dma_start3A_246 : memref<128x2048xf32, #tpu.memory_space<hbm>>) target_semaphore(%run_scoped3A_243 : memref<!tpu.dma_semaphore, #tpu.memory_space<semaphore_mem>>)
      %dma_wait3A_250 = arith.constant 0 : i32
      %dma_wait3A_251 = tpu.memref_slice %arg3[%run_scoped3A_58, %add3A_54, %mul3A_56, %dma_wait3A_250] : memref<1x16x2048x2048xf32, #tpu.memory_space<hbm>> -> memref<1x1x128x2048xf32, #tpu.memory_space<hbm>>
      %dma_wait3A_252 = tpu.memref_squeeze %dma_wait3A_251 : memref<1x1x128x2048xf32, #tpu.memory_space<hbm>> -> memref<128x2048xf32, #tpu.memory_space<hbm>>
      %dma_wait3A_253 = arith.constant 0 : i32
      %dma_wait3A_254 = tpu.memref_slice %arg4[%run_scoped3A_57, %dma_wait3A_253, %mul3A_52] : memref<2x128x3968xf32, #tpu.memory_space<vmem_shared>> -> memref<1x128x2048xf32, #tpu.memory_space<vmem_shared>>
      %dma_wait3A_255 = tpu.memref_squeeze %dma_wait3A_254 : memref<1x128x2048xf32, #tpu.memory_space<vmem_shared>> -> memref<128x2048xf32, #tpu.memory_space<vmem_shared>>
      tpu.wait_dma2 semaphore(%run_scoped3A_243 : memref<!tpu.dma_semaphore, #tpu.memory_space<semaphore_mem>>) src(%dma_wait3A_255 : memref<128x2048xf32, #tpu.memory_space<vmem_shared>>) dst(%dma_wait3A_252 : memref<128x2048xf32, #tpu.memory_space<hbm>>)
      tpu.yield
    }) : () -> ()
    %dma_wait3A_59 = arith.constant 0 : i32
    %dma_wait3A_60 = arith.constant 0 : i32
    %dma_wait3A_61 = tpu.memref_slice %arg4[%dma_wait3A_59, %mul3A_41, %dma_wait3A_60] : memref<2x128x3968xf32, #tpu.memory_space<vmem_shared>> -> memref<1x8x3968xf32, #tpu.memory_space<vmem_shared>>
    %dma_wait3A_62 = tpu.memref_squeeze %dma_wait3A_61 : memref<1x8x3968xf32, #tpu.memory_space<vmem_shared>> -> memref<8x3968xf32, #tpu.memory_space<vmem_shared>>
    %dma_wait3A_63 = arith.constant 0 : i32
    %dma_wait3A_64 = tpu.memref_slice %arg2[%add3A_37, %mul3A_39, %dma_wait3A_63] : memref<16x128x3968xf32, #tpu.memory_space<hbm>> -> memref<1x8x3968xf32, #tpu.memory_space<hbm>>
    %dma_wait3A_65 = tpu.memref_squeeze %dma_wait3A_64 : memref<1x8x3968xf32, #tpu.memory_space<hbm>> -> memref<8x3968xf32, #tpu.memory_space<hbm>>
    tpu.wait_dma2 semaphore(%arg5 : memref<!tpu.dma_semaphore, #tpu.memory_space<semaphore_mem>>) src(%dma_wait3A_65 : memref<8x3968xf32, #tpu.memory_space<hbm>>) dst(%dma_wait3A_62 : memref<8x3968xf32, #tpu.memory_space<vmem_shared>>)
    %barrier3A_66 = arith.constant 0 : index
    tpu.barrier barrier_id(%barrier3A_66)
    %add3A_67 = arith.constant 2 : i32
    %add3A_68 = arith.addi %mul3A_0, %add3A_67 : i32
    %add3A_69 = arith.constant 1 : i32
    %add3A_70 = arith.addi %add3A_68, %add3A_69 : i32
    %mul3A_71 = arith.constant 8 : i32
    %mul3A_72 = arith.muli %arg1, %mul3A_71 : i32
    %mul3A_73 = arith.constant 8 : i32
    %mul3A_74 = arith.muli %arg1, %mul3A_73 : i32
    %dma_start3A_75 = arith.constant 1 : i32
    %dma_start3A_76 = arith.constant 0 : i32
    %dma_start3A_77 = tpu.memref_slice %arg4[%dma_start3A_75, %mul3A_74, %dma_start3A_76] : memref<2x128x3968xf32, #tpu.memory_space<vmem_shared>> -> memref<1x8x3968xf32, #tpu.memory_space<vmem_shared>>
    %dma_start3A_78 = tpu.memref_squeeze %dma_start3A_77 : memref<1x8x3968xf32, #tpu.memory_space<vmem_shared>> -> memref<8x3968xf32, #tpu.memory_space<vmem_shared>>
    %dma_start3A_79 = arith.constant 0 : i32
    %dma_start3A_80 = tpu.memref_slice %arg2[%add3A_70, %mul3A_72, %dma_start3A_79] : memref<16x128x3968xf32, #tpu.memory_space<hbm>> -> memref<1x8x3968xf32, #tpu.memory_space<hbm>>
    %dma_start3A_81 = tpu.memref_squeeze %dma_start3A_80 : memref<1x8x3968xf32, #tpu.memory_space<hbm>> -> memref<8x3968xf32, #tpu.memory_space<hbm>>
    tpu.enqueue_dma source(%dma_start3A_81 : memref<8x3968xf32, #tpu.memory_space<hbm>>) target(%dma_start3A_78 : memref<8x3968xf32, #tpu.memory_space<vmem_shared>>) target_semaphore(%arg5 : memref<!tpu.dma_semaphore, #tpu.memory_space<semaphore_mem>>)
    %sub3A_82 = arith.constant 15 : i32
    %sub3A_83 = arith.subi %sub3A_82, %arg1 : i32
    %mul3A_84 = arith.constant 128 : i32
    %mul3A_85 = arith.muli %mul3A_84, %sub3A_83 : i32
    %add3A_86 = arith.constant 2 : i32
    %add3A_87 = arith.addi %mul3A_0, %add3A_86 : i32
    %mul3A_88 = arith.constant 128 : i32
    %mul3A_89 = arith.muli %mul3A_88, %arg1 : i32
    %run_scoped3A_90 = arith.constant 0 : i32
    %run_scoped3A_91 = arith.constant 0 : i32
    "tpu.region"() ({
      %run_scoped3A_243 = tpu.sem_alloc : memref<!tpu.dma_semaphore, #tpu.memory_space<semaphore_mem>>
      %dma_start3A_244 = arith.constant 0 : i32
      %dma_start3A_245 = tpu.memref_slice %arg3[%run_scoped3A_91, %add3A_87, %mul3A_89, %dma_start3A_244] : memref<1x16x2048x2048xf32, #tpu.memory_space<hbm>> -> memref<1x1x128x2048xf32, #tpu.memory_space<hbm>>
      %dma_start3A_246 = tpu.memref_squeeze %dma_start3A_245 : memref<1x1x128x2048xf32, #tpu.memory_space<hbm>> -> memref<128x2048xf32, #tpu.memory_space<hbm>>
      %dma_start3A_247 = arith.constant 0 : i32
      %dma_start3A_248 = tpu.memref_slice %arg4[%run_scoped3A_90, %dma_start3A_247, %mul3A_85] : memref<2x128x3968xf32, #tpu.memory_space<vmem_shared>> -> memref<1x128x2048xf32, #tpu.memory_space<vmem_shared>>
      %dma_start3A_249 = tpu.memref_squeeze %dma_start3A_248 : memref<1x128x2048xf32, #tpu.memory_space<vmem_shared>> -> memref<128x2048xf32, #tpu.memory_space<vmem_shared>>
      tpu.enqueue_dma source(%dma_start3A_249 : memref<128x2048xf32, #tpu.memory_space<vmem_shared>>) target(%dma_start3A_246 : memref<128x2048xf32, #tpu.memory_space<hbm>>) target_semaphore(%run_scoped3A_243 : memref<!tpu.dma_semaphore, #tpu.memory_space<semaphore_mem>>)
      %dma_wait3A_250 = arith.constant 0 : i32
      %dma_wait3A_251 = tpu.memref_slice %arg3[%run_scoped3A_91, %add3A_87, %mul3A_89, %dma_wait3A_250] : memref<1x16x2048x2048xf32, #tpu.memory_space<hbm>> -> memref<1x1x128x2048xf32, #tpu.memory_space<hbm>>
      %dma_wait3A_252 = tpu.memref_squeeze %dma_wait3A_251 : memref<1x1x128x2048xf32, #tpu.memory_space<hbm>> -> memref<128x2048xf32, #tpu.memory_space<hbm>>
      %dma_wait3A_253 = arith.constant 0 : i32
      %dma_wait3A_254 = tpu.memref_slice %arg4[%run_scoped3A_90, %dma_wait3A_253, %mul3A_85] : memref<2x128x3968xf32, #tpu.memory_space<vmem_shared>> -> memref<1x128x2048xf32, #tpu.memory_space<vmem_shared>>
      %dma_wait3A_255 = tpu.memref_squeeze %dma_wait3A_254 : memref<1x128x2048xf32, #tpu.memory_space<vmem_shared>> -> memref<128x2048xf32, #tpu.memory_space<vmem_shared>>
      tpu.wait_dma2 semaphore(%run_scoped3A_243 : memref<!tpu.dma_semaphore, #tpu.memory_space<semaphore_mem>>) src(%dma_wait3A_255 : memref<128x2048xf32, #tpu.memory_space<vmem_shared>>) dst(%dma_wait3A_252 : memref<128x2048xf32, #tpu.memory_space<hbm>>)
      tpu.yield
    }) : () -> ()
    %dma_wait3A_92 = arith.constant 1 : i32
    %dma_wait3A_93 = arith.constant 0 : i32
    %dma_wait3A_94 = tpu.memref_slice %arg4[%dma_wait3A_92, %mul3A_74, %dma_wait3A_93] : memref<2x128x3968xf32, #tpu.memory_space<vmem_shared>> -> memref<1x8x3968xf32, #tpu.memory_space<vmem_shared>>
    %dma_wait3A_95 = tpu.memref_squeeze %dma_wait3A_94 : memref<1x8x3968xf32, #tpu.memory_space<vmem_shared>> -> memref<8x3968xf32, #tpu.memory_space<vmem_shared>>
    %dma_wait3A_96 = arith.constant 0 : i32
    %dma_wait3A_97 = tpu.memref_slice %arg2[%add3A_70, %mul3A_72, %dma_wait3A_96] : memref<16x128x3968xf32, #tpu.memory_space<hbm>> -> memref<1x8x3968xf32, #tpu.memory_space<hbm>>
    %dma_wait3A_98 = tpu.memref_squeeze %dma_wait3A_97 : memref<1x8x3968xf32, #tpu.memory_space<hbm>> -> memref<8x3968xf32, #tpu.memory_space<hbm>>
    tpu.wait_dma2 semaphore(%arg5 : memref<!tpu.dma_semaphore, #tpu.memory_space<semaphore_mem>>) src(%dma_wait3A_98 : memref<8x3968xf32, #tpu.memory_space<hbm>>) dst(%dma_wait3A_95 : memref<8x3968xf32, #tpu.memory_space<vmem_shared>>)
    %barrier3A_99 = arith.constant 0 : index
    tpu.barrier barrier_id(%barrier3A_99)
    %add3A_100 = arith.constant 3 : i32
    %add3A_101 = arith.addi %mul3A_0, %add3A_100 : i32
    %add3A_102 = arith.constant 1 : i32
    %add3A_103 = arith.addi %add3A_101, %add3A_102 : i32
    %mul3A_104 = arith.constant 8 : i32
    %mul3A_105 = arith.muli %arg1, %mul3A_104 : i32
    %mul3A_106 = arith.constant 8 : i32
    %mul3A_107 = arith.muli %arg1, %mul3A_106 : i32
    %dma_start3A_108 = arith.constant 0 : i32
    %dma_start3A_109 = arith.constant 0 : i32
    %dma_start3A_110 = tpu.memref_slice %arg4[%dma_start3A_108, %mul3A_107, %dma_start3A_109] : memref<2x128x3968xf32, #tpu.memory_space<vmem_shared>> -> memref<1x8x3968xf32, #tpu.memory_space<vmem_shared>>
    %dma_start3A_111 = tpu.memref_squeeze %dma_start3A_110 : memref<1x8x3968xf32, #tpu.memory_space<vmem_shared>> -> memref<8x3968xf32, #tpu.memory_space<vmem_shared>>
    %dma_start3A_112 = arith.constant 0 : i32
    %dma_start3A_113 = tpu.memref_slice %arg2[%add3A_103, %mul3A_105, %dma_start3A_112] : memref<16x128x3968xf32, #tpu.memory_space<hbm>> -> memref<1x8x3968xf32, #tpu.memory_space<hbm>>
    %dma_start3A_114 = tpu.memref_squeeze %dma_start3A_113 : memref<1x8x3968xf32, #tpu.memory_space<hbm>> -> memref<8x3968xf32, #tpu.memory_space<hbm>>
    tpu.enqueue_dma source(%dma_start3A_114 : memref<8x3968xf32, #tpu.memory_space<hbm>>) target(%dma_start3A_111 : memref<8x3968xf32, #tpu.memory_space<vmem_shared>>) target_semaphore(%arg5 : memref<!tpu.dma_semaphore, #tpu.memory_space<semaphore_mem>>)
    %sub3A_115 = arith.constant 15 : i32
    %sub3A_116 = arith.subi %sub3A_115, %arg1 : i32
    %mul3A_117 = arith.constant 128 : i32
    %mul3A_118 = arith.muli %mul3A_117, %sub3A_116 : i32
    %add3A_119 = arith.constant 3 : i32
    %add3A_120 = arith.addi %mul3A_0, %add3A_119 : i32
    %mul3A_121 = arith.constant 128 : i32
    %mul3A_122 = arith.muli %mul3A_121, %arg1 : i32
    %run_scoped3A_123 = arith.constant 1 : i32
    %run_scoped3A_124 = arith.constant 0 : i32
    "tpu.region"() ({
      %run_scoped3A_243 = tpu.sem_alloc : memref<!tpu.dma_semaphore, #tpu.memory_space<semaphore_mem>>
      %dma_start3A_244 = arith.constant 0 : i32
      %dma_start3A_245 = tpu.memref_slice %arg3[%run_scoped3A_124, %add3A_120, %mul3A_122, %dma_start3A_244] : memref<1x16x2048x2048xf32, #tpu.memory_space<hbm>> -> memref<1x1x128x2048xf32, #tpu.memory_space<hbm>>
      %dma_start3A_246 = tpu.memref_squeeze %dma_start3A_245 : memref<1x1x128x2048xf32, #tpu.memory_space<hbm>> -> memref<128x2048xf32, #tpu.memory_space<hbm>>
      %dma_start3A_247 = arith.constant 0 : i32
      %dma_start3A_248 = tpu.memref_slice %arg4[%run_scoped3A_123, %dma_start3A_247, %mul3A_118] : memref<2x128x3968xf32, #tpu.memory_space<vmem_shared>> -> memref<1x128x2048xf32, #tpu.memory_space<vmem_shared>>
      %dma_start3A_249 = tpu.memref_squeeze %dma_start3A_248 : memref<1x128x2048xf32, #tpu.memory_space<vmem_shared>> -> memref<128x2048xf32, #tpu.memory_space<vmem_shared>>
      tpu.enqueue_dma source(%dma_start3A_249 : memref<128x2048xf32, #tpu.memory_space<vmem_shared>>) target(%dma_start3A_246 : memref<128x2048xf32, #tpu.memory_space<hbm>>) target_semaphore(%run_scoped3A_243 : memref<!tpu.dma_semaphore, #tpu.memory_space<semaphore_mem>>)
      %dma_wait3A_250 = arith.constant 0 : i32
      %dma_wait3A_251 = tpu.memref_slice %arg3[%run_scoped3A_124, %add3A_120, %mul3A_122, %dma_wait3A_250] : memref<1x16x2048x2048xf32, #tpu.memory_space<hbm>> -> memref<1x1x128x2048xf32, #tpu.memory_space<hbm>>
      %dma_wait3A_252 = tpu.memref_squeeze %dma_wait3A_251 : memref<1x1x128x2048xf32, #tpu.memory_space<hbm>> -> memref<128x2048xf32, #tpu.memory_space<hbm>>
      %dma_wait3A_253 = arith.constant 0 : i32
      %dma_wait3A_254 = tpu.memref_slice %arg4[%run_scoped3A_123, %dma_wait3A_253, %mul3A_118] : memref<2x128x3968xf32, #tpu.memory_space<vmem_shared>> -> memref<1x128x2048xf32, #tpu.memory_space<vmem_shared>>
      %dma_wait3A_255 = tpu.memref_squeeze %dma_wait3A_254 : memref<1x128x2048xf32, #tpu.memory_space<vmem_shared>> -> memref<128x2048xf32, #tpu.memory_space<vmem_shared>>
      tpu.wait_dma2 semaphore(%run_scoped3A_243 : memref<!tpu.dma_semaphore, #tpu.memory_space<semaphore_mem>>) src(%dma_wait3A_255 : memref<128x2048xf32, #tpu.memory_space<vmem_shared>>) dst(%dma_wait3A_252 : memref<128x2048xf32, #tpu.memory_space<hbm>>)
      tpu.yield
    }) : () -> ()
    %dma_wait3A_125 = arith.constant 0 : i32
    %dma_wait3A_126 = arith.constant 0 : i32
    %dma_wait3A_127 = tpu.memref_slice %arg4[%dma_wait3A_125, %mul3A_107, %dma_wait3A_126] : memref<2x128x3968xf32, #tpu.memory_space<vmem_shared>> -> memref<1x8x3968xf32, #tpu.memory_space<vmem_shared>>
    %dma_wait3A_128 = tpu.memref_squeeze %dma_wait3A_127 : memref<1x8x3968xf32, #tpu.memory_space<vmem_shared>> -> memref<8x3968xf32, #tpu.memory_space<vmem_shared>>
    %dma_wait3A_129 = arith.constant 0 : i32
    %dma_wait3A_130 = tpu.memref_slice %arg2[%add3A_103, %mul3A_105, %dma_wait3A_129] : memref<16x128x3968xf32, #tpu.memory_space<hbm>> -> memref<1x8x3968xf32, #tpu.memory_space<hbm>>
    %dma_wait3A_131 = tpu.memref_squeeze %dma_wait3A_130 : memref<1x8x3968xf32, #tpu.memory_space<hbm>> -> memref<8x3968xf32, #tpu.memory_space<hbm>>
    tpu.wait_dma2 semaphore(%arg5 : memref<!tpu.dma_semaphore, #tpu.memory_space<semaphore_mem>>) src(%dma_wait3A_131 : memref<8x3968xf32, #tpu.memory_space<hbm>>) dst(%dma_wait3A_128 : memref<8x3968xf32, #tpu.memory_space<vmem_shared>>)
    %barrier3A_132 = arith.constant 0 : index
    tpu.barrier barrier_id(%barrier3A_132)
    %add3A_133 = arith.constant 4 : i32
    %add3A_134 = arith.addi %mul3A_0, %add3A_133 : i32
    %add3A_135 = arith.constant 1 : i32
    %add3A_136 = arith.addi %add3A_134, %add3A_135 : i32
    %mul3A_137 = arith.constant 8 : i32
    %mul3A_138 = arith.muli %arg1, %mul3A_137 : i32
    %mul3A_139 = arith.constant 8 : i32
    %mul3A_140 = arith.muli %arg1, %mul3A_139 : i32
    %dma_start3A_141 = arith.constant 1 : i32
    %dma_start3A_142 = arith.constant 0 : i32
    %dma_start3A_143 = tpu.memref_slice %arg4[%dma_start3A_141, %mul3A_140, %dma_start3A_142] : memref<2x128x3968xf32, #tpu.memory_space<vmem_shared>> -> memref<1x8x3968xf32, #tpu.memory_space<vmem_shared>>
    %dma_start3A_144 = tpu.memref_squeeze %dma_start3A_143 : memref<1x8x3968xf32, #tpu.memory_space<vmem_shared>> -> memref<8x3968xf32, #tpu.memory_space<vmem_shared>>
    %dma_start3A_145 = arith.constant 0 : i32
    %dma_start3A_146 = tpu.memref_slice %arg2[%add3A_136, %mul3A_138, %dma_start3A_145] : memref<16x128x3968xf32, #tpu.memory_space<hbm>> -> memref<1x8x3968xf32, #tpu.memory_space<hbm>>
    %dma_start3A_147 = tpu.memref_squeeze %dma_start3A_146 : memref<1x8x3968xf32, #tpu.memory_space<hbm>> -> memref<8x3968xf32, #tpu.memory_space<hbm>>
    tpu.enqueue_dma source(%dma_start3A_147 : memref<8x3968xf32, #tpu.memory_space<hbm>>) target(%dma_start3A_144 : memref<8x3968xf32, #tpu.memory_space<vmem_shared>>) target_semaphore(%arg5 : memref<!tpu.dma_semaphore, #tpu.memory_space<semaphore_mem>>)
    %sub3A_148 = arith.constant 15 : i32
    %sub3A_149 = arith.subi %sub3A_148, %arg1 : i32
    %mul3A_150 = arith.constant 128 : i32
    %mul3A_151 = arith.muli %mul3A_150, %sub3A_149 : i32
    %add3A_152 = arith.constant 4 : i32
    %add3A_153 = arith.addi %mul3A_0, %add3A_152 : i32
    %mul3A_154 = arith.constant 128 : i32
    %mul3A_155 = arith.muli %mul3A_154, %arg1 : i32
    %run_scoped3A_156 = arith.constant 0 : i32
    %run_scoped3A_157 = arith.constant 0 : i32
    "tpu.region"() ({
      %run_scoped3A_243 = tpu.sem_alloc : memref<!tpu.dma_semaphore, #tpu.memory_space<semaphore_mem>>
      %dma_start3A_244 = arith.constant 0 : i32
      %dma_start3A_245 = tpu.memref_slice %arg3[%run_scoped3A_157, %add3A_153, %mul3A_155, %dma_start3A_244] : memref<1x16x2048x2048xf32, #tpu.memory_space<hbm>> -> memref<1x1x128x2048xf32, #tpu.memory_space<hbm>>
      %dma_start3A_246 = tpu.memref_squeeze %dma_start3A_245 : memref<1x1x128x2048xf32, #tpu.memory_space<hbm>> -> memref<128x2048xf32, #tpu.memory_space<hbm>>
      %dma_start3A_247 = arith.constant 0 : i32
      %dma_start3A_248 = tpu.memref_slice %arg4[%run_scoped3A_156, %dma_start3A_247, %mul3A_151] : memref<2x128x3968xf32, #tpu.memory_space<vmem_shared>> -> memref<1x128x2048xf32, #tpu.memory_space<vmem_shared>>
      %dma_start3A_249 = tpu.memref_squeeze %dma_start3A_248 : memref<1x128x2048xf32, #tpu.memory_space<vmem_shared>> -> memref<128x2048xf32, #tpu.memory_space<vmem_shared>>
      tpu.enqueue_dma source(%dma_start3A_249 : memref<128x2048xf32, #tpu.memory_space<vmem_shared>>) target(%dma_start3A_246 : memref<128x2048xf32, #tpu.memory_space<hbm>>) target_semaphore(%run_scoped3A_243 : memref<!tpu.dma_semaphore, #tpu.memory_space<semaphore_mem>>)
      %dma_wait3A_250 = arith.constant 0 : i32
      %dma_wait3A_251 = tpu.memref_slice %arg3[%run_scoped3A_157, %add3A_153, %mul3A_155, %dma_wait3A_250] : memref<1x16x2048x2048xf32, #tpu.memory_space<hbm>> -> memref<1x1x128x2048xf32, #tpu.memory_space<hbm>>
      %dma_wait3A_252 = tpu.memref_squeeze %dma_wait3A_251 : memref<1x1x128x2048xf32, #tpu.memory_space<hbm>> -> memref<128x2048xf32, #tpu.memory_space<hbm>>
      %dma_wait3A_253 = arith.constant 0 : i32
      %dma_wait3A_254 = tpu.memref_slice %arg4[%run_scoped3A_156, %dma_wait3A_253, %mul3A_151] : memref<2x128x3968xf32, #tpu.memory_space<vmem_shared>> -> memref<1x128x2048xf32, #tpu.memory_space<vmem_shared>>
      %dma_wait3A_255 = tpu.memref_squeeze %dma_wait3A_254 : memref<1x128x2048xf32, #tpu.memory_space<vmem_shared>> -> memref<128x2048xf32, #tpu.memory_space<vmem_shared>>
      tpu.wait_dma2 semaphore(%run_scoped3A_243 : memref<!tpu.dma_semaphore, #tpu.memory_space<semaphore_mem>>) src(%dma_wait3A_255 : memref<128x2048xf32, #tpu.memory_space<vmem_shared>>) dst(%dma_wait3A_252 : memref<128x2048xf32, #tpu.memory_space<hbm>>)
      tpu.yield
    }) : () -> ()
    %dma_wait3A_158 = arith.constant 1 : i32
    %dma_wait3A_159 = arith.constant 0 : i32
    %dma_wait3A_160 = tpu.memref_slice %arg4[%dma_wait3A_158, %mul3A_140, %dma_wait3A_159] : memref<2x128x3968xf32, #tpu.memory_space<vmem_shared>> -> memref<1x8x3968xf32, #tpu.memory_space<vmem_shared>>
    %dma_wait3A_161 = tpu.memref_squeeze %dma_wait3A_160 : memref<1x8x3968xf32, #tpu.memory_space<vmem_shared>> -> memref<8x3968xf32, #tpu.memory_space<vmem_shared>>
    %dma_wait3A_162 = arith.constant 0 : i32
    %dma_wait3A_163 = tpu.memref_slice %arg2[%add3A_136, %mul3A_138, %dma_wait3A_162] : memref<16x128x3968xf32, #tpu.memory_space<hbm>> -> memref<1x8x3968xf32, #tpu.memory_space<hbm>>
    %dma_wait3A_164 = tpu.memref_squeeze %dma_wait3A_163 : memref<1x8x3968xf32, #tpu.memory_space<hbm>> -> memref<8x3968xf32, #tpu.memory_space<hbm>>
    tpu.wait_dma2 semaphore(%arg5 : memref<!tpu.dma_semaphore, #tpu.memory_space<semaphore_mem>>) src(%dma_wait3A_164 : memref<8x3968xf32, #tpu.memory_space<hbm>>) dst(%dma_wait3A_161 : memref<8x3968xf32, #tpu.memory_space<vmem_shared>>)
    %barrier3A_165 = arith.constant 0 : index
    tpu.barrier barrier_id(%barrier3A_165)
    %add3A_166 = arith.constant 5 : i32
    %add3A_167 = arith.addi %mul3A_0, %add3A_166 : i32
    %add3A_168 = arith.constant 1 : i32
    %add3A_169 = arith.addi %add3A_167, %add3A_168 : i32
    %mul3A_170 = arith.constant 8 : i32
    %mul3A_171 = arith.muli %arg1, %mul3A_170 : i32
    %mul3A_172 = arith.constant 8 : i32
    %mul3A_173 = arith.muli %arg1, %mul3A_172 : i32
    %dma_start3A_174 = arith.constant 0 : i32
    %dma_start3A_175 = arith.constant 0 : i32
    %dma_start3A_176 = tpu.memref_slice %arg4[%dma_start3A_174, %mul3A_173, %dma_start3A_175] : memref<2x128x3968xf32, #tpu.memory_space<vmem_shared>> -> memref<1x8x3968xf32, #tpu.memory_space<vmem_shared>>
    %dma_start3A_177 = tpu.memref_squeeze %dma_start3A_176 : memref<1x8x3968xf32, #tpu.memory_space<vmem_shared>> -> memref<8x3968xf32, #tpu.memory_space<vmem_shared>>
    %dma_start3A_178 = arith.constant 0 : i32
    %dma_start3A_179 = tpu.memref_slice %arg2[%add3A_169, %mul3A_171, %dma_start3A_178] : memref<16x128x3968xf32, #tpu.memory_space<hbm>> -> memref<1x8x3968xf32, #tpu.memory_space<hbm>>
    %dma_start3A_180 = tpu.memref_squeeze %dma_start3A_179 : memref<1x8x3968xf32, #tpu.memory_space<hbm>> -> memref<8x3968xf32, #tpu.memory_space<hbm>>
    tpu.enqueue_dma source(%dma_start3A_180 : memref<8x3968xf32, #tpu.memory_space<hbm>>) target(%dma_start3A_177 : memref<8x3968xf32, #tpu.memory_space<vmem_shared>>) target_semaphore(%arg5 : memref<!tpu.dma_semaphore, #tpu.memory_space<semaphore_mem>>)
    %sub3A_181 = arith.constant 15 : i32
    %sub3A_182 = arith.subi %sub3A_181, %arg1 : i32
    %mul3A_183 = arith.constant 128 : i32
    %mul3A_184 = arith.muli %mul3A_183, %sub3A_182 : i32
    %add3A_185 = arith.constant 5 : i32
    %add3A_186 = arith.addi %mul3A_0, %add3A_185 : i32
    %mul3A_187 = arith.constant 128 : i32
    %mul3A_188 = arith.muli %mul3A_187, %arg1 : i32
    %run_scoped3A_189 = arith.constant 1 : i32
    %run_scoped3A_190 = arith.constant 0 : i32
    "tpu.region"() ({
      %run_scoped3A_243 = tpu.sem_alloc : memref<!tpu.dma_semaphore, #tpu.memory_space<semaphore_mem>>
      %dma_start3A_244 = arith.constant 0 : i32
      %dma_start3A_245 = tpu.memref_slice %arg3[%run_scoped3A_190, %add3A_186, %mul3A_188, %dma_start3A_244] : memref<1x16x2048x2048xf32, #tpu.memory_space<hbm>> -> memref<1x1x128x2048xf32, #tpu.memory_space<hbm>>
      %dma_start3A_246 = tpu.memref_squeeze %dma_start3A_245 : memref<1x1x128x2048xf32, #tpu.memory_space<hbm>> -> memref<128x2048xf32, #tpu.memory_space<hbm>>
      %dma_start3A_247 = arith.constant 0 : i32
      %dma_start3A_248 = tpu.memref_slice %arg4[%run_scoped3A_189, %dma_start3A_247, %mul3A_184] : memref<2x128x3968xf32, #tpu.memory_space<vmem_shared>> -> memref<1x128x2048xf32, #tpu.memory_space<vmem_shared>>
      %dma_start3A_249 = tpu.memref_squeeze %dma_start3A_248 : memref<1x128x2048xf32, #tpu.memory_space<vmem_shared>> -> memref<128x2048xf32, #tpu.memory_space<vmem_shared>>
      tpu.enqueue_dma source(%dma_start3A_249 : memref<128x2048xf32, #tpu.memory_space<vmem_shared>>) target(%dma_start3A_246 : memref<128x2048xf32, #tpu.memory_space<hbm>>) target_semaphore(%run_scoped3A_243 : memref<!tpu.dma_semaphore, #tpu.memory_space<semaphore_mem>>)
      %dma_wait3A_250 = arith.constant 0 : i32
      %dma_wait3A_251 = tpu.memref_slice %arg3[%run_scoped3A_190, %add3A_186, %mul3A_188, %dma_wait3A_250] : memref<1x16x2048x2048xf32, #tpu.memory_space<hbm>> -> memref<1x1x128x2048xf32, #tpu.memory_space<hbm>>
      %dma_wait3A_252 = tpu.memref_squeeze %dma_wait3A_251 : memref<1x1x128x2048xf32, #tpu.memory_space<hbm>> -> memref<128x2048xf32, #tpu.memory_space<hbm>>
      %dma_wait3A_253 = arith.constant 0 : i32
      %dma_wait3A_254 = tpu.memref_slice %arg4[%run_scoped3A_189, %dma_wait3A_253, %mul3A_184] : memref<2x128x3968xf32, #tpu.memory_space<vmem_shared>> -> memref<1x128x2048xf32, #tpu.memory_space<vmem_shared>>
      %dma_wait3A_255 = tpu.memref_squeeze %dma_wait3A_254 : memref<1x128x2048xf32, #tpu.memory_space<vmem_shared>> -> memref<128x2048xf32, #tpu.memory_space<vmem_shared>>
      tpu.wait_dma2 semaphore(%run_scoped3A_243 : memref<!tpu.dma_semaphore, #tpu.memory_space<semaphore_mem>>) src(%dma_wait3A_255 : memref<128x2048xf32, #tpu.memory_space<vmem_shared>>) dst(%dma_wait3A_252 : memref<128x2048xf32, #tpu.memory_space<hbm>>)
      tpu.yield
    }) : () -> ()
    %dma_wait3A_191 = arith.constant 0 : i32
    %dma_wait3A_192 = arith.constant 0 : i32
    %dma_wait3A_193 = tpu.memref_slice %arg4[%dma_wait3A_191, %mul3A_173, %dma_wait3A_192] : memref<2x128x3968xf32, #tpu.memory_space<vmem_shared>> -> memref<1x8x3968xf32, #tpu.memory_space<vmem_shared>>
    %dma_wait3A_194 = tpu.memref_squeeze %dma_wait3A_193 : memref<1x8x3968xf32, #tpu.memory_space<vmem_shared>> -> memref<8x3968xf32, #tpu.memory_space<vmem_shared>>
    %dma_wait3A_195 = arith.constant 0 : i32
    %dma_wait3A_196 = tpu.memref_slice %arg2[%add3A_169, %mul3A_171, %dma_wait3A_195] : memref<16x128x3968xf32, #tpu.memory_space<hbm>> -> memref<1x8x3968xf32, #tpu.memory_space<hbm>>
    %dma_wait3A_197 = tpu.memref_squeeze %dma_wait3A_196 : memref<1x8x3968xf32, #tpu.memory_space<hbm>> -> memref<8x3968xf32, #tpu.memory_space<hbm>>
    tpu.wait_dma2 semaphore(%arg5 : memref<!tpu.dma_semaphore, #tpu.memory_space<semaphore_mem>>) src(%dma_wait3A_197 : memref<8x3968xf32, #tpu.memory_space<hbm>>) dst(%dma_wait3A_194 : memref<8x3968xf32, #tpu.memory_space<vmem_shared>>)
    %barrier3A_198 = arith.constant 0 : index
    tpu.barrier barrier_id(%barrier3A_198)
    %add3A_199 = arith.constant 6 : i32
    %add3A_200 = arith.addi %mul3A_0, %add3A_199 : i32
    %add3A_201 = arith.constant 1 : i32
    %add3A_202 = arith.addi %add3A_200, %add3A_201 : i32
    %mul3A_203 = arith.constant 8 : i32
    %mul3A_204 = arith.muli %arg1, %mul3A_203 : i32
    %mul3A_205 = arith.constant 8 : i32
    %mul3A_206 = arith.muli %arg1, %mul3A_205 : i32
    %dma_start3A_207 = arith.constant 1 : i32
    %dma_start3A_208 = arith.constant 0 : i32
    %dma_start3A_209 = tpu.memref_slice %arg4[%dma_start3A_207, %mul3A_206, %dma_start3A_208] : memref<2x128x3968xf32, #tpu.memory_space<vmem_shared>> -> memref<1x8x3968xf32, #tpu.memory_space<vmem_shared>>
    %dma_start3A_210 = tpu.memref_squeeze %dma_start3A_209 : memref<1x8x3968xf32, #tpu.memory_space<vmem_shared>> -> memref<8x3968xf32, #tpu.memory_space<vmem_shared>>
    %dma_start3A_211 = arith.constant 0 : i32
    %dma_start3A_212 = tpu.memref_slice %arg2[%add3A_202, %mul3A_204, %dma_start3A_211] : memref<16x128x3968xf32, #tpu.memory_space<hbm>> -> memref<1x8x3968xf32, #tpu.memory_space<hbm>>
    %dma_start3A_213 = tpu.memref_squeeze %dma_start3A_212 : memref<1x8x3968xf32, #tpu.memory_space<hbm>> -> memref<8x3968xf32, #tpu.memory_space<hbm>>
    tpu.enqueue_dma source(%dma_start3A_213 : memref<8x3968xf32, #tpu.memory_space<hbm>>) target(%dma_start3A_210 : memref<8x3968xf32, #tpu.memory_space<vmem_shared>>) target_semaphore(%arg5 : memref<!tpu.dma_semaphore, #tpu.memory_space<semaphore_mem>>)
    %sub3A_214 = arith.constant 15 : i32
    %sub3A_215 = arith.subi %sub3A_214, %arg1 : i32
    %mul3A_216 = arith.constant 128 : i32
    %mul3A_217 = arith.muli %mul3A_216, %sub3A_215 : i32
    %add3A_218 = arith.constant 6 : i32
    %add3A_219 = arith.addi %mul3A_0, %add3A_218 : i32
    %mul3A_220 = arith.constant 128 : i32
    %mul3A_221 = arith.muli %mul3A_220, %arg1 : i32
    %run_scoped3A_222 = arith.constant 0 : i32
    %run_scoped3A_223 = arith.constant 0 : i32
    "tpu.region"() ({
      %run_scoped3A_243 = tpu.sem_alloc : memref<!tpu.dma_semaphore, #tpu.memory_space<semaphore_mem>>
      %dma_start3A_244 = arith.constant 0 : i32
      %dma_start3A_245 = tpu.memref_slice %arg3[%run_scoped3A_223, %add3A_219, %mul3A_221, %dma_start3A_244] : memref<1x16x2048x2048xf32, #tpu.memory_space<hbm>> -> memref<1x1x128x2048xf32, #tpu.memory_space<hbm>>
      %dma_start3A_246 = tpu.memref_squeeze %dma_start3A_245 : memref<1x1x128x2048xf32, #tpu.memory_space<hbm>> -> memref<128x2048xf32, #tpu.memory_space<hbm>>
      %dma_start3A_247 = arith.constant 0 : i32
      %dma_start3A_248 = tpu.memref_slice %arg4[%run_scoped3A_222, %dma_start3A_247, %mul3A_217] : memref<2x128x3968xf32, #tpu.memory_space<vmem_shared>> -> memref<1x128x2048xf32, #tpu.memory_space<vmem_shared>>
      %dma_start3A_249 = tpu.memref_squeeze %dma_start3A_248 : memref<1x128x2048xf32, #tpu.memory_space<vmem_shared>> -> memref<128x2048xf32, #tpu.memory_space<vmem_shared>>
      tpu.enqueue_dma source(%dma_start3A_249 : memref<128x2048xf32, #tpu.memory_space<vmem_shared>>) target(%dma_start3A_246 : memref<128x2048xf32, #tpu.memory_space<hbm>>) target_semaphore(%run_scoped3A_243 : memref<!tpu.dma_semaphore, #tpu.memory_space<semaphore_mem>>)
      %dma_wait3A_250 = arith.constant 0 : i32
      %dma_wait3A_251 = tpu.memref_slice %arg3[%run_scoped3A_223, %add3A_219, %mul3A_221, %dma_wait3A_250] : memref<1x16x2048x2048xf32, #tpu.memory_space<hbm>> -> memref<1x1x128x2048xf32, #tpu.memory_space<hbm>>
      %dma_wait3A_252 = tpu.memref_squeeze %dma_wait3A_251 : memref<1x1x128x2048xf32, #tpu.memory_space<hbm>> -> memref<128x2048xf32, #tpu.memory_space<hbm>>
      %dma_wait3A_253 = arith.constant 0 : i32
      %dma_wait3A_254 = tpu.memref_slice %arg4[%run_scoped3A_222, %dma_wait3A_253, %mul3A_217] : memref<2x128x3968xf32, #tpu.memory_space<vmem_shared>> -> memref<1x128x2048xf32, #tpu.memory_space<vmem_shared>>
      %dma_wait3A_255 = tpu.memref_squeeze %dma_wait3A_254 : memref<1x128x2048xf32, #tpu.memory_space<vmem_shared>> -> memref<128x2048xf32, #tpu.memory_space<vmem_shared>>
      tpu.wait_dma2 semaphore(%run_scoped3A_243 : memref<!tpu.dma_semaphore, #tpu.memory_space<semaphore_mem>>) src(%dma_wait3A_255 : memref<128x2048xf32, #tpu.memory_space<vmem_shared>>) dst(%dma_wait3A_252 : memref<128x2048xf32, #tpu.memory_space<hbm>>)
      tpu.yield
    }) : () -> ()
    %dma_wait3A_224 = arith.constant 1 : i32
    %dma_wait3A_225 = arith.constant 0 : i32
    %dma_wait3A_226 = tpu.memref_slice %arg4[%dma_wait3A_224, %mul3A_206, %dma_wait3A_225] : memref<2x128x3968xf32, #tpu.memory_space<vmem_shared>> -> memref<1x8x3968xf32, #tpu.memory_space<vmem_shared>>
    %dma_wait3A_227 = tpu.memref_squeeze %dma_wait3A_226 : memref<1x8x3968xf32, #tpu.memory_space<vmem_shared>> -> memref<8x3968xf32, #tpu.memory_space<vmem_shared>>
    %dma_wait3A_228 = arith.constant 0 : i32
    %dma_wait3A_229 = tpu.memref_slice %arg2[%add3A_202, %mul3A_204, %dma_wait3A_228] : memref<16x128x3968xf32, #tpu.memory_space<hbm>> -> memref<1x8x3968xf32, #tpu.memory_space<hbm>>
    %dma_wait3A_230 = tpu.memref_squeeze %dma_wait3A_229 : memref<1x8x3968xf32, #tpu.memory_space<hbm>> -> memref<8x3968xf32, #tpu.memory_space<hbm>>
    tpu.wait_dma2 semaphore(%arg5 : memref<!tpu.dma_semaphore, #tpu.memory_space<semaphore_mem>>) src(%dma_wait3A_230 : memref<8x3968xf32, #tpu.memory_space<hbm>>) dst(%dma_wait3A_227 : memref<8x3968xf32, #tpu.memory_space<vmem_shared>>)
    %barrier3A_231 = arith.constant 0 : index
    tpu.barrier barrier_id(%barrier3A_231)
    %sub3A_232 = arith.constant 15 : i32
    %sub3A_233 = arith.subi %sub3A_232, %arg1 : i32
    %mul3A_234 = arith.constant 128 : i32
    %mul3A_235 = arith.muli %mul3A_234, %sub3A_233 : i32
    %add3A_236 = arith.constant 7 : i32
    %add3A_237 = arith.addi %mul3A_0, %add3A_236 : i32
    %mul3A_238 = arith.constant 128 : i32
    %mul3A_239 = arith.muli %mul3A_238, %arg1 : i32
    %run_scoped3A_240 = arith.constant 1 : i32
    %run_scoped3A_241 = arith.constant 0 : i32
    "tpu.region"() ({
      %run_scoped3A_243 = tpu.sem_alloc : memref<!tpu.dma_semaphore, #tpu.memory_space<semaphore_mem>>
      %dma_start3A_244 = arith.constant 0 : i32
      %dma_start3A_245 = tpu.memref_slice %arg3[%run_scoped3A_241, %add3A_237, %mul3A_239, %dma_start3A_244] : memref<1x16x2048x2048xf32, #tpu.memory_space<hbm>> -> memref<1x1x128x2048xf32, #tpu.memory_space<hbm>>
      %dma_start3A_246 = tpu.memref_squeeze %dma_start3A_245 : memref<1x1x128x2048xf32, #tpu.memory_space<hbm>> -> memref<128x2048xf32, #tpu.memory_space<hbm>>
      %dma_start3A_247 = arith.constant 0 : i32
      %dma_start3A_248 = tpu.memref_slice %arg4[%run_scoped3A_240, %dma_start3A_247, %mul3A_235] : memref<2x128x3968xf32, #tpu.memory_space<vmem_shared>> -> memref<1x128x2048xf32, #tpu.memory_space<vmem_shared>>
      %dma_start3A_249 = tpu.memref_squeeze %dma_start3A_248 : memref<1x128x2048xf32, #tpu.memory_space<vmem_shared>> -> memref<128x2048xf32, #tpu.memory_space<vmem_shared>>
      tpu.enqueue_dma source(%dma_start3A_249 : memref<128x2048xf32, #tpu.memory_space<vmem_shared>>) target(%dma_start3A_246 : memref<128x2048xf32, #tpu.memory_space<hbm>>) target_semaphore(%run_scoped3A_243 : memref<!tpu.dma_semaphore, #tpu.memory_space<semaphore_mem>>)
      %dma_wait3A_250 = arith.constant 0 : i32
      %dma_wait3A_251 = tpu.memref_slice %arg3[%run_scoped3A_241, %add3A_237, %mul3A_239, %dma_wait3A_250] : memref<1x16x2048x2048xf32, #tpu.memory_space<hbm>> -> memref<1x1x128x2048xf32, #tpu.memory_space<hbm>>
      %dma_wait3A_252 = tpu.memref_squeeze %dma_wait3A_251 : memref<1x1x128x2048xf32, #tpu.memory_space<hbm>> -> memref<128x2048xf32, #tpu.memory_space<hbm>>
      %dma_wait3A_253 = arith.constant 0 : i32
      %dma_wait3A_254 = tpu.memref_slice %arg4[%run_scoped3A_240, %dma_wait3A_253, %mul3A_235] : memref<2x128x3968xf32, #tpu.memory_space<vmem_shared>> -> memref<1x128x2048xf32, #tpu.memory_space<vmem_shared>>
      %dma_wait3A_255 = tpu.memref_squeeze %dma_wait3A_254 : memref<1x128x2048xf32, #tpu.memory_space<vmem_shared>> -> memref<128x2048xf32, #tpu.memory_space<vmem_shared>>
      tpu.wait_dma2 semaphore(%run_scoped3A_243 : memref<!tpu.dma_semaphore, #tpu.memory_space<semaphore_mem>>) src(%dma_wait3A_255 : memref<128x2048xf32, #tpu.memory_space<vmem_shared>>) dst(%dma_wait3A_252 : memref<128x2048xf32, #tpu.memory_space<hbm>>)
      tpu.yield
    }) : () -> ()
    %barrier3A_242 = arith.constant 0 : index
    tpu.barrier barrier_id(%barrier3A_242)
    return
  }
}

module attributes {stable_mosaic.version = 14 : i64} {
  func.func @_pack_tc_body(%arg0: memref<16x32xf32, #tpu.memory_space<vmem>>, %arg1: memref<16x128x3968xf32, #tpu.memory_space<vmem>>) attributes {dimension_semantics = [], scalar_prefetch = 0 : i64, scratch_operands = 0 : i64, tpu.core_type = #tpu.core_type<tc>} {
    %iota3A = tpu.iota {dimensions = array<i32: 1>} : vector<16x4096xi32>
    %sub3A = arith.constant 2047 : i32
    %sub3A_0 = vector.broadcast %sub3A : i32 to vector<16x4096xi32>
    %sub3A_1 = arith.subi %iota3A, %sub3A_0 : vector<16x4096xi32>
    %lt3A = arith.constant 0 : i32
    %lt3A_2 = vector.broadcast %lt3A : i32 to vector<16x4096xi32>
    %lt3A_3 = arith.cmpi slt, %sub3A_1, %lt3A_2 : vector<16x4096xi32>
    %abs3A = math.absi %sub3A_1 : vector<16x4096xi32>
    %lt3A_4 = arith.constant 8 : i32
    %lt3A_5 = vector.broadcast %lt3A_4 : i32 to vector<16x4096xi32>
    %lt3A_6 = arith.cmpi slt, %abs3A, %lt3A_5 : vector<16x4096xi32>
    %convert_element_type3A = arith.sitofp %abs3A : vector<16x4096xi32> to vector<16x4096xf32>
    %div3A = arith.constant 8.000000e+00 : f32
    %div3A_7 = vector.broadcast %div3A : f32 to vector<16x4096xf32>
    %div3A_8 = arith.divf %convert_element_type3A, %div3A_7 : vector<16x4096xf32>
    %log3A = math.log %div3A_8 : vector<16x4096xf32>
    %div3A_9 = arith.constant 2.77258873 : f32
    %div3A_10 = vector.broadcast %div3A_9 : f32 to vector<16x4096xf32>
    %div3A_11 = arith.divf %log3A, %div3A_10 : vector<16x4096xf32>
    %mul3A = arith.constant 8.000000e+00 : f32
    %mul3A_12 = vector.broadcast %mul3A : f32 to vector<16x4096xf32>
    %mul3A_13 = arith.mulf %div3A_11, %mul3A_12 : vector<16x4096xf32>
    %convert_element_type3A_14 = arith.fptosi %mul3A_13 : vector<16x4096xf32> to vector<16x4096xi32>
    %add3A = arith.constant 8 : i32
    %add3A_15 = vector.broadcast %add3A : i32 to vector<16x4096xi32>
    %add3A_16 = arith.addi %add3A_15, %convert_element_type3A_14 : vector<16x4096xi32>
    %min3A = arith.constant 15 : i32
    %min3A_17 = vector.broadcast %min3A : i32 to vector<16x4096xi32>
    %min3A_18 = arith.minsi %add3A_16, %min3A_17 : vector<16x4096xi32>
    %jit3A = arith.constant 16 : i32
    %jit3A_19 = arith.constant 0 : i32
    %broadcast_in_dim3A = vector.broadcast %jit3A : i32 to vector<16x4096xi32>
    %broadcast_in_dim3A_20 = vector.broadcast %jit3A_19 : i32 to vector<16x4096xi32>
    %select_n3A = arith.select %lt3A_3, %broadcast_in_dim3A, %broadcast_in_dim3A_20 : vector<16x4096xi1>, vector<16x4096xi32>
    %select_n3A_21 = arith.select %lt3A_6, %abs3A, %min3A_18 : vector<16x4096xi1>, vector<16x4096xi32>
    %add3A_22 = arith.addi %select_n3A, %select_n3A_21 : vector<16x4096xi32>
    %broadcast_in_dim3A_23 = arith.constant 0.000000e+00 : f32
    %broadcast_in_dim3A_24 = vector.broadcast %broadcast_in_dim3A_23 : f32 to vector<16x4096xf32>
    %eq3A = arith.constant 0 : i32
    %eq3A_25 = vector.broadcast %eq3A : i32 to vector<16x4096xi32>
    %eq3A_26 = arith.cmpi eq, %add3A_22, %eq3A_25 : vector<16x4096xi32>
    %get3A = arith.constant 0 : index
    %get3A_27 = arith.constant 0 : index
    %get3A_28 = vector.load %arg0[%get3A, %get3A_27] : memref<16x32xf32, #tpu.memory_space<vmem>>, vector<16x1xf32>
    %broadcast_in_dim3A_29 = vector.shape_cast %get3A_28 : vector<16x1xf32> to vector<16x1xf32>
    %broadcast_in_dim3A_30 = vector.broadcast %broadcast_in_dim3A_29 : vector<16x1xf32> to vector<16x4096xf32>
    %select_n3A_31 = arith.select %eq3A_26, %broadcast_in_dim3A_30, %broadcast_in_dim3A_24 : vector<16x4096xi1>, vector<16x4096xf32>
    %eq3A_32 = arith.constant 1 : i32
    %eq3A_33 = vector.broadcast %eq3A_32 : i32 to vector<16x4096xi32>
    %eq3A_34 = arith.cmpi eq, %add3A_22, %eq3A_33 : vector<16x4096xi32>
    %get3A_35 = arith.constant 0 : index
    %get3A_36 = arith.constant 1 : index
    %get3A_37 = vector.load %arg0[%get3A_35, %get3A_36] : memref<16x32xf32, #tpu.memory_space<vmem>>, vector<16x1xf32>
    %broadcast_in_dim3A_38 = vector.shape_cast %get3A_37 : vector<16x1xf32> to vector<16x1xf32>
    %broadcast_in_dim3A_39 = vector.broadcast %broadcast_in_dim3A_38 : vector<16x1xf32> to vector<16x4096xf32>
    %select_n3A_40 = arith.select %eq3A_34, %broadcast_in_dim3A_39, %select_n3A_31 : vector<16x4096xi1>, vector<16x4096xf32>
    %eq3A_41 = arith.constant 2 : i32
    %eq3A_42 = vector.broadcast %eq3A_41 : i32 to vector<16x4096xi32>
    %eq3A_43 = arith.cmpi eq, %add3A_22, %eq3A_42 : vector<16x4096xi32>
    %get3A_44 = arith.constant 0 : index
    %get3A_45 = arith.constant 2 : index
    %get3A_46 = vector.load %arg0[%get3A_44, %get3A_45] : memref<16x32xf32, #tpu.memory_space<vmem>>, vector<16x1xf32>
    %broadcast_in_dim3A_47 = vector.shape_cast %get3A_46 : vector<16x1xf32> to vector<16x1xf32>
    %broadcast_in_dim3A_48 = vector.broadcast %broadcast_in_dim3A_47 : vector<16x1xf32> to vector<16x4096xf32>
    %select_n3A_49 = arith.select %eq3A_43, %broadcast_in_dim3A_48, %select_n3A_40 : vector<16x4096xi1>, vector<16x4096xf32>
    %eq3A_50 = arith.constant 3 : i32
    %eq3A_51 = vector.broadcast %eq3A_50 : i32 to vector<16x4096xi32>
    %eq3A_52 = arith.cmpi eq, %add3A_22, %eq3A_51 : vector<16x4096xi32>
    %get3A_53 = arith.constant 0 : index
    %get3A_54 = arith.constant 3 : index
    %get3A_55 = vector.load %arg0[%get3A_53, %get3A_54] : memref<16x32xf32, #tpu.memory_space<vmem>>, vector<16x1xf32>
    %broadcast_in_dim3A_56 = vector.shape_cast %get3A_55 : vector<16x1xf32> to vector<16x1xf32>
    %broadcast_in_dim3A_57 = vector.broadcast %broadcast_in_dim3A_56 : vector<16x1xf32> to vector<16x4096xf32>
    %select_n3A_58 = arith.select %eq3A_52, %broadcast_in_dim3A_57, %select_n3A_49 : vector<16x4096xi1>, vector<16x4096xf32>
    %eq3A_59 = arith.constant 4 : i32
    %eq3A_60 = vector.broadcast %eq3A_59 : i32 to vector<16x4096xi32>
    %eq3A_61 = arith.cmpi eq, %add3A_22, %eq3A_60 : vector<16x4096xi32>
    %get3A_62 = arith.constant 0 : index
    %get3A_63 = arith.constant 4 : index
    %get3A_64 = vector.load %arg0[%get3A_62, %get3A_63] : memref<16x32xf32, #tpu.memory_space<vmem>>, vector<16x1xf32>
    %broadcast_in_dim3A_65 = vector.shape_cast %get3A_64 : vector<16x1xf32> to vector<16x1xf32>
    %broadcast_in_dim3A_66 = vector.broadcast %broadcast_in_dim3A_65 : vector<16x1xf32> to vector<16x4096xf32>
    %select_n3A_67 = arith.select %eq3A_61, %broadcast_in_dim3A_66, %select_n3A_58 : vector<16x4096xi1>, vector<16x4096xf32>
    %eq3A_68 = arith.constant 5 : i32
    %eq3A_69 = vector.broadcast %eq3A_68 : i32 to vector<16x4096xi32>
    %eq3A_70 = arith.cmpi eq, %add3A_22, %eq3A_69 : vector<16x4096xi32>
    %get3A_71 = arith.constant 0 : index
    %get3A_72 = arith.constant 5 : index
    %get3A_73 = vector.load %arg0[%get3A_71, %get3A_72] : memref<16x32xf32, #tpu.memory_space<vmem>>, vector<16x1xf32>
    %broadcast_in_dim3A_74 = vector.shape_cast %get3A_73 : vector<16x1xf32> to vector<16x1xf32>
    %broadcast_in_dim3A_75 = vector.broadcast %broadcast_in_dim3A_74 : vector<16x1xf32> to vector<16x4096xf32>
    %select_n3A_76 = arith.select %eq3A_70, %broadcast_in_dim3A_75, %select_n3A_67 : vector<16x4096xi1>, vector<16x4096xf32>
    %eq3A_77 = arith.constant 6 : i32
    %eq3A_78 = vector.broadcast %eq3A_77 : i32 to vector<16x4096xi32>
    %eq3A_79 = arith.cmpi eq, %add3A_22, %eq3A_78 : vector<16x4096xi32>
    %get3A_80 = arith.constant 0 : index
    %get3A_81 = arith.constant 6 : index
    %get3A_82 = vector.load %arg0[%get3A_80, %get3A_81] : memref<16x32xf32, #tpu.memory_space<vmem>>, vector<16x1xf32>
    %broadcast_in_dim3A_83 = vector.shape_cast %get3A_82 : vector<16x1xf32> to vector<16x1xf32>
    %broadcast_in_dim3A_84 = vector.broadcast %broadcast_in_dim3A_83 : vector<16x1xf32> to vector<16x4096xf32>
    %select_n3A_85 = arith.select %eq3A_79, %broadcast_in_dim3A_84, %select_n3A_76 : vector<16x4096xi1>, vector<16x4096xf32>
    %eq3A_86 = arith.constant 7 : i32
    %eq3A_87 = vector.broadcast %eq3A_86 : i32 to vector<16x4096xi32>
    %eq3A_88 = arith.cmpi eq, %add3A_22, %eq3A_87 : vector<16x4096xi32>
    %get3A_89 = arith.constant 0 : index
    %get3A_90 = arith.constant 7 : index
    %get3A_91 = vector.load %arg0[%get3A_89, %get3A_90] : memref<16x32xf32, #tpu.memory_space<vmem>>, vector<16x1xf32>
    %broadcast_in_dim3A_92 = vector.shape_cast %get3A_91 : vector<16x1xf32> to vector<16x1xf32>
    %broadcast_in_dim3A_93 = vector.broadcast %broadcast_in_dim3A_92 : vector<16x1xf32> to vector<16x4096xf32>
    %select_n3A_94 = arith.select %eq3A_88, %broadcast_in_dim3A_93, %select_n3A_85 : vector<16x4096xi1>, vector<16x4096xf32>
    %eq3A_95 = arith.constant 8 : i32
    %eq3A_96 = vector.broadcast %eq3A_95 : i32 to vector<16x4096xi32>
    %eq3A_97 = arith.cmpi eq, %add3A_22, %eq3A_96 : vector<16x4096xi32>
    %get3A_98 = arith.constant 0 : index
    %get3A_99 = arith.constant 8 : index
    %get3A_100 = vector.load %arg0[%get3A_98, %get3A_99] : memref<16x32xf32, #tpu.memory_space<vmem>>, vector<16x1xf32>
    %broadcast_in_dim3A_101 = vector.shape_cast %get3A_100 : vector<16x1xf32> to vector<16x1xf32>
    %broadcast_in_dim3A_102 = vector.broadcast %broadcast_in_dim3A_101 : vector<16x1xf32> to vector<16x4096xf32>
    %select_n3A_103 = arith.select %eq3A_97, %broadcast_in_dim3A_102, %select_n3A_94 : vector<16x4096xi1>, vector<16x4096xf32>
    %eq3A_104 = arith.constant 9 : i32
    %eq3A_105 = vector.broadcast %eq3A_104 : i32 to vector<16x4096xi32>
    %eq3A_106 = arith.cmpi eq, %add3A_22, %eq3A_105 : vector<16x4096xi32>
    %get3A_107 = arith.constant 0 : index
    %get3A_108 = arith.constant 9 : index
    %get3A_109 = vector.load %arg0[%get3A_107, %get3A_108] : memref<16x32xf32, #tpu.memory_space<vmem>>, vector<16x1xf32>
    %broadcast_in_dim3A_110 = vector.shape_cast %get3A_109 : vector<16x1xf32> to vector<16x1xf32>
    %broadcast_in_dim3A_111 = vector.broadcast %broadcast_in_dim3A_110 : vector<16x1xf32> to vector<16x4096xf32>
    %select_n3A_112 = arith.select %eq3A_106, %broadcast_in_dim3A_111, %select_n3A_103 : vector<16x4096xi1>, vector<16x4096xf32>
    %eq3A_113 = arith.constant 10 : i32
    %eq3A_114 = vector.broadcast %eq3A_113 : i32 to vector<16x4096xi32>
    %eq3A_115 = arith.cmpi eq, %add3A_22, %eq3A_114 : vector<16x4096xi32>
    %get3A_116 = arith.constant 0 : index
    %get3A_117 = arith.constant 10 : index
    %get3A_118 = vector.load %arg0[%get3A_116, %get3A_117] : memref<16x32xf32, #tpu.memory_space<vmem>>, vector<16x1xf32>
    %broadcast_in_dim3A_119 = vector.shape_cast %get3A_118 : vector<16x1xf32> to vector<16x1xf32>
    %broadcast_in_dim3A_120 = vector.broadcast %broadcast_in_dim3A_119 : vector<16x1xf32> to vector<16x4096xf32>
    %select_n3A_121 = arith.select %eq3A_115, %broadcast_in_dim3A_120, %select_n3A_112 : vector<16x4096xi1>, vector<16x4096xf32>
    %eq3A_122 = arith.constant 11 : i32
    %eq3A_123 = vector.broadcast %eq3A_122 : i32 to vector<16x4096xi32>
    %eq3A_124 = arith.cmpi eq, %add3A_22, %eq3A_123 : vector<16x4096xi32>
    %get3A_125 = arith.constant 0 : index
    %get3A_126 = arith.constant 11 : index
    %get3A_127 = vector.load %arg0[%get3A_125, %get3A_126] : memref<16x32xf32, #tpu.memory_space<vmem>>, vector<16x1xf32>
    %broadcast_in_dim3A_128 = vector.shape_cast %get3A_127 : vector<16x1xf32> to vector<16x1xf32>
    %broadcast_in_dim3A_129 = vector.broadcast %broadcast_in_dim3A_128 : vector<16x1xf32> to vector<16x4096xf32>
    %select_n3A_130 = arith.select %eq3A_124, %broadcast_in_dim3A_129, %select_n3A_121 : vector<16x4096xi1>, vector<16x4096xf32>
    %eq3A_131 = arith.constant 12 : i32
    %eq3A_132 = vector.broadcast %eq3A_131 : i32 to vector<16x4096xi32>
    %eq3A_133 = arith.cmpi eq, %add3A_22, %eq3A_132 : vector<16x4096xi32>
    %get3A_134 = arith.constant 0 : index
    %get3A_135 = arith.constant 12 : index
    %get3A_136 = vector.load %arg0[%get3A_134, %get3A_135] : memref<16x32xf32, #tpu.memory_space<vmem>>, vector<16x1xf32>
    %broadcast_in_dim3A_137 = vector.shape_cast %get3A_136 : vector<16x1xf32> to vector<16x1xf32>
    %broadcast_in_dim3A_138 = vector.broadcast %broadcast_in_dim3A_137 : vector<16x1xf32> to vector<16x4096xf32>
    %select_n3A_139 = arith.select %eq3A_133, %broadcast_in_dim3A_138, %select_n3A_130 : vector<16x4096xi1>, vector<16x4096xf32>
    %eq3A_140 = arith.constant 13 : i32
    %eq3A_141 = vector.broadcast %eq3A_140 : i32 to vector<16x4096xi32>
    %eq3A_142 = arith.cmpi eq, %add3A_22, %eq3A_141 : vector<16x4096xi32>
    %get3A_143 = arith.constant 0 : index
    %get3A_144 = arith.constant 13 : index
    %get3A_145 = vector.load %arg0[%get3A_143, %get3A_144] : memref<16x32xf32, #tpu.memory_space<vmem>>, vector<16x1xf32>
    %broadcast_in_dim3A_146 = vector.shape_cast %get3A_145 : vector<16x1xf32> to vector<16x1xf32>
    %broadcast_in_dim3A_147 = vector.broadcast %broadcast_in_dim3A_146 : vector<16x1xf32> to vector<16x4096xf32>
    %select_n3A_148 = arith.select %eq3A_142, %broadcast_in_dim3A_147, %select_n3A_139 : vector<16x4096xi1>, vector<16x4096xf32>
    %eq3A_149 = arith.constant 14 : i32
    %eq3A_150 = vector.broadcast %eq3A_149 : i32 to vector<16x4096xi32>
    %eq3A_151 = arith.cmpi eq, %add3A_22, %eq3A_150 : vector<16x4096xi32>
    %get3A_152 = arith.constant 0 : index
    %get3A_153 = arith.constant 14 : index
    %get3A_154 = vector.load %arg0[%get3A_152, %get3A_153] : memref<16x32xf32, #tpu.memory_space<vmem>>, vector<16x1xf32>
    %broadcast_in_dim3A_155 = vector.shape_cast %get3A_154 : vector<16x1xf32> to vector<16x1xf32>
    %broadcast_in_dim3A_156 = vector.broadcast %broadcast_in_dim3A_155 : vector<16x1xf32> to vector<16x4096xf32>
    %select_n3A_157 = arith.select %eq3A_151, %broadcast_in_dim3A_156, %select_n3A_148 : vector<16x4096xi1>, vector<16x4096xf32>
    %eq3A_158 = arith.constant 15 : i32
    %eq3A_159 = vector.broadcast %eq3A_158 : i32 to vector<16x4096xi32>
    %eq3A_160 = arith.cmpi eq, %add3A_22, %eq3A_159 : vector<16x4096xi32>
    %get3A_161 = arith.constant 0 : index
    %get3A_162 = arith.constant 15 : index
    %get3A_163 = vector.load %arg0[%get3A_161, %get3A_162] : memref<16x32xf32, #tpu.memory_space<vmem>>, vector<16x1xf32>
    %broadcast_in_dim3A_164 = vector.shape_cast %get3A_163 : vector<16x1xf32> to vector<16x1xf32>
    %broadcast_in_dim3A_165 = vector.broadcast %broadcast_in_dim3A_164 : vector<16x1xf32> to vector<16x4096xf32>
    %select_n3A_166 = arith.select %eq3A_160, %broadcast_in_dim3A_165, %select_n3A_157 : vector<16x4096xi1>, vector<16x4096xf32>
    %eq3A_167 = arith.constant 16 : i32
    %eq3A_168 = vector.broadcast %eq3A_167 : i32 to vector<16x4096xi32>
    %eq3A_169 = arith.cmpi eq, %add3A_22, %eq3A_168 : vector<16x4096xi32>
    %get3A_170 = arith.constant 0 : index
    %get3A_171 = arith.constant 16 : index
    %get3A_172 = vector.load %arg0[%get3A_170, %get3A_171] : memref<16x32xf32, #tpu.memory_space<vmem>>, vector<16x1xf32>
    %broadcast_in_dim3A_173 = vector.shape_cast %get3A_172 : vector<16x1xf32> to vector<16x1xf32>
    %broadcast_in_dim3A_174 = vector.broadcast %broadcast_in_dim3A_173 : vector<16x1xf32> to vector<16x4096xf32>
    %select_n3A_175 = arith.select %eq3A_169, %broadcast_in_dim3A_174, %select_n3A_166 : vector<16x4096xi1>, vector<16x4096xf32>
    %eq3A_176 = arith.constant 17 : i32
    %eq3A_177 = vector.broadcast %eq3A_176 : i32 to vector<16x4096xi32>
    %eq3A_178 = arith.cmpi eq, %add3A_22, %eq3A_177 : vector<16x4096xi32>
    %get3A_179 = arith.constant 0 : index
    %get3A_180 = arith.constant 17 : index
    %get3A_181 = vector.load %arg0[%get3A_179, %get3A_180] : memref<16x32xf32, #tpu.memory_space<vmem>>, vector<16x1xf32>
    %broadcast_in_dim3A_182 = vector.shape_cast %get3A_181 : vector<16x1xf32> to vector<16x1xf32>
    %broadcast_in_dim3A_183 = vector.broadcast %broadcast_in_dim3A_182 : vector<16x1xf32> to vector<16x4096xf32>
    %select_n3A_184 = arith.select %eq3A_178, %broadcast_in_dim3A_183, %select_n3A_175 : vector<16x4096xi1>, vector<16x4096xf32>
    %eq3A_185 = arith.constant 18 : i32
    %eq3A_186 = vector.broadcast %eq3A_185 : i32 to vector<16x4096xi32>
    %eq3A_187 = arith.cmpi eq, %add3A_22, %eq3A_186 : vector<16x4096xi32>
    %get3A_188 = arith.constant 0 : index
    %get3A_189 = arith.constant 18 : index
    %get3A_190 = vector.load %arg0[%get3A_188, %get3A_189] : memref<16x32xf32, #tpu.memory_space<vmem>>, vector<16x1xf32>
    %broadcast_in_dim3A_191 = vector.shape_cast %get3A_190 : vector<16x1xf32> to vector<16x1xf32>
    %broadcast_in_dim3A_192 = vector.broadcast %broadcast_in_dim3A_191 : vector<16x1xf32> to vector<16x4096xf32>
    %select_n3A_193 = arith.select %eq3A_187, %broadcast_in_dim3A_192, %select_n3A_184 : vector<16x4096xi1>, vector<16x4096xf32>
    %eq3A_194 = arith.constant 19 : i32
    %eq3A_195 = vector.broadcast %eq3A_194 : i32 to vector<16x4096xi32>
    %eq3A_196 = arith.cmpi eq, %add3A_22, %eq3A_195 : vector<16x4096xi32>
    %get3A_197 = arith.constant 0 : index
    %get3A_198 = arith.constant 19 : index
    %get3A_199 = vector.load %arg0[%get3A_197, %get3A_198] : memref<16x32xf32, #tpu.memory_space<vmem>>, vector<16x1xf32>
    %broadcast_in_dim3A_200 = vector.shape_cast %get3A_199 : vector<16x1xf32> to vector<16x1xf32>
    %broadcast_in_dim3A_201 = vector.broadcast %broadcast_in_dim3A_200 : vector<16x1xf32> to vector<16x4096xf32>
    %select_n3A_202 = arith.select %eq3A_196, %broadcast_in_dim3A_201, %select_n3A_193 : vector<16x4096xi1>, vector<16x4096xf32>
    %eq3A_203 = arith.constant 20 : i32
    %eq3A_204 = vector.broadcast %eq3A_203 : i32 to vector<16x4096xi32>
    %eq3A_205 = arith.cmpi eq, %add3A_22, %eq3A_204 : vector<16x4096xi32>
    %get3A_206 = arith.constant 0 : index
    %get3A_207 = arith.constant 20 : index
    %get3A_208 = vector.load %arg0[%get3A_206, %get3A_207] : memref<16x32xf32, #tpu.memory_space<vmem>>, vector<16x1xf32>
    %broadcast_in_dim3A_209 = vector.shape_cast %get3A_208 : vector<16x1xf32> to vector<16x1xf32>
    %broadcast_in_dim3A_210 = vector.broadcast %broadcast_in_dim3A_209 : vector<16x1xf32> to vector<16x4096xf32>
    %select_n3A_211 = arith.select %eq3A_205, %broadcast_in_dim3A_210, %select_n3A_202 : vector<16x4096xi1>, vector<16x4096xf32>
    %eq3A_212 = arith.constant 21 : i32
    %eq3A_213 = vector.broadcast %eq3A_212 : i32 to vector<16x4096xi32>
    %eq3A_214 = arith.cmpi eq, %add3A_22, %eq3A_213 : vector<16x4096xi32>
    %get3A_215 = arith.constant 0 : index
    %get3A_216 = arith.constant 21 : index
    %get3A_217 = vector.load %arg0[%get3A_215, %get3A_216] : memref<16x32xf32, #tpu.memory_space<vmem>>, vector<16x1xf32>
    %broadcast_in_dim3A_218 = vector.shape_cast %get3A_217 : vector<16x1xf32> to vector<16x1xf32>
    %broadcast_in_dim3A_219 = vector.broadcast %broadcast_in_dim3A_218 : vector<16x1xf32> to vector<16x4096xf32>
    %select_n3A_220 = arith.select %eq3A_214, %broadcast_in_dim3A_219, %select_n3A_211 : vector<16x4096xi1>, vector<16x4096xf32>
    %eq3A_221 = arith.constant 22 : i32
    %eq3A_222 = vector.broadcast %eq3A_221 : i32 to vector<16x4096xi32>
    %eq3A_223 = arith.cmpi eq, %add3A_22, %eq3A_222 : vector<16x4096xi32>
    %get3A_224 = arith.constant 0 : index
    %get3A_225 = arith.constant 22 : index
    %get3A_226 = vector.load %arg0[%get3A_224, %get3A_225] : memref<16x32xf32, #tpu.memory_space<vmem>>, vector<16x1xf32>
    %broadcast_in_dim3A_227 = vector.shape_cast %get3A_226 : vector<16x1xf32> to vector<16x1xf32>
    %broadcast_in_dim3A_228 = vector.broadcast %broadcast_in_dim3A_227 : vector<16x1xf32> to vector<16x4096xf32>
    %select_n3A_229 = arith.select %eq3A_223, %broadcast_in_dim3A_228, %select_n3A_220 : vector<16x4096xi1>, vector<16x4096xf32>
    %eq3A_230 = arith.constant 23 : i32
    %eq3A_231 = vector.broadcast %eq3A_230 : i32 to vector<16x4096xi32>
    %eq3A_232 = arith.cmpi eq, %add3A_22, %eq3A_231 : vector<16x4096xi32>
    %get3A_233 = arith.constant 0 : index
    %get3A_234 = arith.constant 23 : index
    %get3A_235 = vector.load %arg0[%get3A_233, %get3A_234] : memref<16x32xf32, #tpu.memory_space<vmem>>, vector<16x1xf32>
    %broadcast_in_dim3A_236 = vector.shape_cast %get3A_235 : vector<16x1xf32> to vector<16x1xf32>
    %broadcast_in_dim3A_237 = vector.broadcast %broadcast_in_dim3A_236 : vector<16x1xf32> to vector<16x4096xf32>
    %select_n3A_238 = arith.select %eq3A_232, %broadcast_in_dim3A_237, %select_n3A_229 : vector<16x4096xi1>, vector<16x4096xf32>
    %eq3A_239 = arith.constant 24 : i32
    %eq3A_240 = vector.broadcast %eq3A_239 : i32 to vector<16x4096xi32>
    %eq3A_241 = arith.cmpi eq, %add3A_22, %eq3A_240 : vector<16x4096xi32>
    %get3A_242 = arith.constant 0 : index
    %get3A_243 = arith.constant 24 : index
    %get3A_244 = vector.load %arg0[%get3A_242, %get3A_243] : memref<16x32xf32, #tpu.memory_space<vmem>>, vector<16x1xf32>
    %broadcast_in_dim3A_245 = vector.shape_cast %get3A_244 : vector<16x1xf32> to vector<16x1xf32>
    %broadcast_in_dim3A_246 = vector.broadcast %broadcast_in_dim3A_245 : vector<16x1xf32> to vector<16x4096xf32>
    %select_n3A_247 = arith.select %eq3A_241, %broadcast_in_dim3A_246, %select_n3A_238 : vector<16x4096xi1>, vector<16x4096xf32>
    %eq3A_248 = arith.constant 25 : i32
    %eq3A_249 = vector.broadcast %eq3A_248 : i32 to vector<16x4096xi32>
    %eq3A_250 = arith.cmpi eq, %add3A_22, %eq3A_249 : vector<16x4096xi32>
    %get3A_251 = arith.constant 0 : index
    %get3A_252 = arith.constant 25 : index
    %get3A_253 = vector.load %arg0[%get3A_251, %get3A_252] : memref<16x32xf32, #tpu.memory_space<vmem>>, vector<16x1xf32>
    %broadcast_in_dim3A_254 = vector.shape_cast %get3A_253 : vector<16x1xf32> to vector<16x1xf32>
    %broadcast_in_dim3A_255 = vector.broadcast %broadcast_in_dim3A_254 : vector<16x1xf32> to vector<16x4096xf32>
    %select_n3A_256 = arith.select %eq3A_250, %broadcast_in_dim3A_255, %select_n3A_247 : vector<16x4096xi1>, vector<16x4096xf32>
    %eq3A_257 = arith.constant 26 : i32
    %eq3A_258 = vector.broadcast %eq3A_257 : i32 to vector<16x4096xi32>
    %eq3A_259 = arith.cmpi eq, %add3A_22, %eq3A_258 : vector<16x4096xi32>
    %get3A_260 = arith.constant 0 : index
    %get3A_261 = arith.constant 26 : index
    %get3A_262 = vector.load %arg0[%get3A_260, %get3A_261] : memref<16x32xf32, #tpu.memory_space<vmem>>, vector<16x1xf32>
    %broadcast_in_dim3A_263 = vector.shape_cast %get3A_262 : vector<16x1xf32> to vector<16x1xf32>
    %broadcast_in_dim3A_264 = vector.broadcast %broadcast_in_dim3A_263 : vector<16x1xf32> to vector<16x4096xf32>
    %select_n3A_265 = arith.select %eq3A_259, %broadcast_in_dim3A_264, %select_n3A_256 : vector<16x4096xi1>, vector<16x4096xf32>
    %eq3A_266 = arith.constant 27 : i32
    %eq3A_267 = vector.broadcast %eq3A_266 : i32 to vector<16x4096xi32>
    %eq3A_268 = arith.cmpi eq, %add3A_22, %eq3A_267 : vector<16x4096xi32>
    %get3A_269 = arith.constant 0 : index
    %get3A_270 = arith.constant 27 : index
    %get3A_271 = vector.load %arg0[%get3A_269, %get3A_270] : memref<16x32xf32, #tpu.memory_space<vmem>>, vector<16x1xf32>
    %broadcast_in_dim3A_272 = vector.shape_cast %get3A_271 : vector<16x1xf32> to vector<16x1xf32>
    %broadcast_in_dim3A_273 = vector.broadcast %broadcast_in_dim3A_272 : vector<16x1xf32> to vector<16x4096xf32>
    %select_n3A_274 = arith.select %eq3A_268, %broadcast_in_dim3A_273, %select_n3A_265 : vector<16x4096xi1>, vector<16x4096xf32>
    %eq3A_275 = arith.constant 28 : i32
    %eq3A_276 = vector.broadcast %eq3A_275 : i32 to vector<16x4096xi32>
    %eq3A_277 = arith.cmpi eq, %add3A_22, %eq3A_276 : vector<16x4096xi32>
    %get3A_278 = arith.constant 0 : index
    %get3A_279 = arith.constant 28 : index
    %get3A_280 = vector.load %arg0[%get3A_278, %get3A_279] : memref<16x32xf32, #tpu.memory_space<vmem>>, vector<16x1xf32>
    %broadcast_in_dim3A_281 = vector.shape_cast %get3A_280 : vector<16x1xf32> to vector<16x1xf32>
    %broadcast_in_dim3A_282 = vector.broadcast %broadcast_in_dim3A_281 : vector<16x1xf32> to vector<16x4096xf32>
    %select_n3A_283 = arith.select %eq3A_277, %broadcast_in_dim3A_282, %select_n3A_274 : vector<16x4096xi1>, vector<16x4096xf32>
    %eq3A_284 = arith.constant 29 : i32
    %eq3A_285 = vector.broadcast %eq3A_284 : i32 to vector<16x4096xi32>
    %eq3A_286 = arith.cmpi eq, %add3A_22, %eq3A_285 : vector<16x4096xi32>
    %get3A_287 = arith.constant 0 : index
    %get3A_288 = arith.constant 29 : index
    %get3A_289 = vector.load %arg0[%get3A_287, %get3A_288] : memref<16x32xf32, #tpu.memory_space<vmem>>, vector<16x1xf32>
    %broadcast_in_dim3A_290 = vector.shape_cast %get3A_289 : vector<16x1xf32> to vector<16x1xf32>
    %broadcast_in_dim3A_291 = vector.broadcast %broadcast_in_dim3A_290 : vector<16x1xf32> to vector<16x4096xf32>
    %select_n3A_292 = arith.select %eq3A_286, %broadcast_in_dim3A_291, %select_n3A_283 : vector<16x4096xi1>, vector<16x4096xf32>
    %eq3A_293 = arith.constant 30 : i32
    %eq3A_294 = vector.broadcast %eq3A_293 : i32 to vector<16x4096xi32>
    %eq3A_295 = arith.cmpi eq, %add3A_22, %eq3A_294 : vector<16x4096xi32>
    %get3A_296 = arith.constant 0 : index
    %get3A_297 = arith.constant 30 : index
    %get3A_298 = vector.load %arg0[%get3A_296, %get3A_297] : memref<16x32xf32, #tpu.memory_space<vmem>>, vector<16x1xf32>
    %broadcast_in_dim3A_299 = vector.shape_cast %get3A_298 : vector<16x1xf32> to vector<16x1xf32>
    %broadcast_in_dim3A_300 = vector.broadcast %broadcast_in_dim3A_299 : vector<16x1xf32> to vector<16x4096xf32>
    %select_n3A_301 = arith.select %eq3A_295, %broadcast_in_dim3A_300, %select_n3A_292 : vector<16x4096xi1>, vector<16x4096xf32>
    %eq3A_302 = arith.constant 31 : i32
    %eq3A_303 = vector.broadcast %eq3A_302 : i32 to vector<16x4096xi32>
    %eq3A_304 = arith.cmpi eq, %add3A_22, %eq3A_303 : vector<16x4096xi32>
    %get3A_305 = arith.constant 0 : index
    %get3A_306 = arith.constant 31 : index
    %get3A_307 = vector.load %arg0[%get3A_305, %get3A_306] : memref<16x32xf32, #tpu.memory_space<vmem>>, vector<16x1xf32>
    %broadcast_in_dim3A_308 = vector.shape_cast %get3A_307 : vector<16x1xf32> to vector<16x1xf32>
    %broadcast_in_dim3A_309 = vector.broadcast %broadcast_in_dim3A_308 : vector<16x1xf32> to vector<16x4096xf32>
    %select_n3A_310 = arith.select %eq3A_304, %broadcast_in_dim3A_309, %select_n3A_301 : vector<16x4096xi1>, vector<16x4096xf32>
    %roll3A = arith.constant 3969 : i32
    %roll3A_311 = tpu.dynamic_rotate %select_n3A_310 by %roll3A dim 1 : vector<16x4096xf32>, i32 -> vector<16x4096xf32>
    %slice3A = vector.extract_strided_slice %roll3A_311 {offsets = [0, 0], sizes = [16, 3968], strides = [1, 1]} : vector<16x4096xf32> to vector<16x3968xf32>
    %swap3A = arith.constant 0 : index
    %swap3A_312 = arith.constant 0 : index
    %swap3A_313 = arith.constant 0 : index
    %swap3A_314 = vector.load %arg1[%swap3A, %swap3A_312, %swap3A_313] : memref<16x128x3968xf32, #tpu.memory_space<vmem>>, vector<16x1x3968xf32>
    %swap3A_315 = vector.shape_cast %swap3A_314 : vector<16x1x3968xf32> to vector<16x3968xf32>
    %swap3A_316 = vector.shape_cast %slice3A : vector<16x3968xf32> to vector<16x1x3968xf32>
    tpu.vector_store %arg1[%swap3A, %swap3A_312, %swap3A_313], %swap3A_316 {strides = array<i32>} : memref<16x128x3968xf32, #tpu.memory_space<vmem>>, vector<16x1x3968xf32>,
    %roll3A_317 = arith.constant 1 : i32
    %roll3A_318 = tpu.dynamic_rotate %roll3A_311 by %roll3A_317 dim 1 : vector<16x4096xf32>, i32 -> vector<16x4096xf32>
    %slice3A_319 = vector.extract_strided_slice %roll3A_318 {offsets = [0, 0], sizes = [16, 3968], strides = [1, 1]} : vector<16x4096xf32> to vector<16x3968xf32>
    %swap3A_320 = arith.constant 0 : index
    %swap3A_321 = arith.constant 1 : index
    %swap3A_322 = arith.constant 0 : index
    %swap3A_323 = vector.load %arg1[%swap3A_320, %swap3A_321, %swap3A_322] : memref<16x128x3968xf32, #tpu.memory_space<vmem>>, vector<16x1x3968xf32>
    %swap3A_324 = vector.shape_cast %swap3A_323 : vector<16x1x3968xf32> to vector<16x3968xf32>
    %swap3A_325 = vector.shape_cast %slice3A_319 : vector<16x3968xf32> to vector<16x1x3968xf32>
    tpu.vector_store %arg1[%swap3A_320, %swap3A_321, %swap3A_322], %swap3A_325 {strides = array<i32>} : memref<16x128x3968xf32, #tpu.memory_space<vmem>>, vector<16x1x3968xf32>,
    %roll3A_326 = arith.constant 1 : i32
    %roll3A_327 = tpu.dynamic_rotate %roll3A_318 by %roll3A_326 dim 1 : vector<16x4096xf32>, i32 -> vector<16x4096xf32>
    %slice3A_328 = vector.extract_strided_slice %roll3A_327 {offsets = [0, 0], sizes = [16, 3968], strides = [1, 1]} : vector<16x4096xf32> to vector<16x3968xf32>
    %swap3A_329 = arith.constant 0 : index
    %swap3A_330 = arith.constant 2 : index
    %swap3A_331 = arith.constant 0 : index
    %swap3A_332 = vector.load %arg1[%swap3A_329, %swap3A_330, %swap3A_331] : memref<16x128x3968xf32, #tpu.memory_space<vmem>>, vector<16x1x3968xf32>
    %swap3A_333 = vector.shape_cast %swap3A_332 : vector<16x1x3968xf32> to vector<16x3968xf32>
    %swap3A_334 = vector.shape_cast %slice3A_328 : vector<16x3968xf32> to vector<16x1x3968xf32>
    tpu.vector_store %arg1[%swap3A_329, %swap3A_330, %swap3A_331], %swap3A_334 {strides = array<i32>} : memref<16x128x3968xf32, #tpu.memory_space<vmem>>, vector<16x1x3968xf32>,
    %roll3A_335 = arith.constant 1 : i32
    %roll3A_336 = tpu.dynamic_rotate %roll3A_327 by %roll3A_335 dim 1 : vector<16x4096xf32>, i32 -> vector<16x4096xf32>
    %slice3A_337 = vector.extract_strided_slice %roll3A_336 {offsets = [0, 0], sizes = [16, 3968], strides = [1, 1]} : vector<16x4096xf32> to vector<16x3968xf32>
    %swap3A_338 = arith.constant 0 : index
    %swap3A_339 = arith.constant 3 : index
    %swap3A_340 = arith.constant 0 : index
    %swap3A_341 = vector.load %arg1[%swap3A_338, %swap3A_339, %swap3A_340] : memref<16x128x3968xf32, #tpu.memory_space<vmem>>, vector<16x1x3968xf32>
    %swap3A_342 = vector.shape_cast %swap3A_341 : vector<16x1x3968xf32> to vector<16x3968xf32>
    %swap3A_343 = vector.shape_cast %slice3A_337 : vector<16x3968xf32> to vector<16x1x3968xf32>
    tpu.vector_store %arg1[%swap3A_338, %swap3A_339, %swap3A_340], %swap3A_343 {strides = array<i32>} : memref<16x128x3968xf32, #tpu.memory_space<vmem>>, vector<16x1x3968xf32>,
    %roll3A_344 = arith.constant 1 : i32
    %roll3A_345 = tpu.dynamic_rotate %roll3A_336 by %roll3A_344 dim 1 : vector<16x4096xf32>, i32 -> vector<16x4096xf32>
    %slice3A_346 = vector.extract_strided_slice %roll3A_345 {offsets = [0, 0], sizes = [16, 3968], strides = [1, 1]} : vector<16x4096xf32> to vector<16x3968xf32>
    %swap3A_347 = arith.constant 0 : index
    %swap3A_348 = arith.constant 4 : index
    %swap3A_349 = arith.constant 0 : index
    %swap3A_350 = vector.load %arg1[%swap3A_347, %swap3A_348, %swap3A_349] : memref<16x128x3968xf32, #tpu.memory_space<vmem>>, vector<16x1x3968xf32>
    %swap3A_351 = vector.shape_cast %swap3A_350 : vector<16x1x3968xf32> to vector<16x3968xf32>
    %swap3A_352 = vector.shape_cast %slice3A_346 : vector<16x3968xf32> to vector<16x1x3968xf32>
    tpu.vector_store %arg1[%swap3A_347, %swap3A_348, %swap3A_349], %swap3A_352 {strides = array<i32>} : memref<16x128x3968xf32, #tpu.memory_space<vmem>>, vector<16x1x3968xf32>,
    %roll3A_353 = arith.constant 1 : i32
    %roll3A_354 = tpu.dynamic_rotate %roll3A_345 by %roll3A_353 dim 1 : vector<16x4096xf32>, i32 -> vector<16x4096xf32>
    %slice3A_355 = vector.extract_strided_slice %roll3A_354 {offsets = [0, 0], sizes = [16, 3968], strides = [1, 1]} : vector<16x4096xf32> to vector<16x3968xf32>
    %swap3A_356 = arith.constant 0 : index
    %swap3A_357 = arith.constant 5 : index
    %swap3A_358 = arith.constant 0 : index
    %swap3A_359 = vector.load %arg1[%swap3A_356, %swap3A_357, %swap3A_358] : memref<16x128x3968xf32, #tpu.memory_space<vmem>>, vector<16x1x3968xf32>
    %swap3A_360 = vector.shape_cast %swap3A_359 : vector<16x1x3968xf32> to vector<16x3968xf32>
    %swap3A_361 = vector.shape_cast %slice3A_355 : vector<16x3968xf32> to vector<16x1x3968xf32>
    tpu.vector_store %arg1[%swap3A_356, %swap3A_357, %swap3A_358], %swap3A_361 {strides = array<i32>} : memref<16x128x3968xf32, #tpu.memory_space<vmem>>, vector<16x1x3968xf32>,
    %roll3A_362 = arith.constant 1 : i32
    %roll3A_363 = tpu.dynamic_rotate %roll3A_354 by %roll3A_362 dim 1 : vector<16x4096xf32>, i32 -> vector<16x4096xf32>
    %slice3A_364 = vector.extract_strided_slice %roll3A_363 {offsets = [0, 0], sizes = [16, 3968], strides = [1, 1]} : vector<16x4096xf32> to vector<16x3968xf32>
    %swap3A_365 = arith.constant 0 : index
    %swap3A_366 = arith.constant 6 : index
    %swap3A_367 = arith.constant 0 : index
    %swap3A_368 = vector.load %arg1[%swap3A_365, %swap3A_366, %swap3A_367] : memref<16x128x3968xf32, #tpu.memory_space<vmem>>, vector<16x1x3968xf32>
    %swap3A_369 = vector.shape_cast %swap3A_368 : vector<16x1x3968xf32> to vector<16x3968xf32>
    %swap3A_370 = vector.shape_cast %slice3A_364 : vector<16x3968xf32> to vector<16x1x3968xf32>
    tpu.vector_store %arg1[%swap3A_365, %swap3A_366, %swap3A_367], %swap3A_370 {strides = array<i32>} : memref<16x128x3968xf32, #tpu.memory_space<vmem>>, vector<16x1x3968xf32>,
    %roll3A_371 = arith.constant 1 : i32
    %roll3A_372 = tpu.dynamic_rotate %roll3A_363 by %roll3A_371 dim 1 : vector<16x4096xf32>, i32 -> vector<16x4096xf32>
    %slice3A_373 = vector.extract_strided_slice %roll3A_372 {offsets = [0, 0], sizes = [16, 3968], strides = [1, 1]} : vector<16x4096xf32> to vector<16x3968xf32>
    %swap3A_374 = arith.constant 0 : index
    %swap3A_375 = arith.constant 7 : index
    %swap3A_376 = arith.constant 0 : index
    %swap3A_377 = vector.load %arg1[%swap3A_374, %swap3A_375, %swap3A_376] : memref<16x128x3968xf32, #tpu.memory_space<vmem>>, vector<16x1x3968xf32>
    %swap3A_378 = vector.shape_cast %swap3A_377 : vector<16x1x3968xf32> to vector<16x3968xf32>
    %swap3A_379 = vector.shape_cast %slice3A_373 : vector<16x3968xf32> to vector<16x1x3968xf32>
    tpu.vector_store %arg1[%swap3A_374, %swap3A_375, %swap3A_376], %swap3A_379 {strides = array<i32>} : memref<16x128x3968xf32, #tpu.memory_space<vmem>>, vector<16x1x3968xf32>,
    %roll3A_380 = arith.constant 1 : i32
    %roll3A_381 = tpu.dynamic_rotate %roll3A_372 by %roll3A_380 dim 1 : vector<16x4096xf32>, i32 -> vector<16x4096xf32>
    %slice3A_382 = vector.extract_strided_slice %roll3A_381 {offsets = [0, 0], sizes = [16, 3968], strides = [1, 1]} : vector<16x4096xf32> to vector<16x3968xf32>
    %swap3A_383 = arith.constant 0 : index
    %swap3A_384 = arith.constant 8 : index
    %swap3A_385 = arith.constant 0 : index
    %swap3A_386 = vector.load %arg1[%swap3A_383, %swap3A_384, %swap3A_385] : memref<16x128x3968xf32, #tpu.memory_space<vmem>>, vector<16x1x3968xf32>
    %swap3A_387 = vector.shape_cast %swap3A_386 : vector<16x1x3968xf32> to vector<16x3968xf32>
    %swap3A_388 = vector.shape_cast %slice3A_382 : vector<16x3968xf32> to vector<16x1x3968xf32>
    tpu.vector_store %arg1[%swap3A_383, %swap3A_384, %swap3A_385], %swap3A_388 {strides = array<i32>} : memref<16x128x3968xf32, #tpu.memory_space<vmem>>, vector<16x1x3968xf32>,
    %roll3A_389 = arith.constant 1 : i32
    %roll3A_390 = tpu.dynamic_rotate %roll3A_381 by %roll3A_389 dim 1 : vector<16x4096xf32>, i32 -> vector<16x4096xf32>
    %slice3A_391 = vector.extract_strided_slice %roll3A_390 {offsets = [0, 0], sizes = [16, 3968], strides = [1, 1]} : vector<16x4096xf32> to vector<16x3968xf32>
    %swap3A_392 = arith.constant 0 : index
    %swap3A_393 = arith.constant 9 : index
    %swap3A_394 = arith.constant 0 : index
    %swap3A_395 = vector.load %arg1[%swap3A_392, %swap3A_393, %swap3A_394] : memref<16x128x3968xf32, #tpu.memory_space<vmem>>, vector<16x1x3968xf32>
    %swap3A_396 = vector.shape_cast %swap3A_395 : vector<16x1x3968xf32> to vector<16x3968xf32>
    %swap3A_397 = vector.shape_cast %slice3A_391 : vector<16x3968xf32> to vector<16x1x3968xf32>
    tpu.vector_store %arg1[%swap3A_392, %swap3A_393, %swap3A_394], %swap3A_397 {strides = array<i32>} : memref<16x128x3968xf32, #tpu.memory_space<vmem>>, vector<16x1x3968xf32>,
    %roll3A_398 = arith.constant 1 : i32
    %roll3A_399 = tpu.dynamic_rotate %roll3A_390 by %roll3A_398 dim 1 : vector<16x4096xf32>, i32 -> vector<16x4096xf32>
    %slice3A_400 = vector.extract_strided_slice %roll3A_399 {offsets = [0, 0], sizes = [16, 3968], strides = [1, 1]} : vector<16x4096xf32> to vector<16x3968xf32>
    %swap3A_401 = arith.constant 0 : index
    %swap3A_402 = arith.constant 10 : index
    %swap3A_403 = arith.constant 0 : index
    %swap3A_404 = vector.load %arg1[%swap3A_401, %swap3A_402, %swap3A_403] : memref<16x128x3968xf32, #tpu.memory_space<vmem>>, vector<16x1x3968xf32>
    %swap3A_405 = vector.shape_cast %swap3A_404 : vector<16x1x3968xf32> to vector<16x3968xf32>
    %swap3A_406 = vector.shape_cast %slice3A_400 : vector<16x3968xf32> to vector<16x1x3968xf32>
    tpu.vector_store %arg1[%swap3A_401, %swap3A_402, %swap3A_403], %swap3A_406 {strides = array<i32>} : memref<16x128x3968xf32, #tpu.memory_space<vmem>>, vector<16x1x3968xf32>,
    %roll3A_407 = arith.constant 1 : i32
    %roll3A_408 = tpu.dynamic_rotate %roll3A_399 by %roll3A_407 dim 1 : vector<16x4096xf32>, i32 -> vector<16x4096xf32>
    %slice3A_409 = vector.extract_strided_slice %roll3A_408 {offsets = [0, 0], sizes = [16, 3968], strides = [1, 1]} : vector<16x4096xf32> to vector<16x3968xf32>
    %swap3A_410 = arith.constant 0 : index
    %swap3A_411 = arith.constant 11 : index
    %swap3A_412 = arith.constant 0 : index
    %swap3A_413 = vector.load %arg1[%swap3A_410, %swap3A_411, %swap3A_412] : memref<16x128x3968xf32, #tpu.memory_space<vmem>>, vector<16x1x3968xf32>
    %swap3A_414 = vector.shape_cast %swap3A_413 : vector<16x1x3968xf32> to vector<16x3968xf32>
    %swap3A_415 = vector.shape_cast %slice3A_409 : vector<16x3968xf32> to vector<16x1x3968xf32>
    tpu.vector_store %arg1[%swap3A_410, %swap3A_411, %swap3A_412], %swap3A_415 {strides = array<i32>} : memref<16x128x3968xf32, #tpu.memory_space<vmem>>, vector<16x1x3968xf32>,
    %roll3A_416 = arith.constant 1 : i32
    %roll3A_417 = tpu.dynamic_rotate %roll3A_408 by %roll3A_416 dim 1 : vector<16x4096xf32>, i32 -> vector<16x4096xf32>
    %slice3A_418 = vector.extract_strided_slice %roll3A_417 {offsets = [0, 0], sizes = [16, 3968], strides = [1, 1]} : vector<16x4096xf32> to vector<16x3968xf32>
    %swap3A_419 = arith.constant 0 : index
    %swap3A_420 = arith.constant 12 : index
    %swap3A_421 = arith.constant 0 : index
    %swap3A_422 = vector.load %arg1[%swap3A_419, %swap3A_420, %swap3A_421] : memref<16x128x3968xf32, #tpu.memory_space<vmem>>, vector<16x1x3968xf32>
    %swap3A_423 = vector.shape_cast %swap3A_422 : vector<16x1x3968xf32> to vector<16x3968xf32>
    %swap3A_424 = vector.shape_cast %slice3A_418 : vector<16x3968xf32> to vector<16x1x3968xf32>
    tpu.vector_store %arg1[%swap3A_419, %swap3A_420, %swap3A_421], %swap3A_424 {strides = array<i32>} : memref<16x128x3968xf32, #tpu.memory_space<vmem>>, vector<16x1x3968xf32>,
    %roll3A_425 = arith.constant 1 : i32
    %roll3A_426 = tpu.dynamic_rotate %roll3A_417 by %roll3A_425 dim 1 : vector<16x4096xf32>, i32 -> vector<16x4096xf32>
    %slice3A_427 = vector.extract_strided_slice %roll3A_426 {offsets = [0, 0], sizes = [16, 3968], strides = [1, 1]} : vector<16x4096xf32> to vector<16x3968xf32>
    %swap3A_428 = arith.constant 0 : index
    %swap3A_429 = arith.constant 13 : index
    %swap3A_430 = arith.constant 0 : index
    %swap3A_431 = vector.load %arg1[%swap3A_428, %swap3A_429, %swap3A_430] : memref<16x128x3968xf32, #tpu.memory_space<vmem>>, vector<16x1x3968xf32>
    %swap3A_432 = vector.shape_cast %swap3A_431 : vector<16x1x3968xf32> to vector<16x3968xf32>
    %swap3A_433 = vector.shape_cast %slice3A_427 : vector<16x3968xf32> to vector<16x1x3968xf32>
    tpu.vector_store %arg1[%swap3A_428, %swap3A_429, %swap3A_430], %swap3A_433 {strides = array<i32>} : memref<16x128x3968xf32, #tpu.memory_space<vmem>>, vector<16x1x3968xf32>,
    %roll3A_434 = arith.constant 1 : i32
    %roll3A_435 = tpu.dynamic_rotate %roll3A_426 by %roll3A_434 dim 1 : vector<16x4096xf32>, i32 -> vector<16x4096xf32>
    %slice3A_436 = vector.extract_strided_slice %roll3A_435 {offsets = [0, 0], sizes = [16, 3968], strides = [1, 1]} : vector<16x4096xf32> to vector<16x3968xf32>
    %swap3A_437 = arith.constant 0 : index
    %swap3A_438 = arith.constant 14 : index
    %swap3A_439 = arith.constant 0 : index
    %swap3A_440 = vector.load %arg1[%swap3A_437, %swap3A_438, %swap3A_439] : memref<16x128x3968xf32, #tpu.memory_space<vmem>>, vector<16x1x3968xf32>
    %swap3A_441 = vector.shape_cast %swap3A_440 : vector<16x1x3968xf32> to vector<16x3968xf32>
    %swap3A_442 = vector.shape_cast %slice3A_436 : vector<16x3968xf32> to vector<16x1x3968xf32>
    tpu.vector_store %arg1[%swap3A_437, %swap3A_438, %swap3A_439], %swap3A_442 {strides = array<i32>} : memref<16x128x3968xf32, #tpu.memory_space<vmem>>, vector<16x1x3968xf32>,
    %roll3A_443 = arith.constant 1 : i32
    %roll3A_444 = tpu.dynamic_rotate %roll3A_435 by %roll3A_443 dim 1 : vector<16x4096xf32>, i32 -> vector<16x4096xf32>
    %slice3A_445 = vector.extract_strided_slice %roll3A_444 {offsets = [0, 0], sizes = [16, 3968], strides = [1, 1]} : vector<16x4096xf32> to vector<16x3968xf32>
    %swap3A_446 = arith.constant 0 : index
    %swap3A_447 = arith.constant 15 : index
    %swap3A_448 = arith.constant 0 : index
    %swap3A_449 = vector.load %arg1[%swap3A_446, %swap3A_447, %swap3A_448] : memref<16x128x3968xf32, #tpu.memory_space<vmem>>, vector<16x1x3968xf32>
    %swap3A_450 = vector.shape_cast %swap3A_449 : vector<16x1x3968xf32> to vector<16x3968xf32>
    %swap3A_451 = vector.shape_cast %slice3A_445 : vector<16x3968xf32> to vector<16x1x3968xf32>
    tpu.vector_store %arg1[%swap3A_446, %swap3A_447, %swap3A_448], %swap3A_451 {strides = array<i32>} : memref<16x128x3968xf32, #tpu.memory_space<vmem>>, vector<16x1x3968xf32>,
    %roll3A_452 = arith.constant 1 : i32
    %roll3A_453 = tpu.dynamic_rotate %roll3A_444 by %roll3A_452 dim 1 : vector<16x4096xf32>, i32 -> vector<16x4096xf32>
    %slice3A_454 = vector.extract_strided_slice %roll3A_453 {offsets = [0, 0], sizes = [16, 3968], strides = [1, 1]} : vector<16x4096xf32> to vector<16x3968xf32>
    %swap3A_455 = arith.constant 0 : index
    %swap3A_456 = arith.constant 16 : index
    %swap3A_457 = arith.constant 0 : index
    %swap3A_458 = vector.load %arg1[%swap3A_455, %swap3A_456, %swap3A_457] : memref<16x128x3968xf32, #tpu.memory_space<vmem>>, vector<16x1x3968xf32>
    %swap3A_459 = vector.shape_cast %swap3A_458 : vector<16x1x3968xf32> to vector<16x3968xf32>
    %swap3A_460 = vector.shape_cast %slice3A_454 : vector<16x3968xf32> to vector<16x1x3968xf32>
    tpu.vector_store %arg1[%swap3A_455, %swap3A_456, %swap3A_457], %swap3A_460 {strides = array<i32>} : memref<16x128x3968xf32, #tpu.memory_space<vmem>>, vector<16x1x3968xf32>,
    %roll3A_461 = arith.constant 1 : i32
    %roll3A_462 = tpu.dynamic_rotate %roll3A_453 by %roll3A_461 dim 1 : vector<16x4096xf32>, i32 -> vector<16x4096xf32>
    %slice3A_463 = vector.extract_strided_slice %roll3A_462 {offsets = [0, 0], sizes = [16, 3968], strides = [1, 1]} : vector<16x4096xf32> to vector<16x3968xf32>
    %swap3A_464 = arith.constant 0 : index
    %swap3A_465 = arith.constant 17 : index
    %swap3A_466 = arith.constant 0 : index
    %swap3A_467 = vector.load %arg1[%swap3A_464, %swap3A_465, %swap3A_466] : memref<16x128x3968xf32, #tpu.memory_space<vmem>>, vector<16x1x3968xf32>
    %swap3A_468 = vector.shape_cast %swap3A_467 : vector<16x1x3968xf32> to vector<16x3968xf32>
    %swap3A_469 = vector.shape_cast %slice3A_463 : vector<16x3968xf32> to vector<16x1x3968xf32>
    tpu.vector_store %arg1[%swap3A_464, %swap3A_465, %swap3A_466], %swap3A_469 {strides = array<i32>} : memref<16x128x3968xf32, #tpu.memory_space<vmem>>, vector<16x1x3968xf32>,
    %roll3A_470 = arith.constant 1 : i32
    %roll3A_471 = tpu.dynamic_rotate %roll3A_462 by %roll3A_470 dim 1 : vector<16x4096xf32>, i32 -> vector<16x4096xf32>
    %slice3A_472 = vector.extract_strided_slice %roll3A_471 {offsets = [0, 0], sizes = [16, 3968], strides = [1, 1]} : vector<16x4096xf32> to vector<16x3968xf32>
    %swap3A_473 = arith.constant 0 : index
    %swap3A_474 = arith.constant 18 : index
    %swap3A_475 = arith.constant 0 : index
    %swap3A_476 = vector.load %arg1[%swap3A_473, %swap3A_474, %swap3A_475] : memref<16x128x3968xf32, #tpu.memory_space<vmem>>, vector<16x1x3968xf32>
    %swap3A_477 = vector.shape_cast %swap3A_476 : vector<16x1x3968xf32> to vector<16x3968xf32>
    %swap3A_478 = vector.shape_cast %slice3A_472 : vector<16x3968xf32> to vector<16x1x3968xf32>
    tpu.vector_store %arg1[%swap3A_473, %swap3A_474, %swap3A_475], %swap3A_478 {strides = array<i32>} : memref<16x128x3968xf32, #tpu.memory_space<vmem>>, vector<16x1x3968xf32>,
    %roll3A_479 = arith.constant 1 : i32
    %roll3A_480 = tpu.dynamic_rotate %roll3A_471 by %roll3A_479 dim 1 : vector<16x4096xf32>, i32 -> vector<16x4096xf32>
    %slice3A_481 = vector.extract_strided_slice %roll3A_480 {offsets = [0, 0], sizes = [16, 3968], strides = [1, 1]} : vector<16x4096xf32> to vector<16x3968xf32>
    %swap3A_482 = arith.constant 0 : index
    %swap3A_483 = arith.constant 19 : index
    %swap3A_484 = arith.constant 0 : index
    %swap3A_485 = vector.load %arg1[%swap3A_482, %swap3A_483, %swap3A_484] : memref<16x128x3968xf32, #tpu.memory_space<vmem>>, vector<16x1x3968xf32>
    %swap3A_486 = vector.shape_cast %swap3A_485 : vector<16x1x3968xf32> to vector<16x3968xf32>
    %swap3A_487 = vector.shape_cast %slice3A_481 : vector<16x3968xf32> to vector<16x1x3968xf32>
    tpu.vector_store %arg1[%swap3A_482, %swap3A_483, %swap3A_484], %swap3A_487 {strides = array<i32>} : memref<16x128x3968xf32, #tpu.memory_space<vmem>>, vector<16x1x3968xf32>,
    %roll3A_488 = arith.constant 1 : i32
    %roll3A_489 = tpu.dynamic_rotate %roll3A_480 by %roll3A_488 dim 1 : vector<16x4096xf32>, i32 -> vector<16x4096xf32>
    %slice3A_490 = vector.extract_strided_slice %roll3A_489 {offsets = [0, 0], sizes = [16, 3968], strides = [1, 1]} : vector<16x4096xf32> to vector<16x3968xf32>
    %swap3A_491 = arith.constant 0 : index
    %swap3A_492 = arith.constant 20 : index
    %swap3A_493 = arith.constant 0 : index
    %swap3A_494 = vector.load %arg1[%swap3A_491, %swap3A_492, %swap3A_493] : memref<16x128x3968xf32, #tpu.memory_space<vmem>>, vector<16x1x3968xf32>
    %swap3A_495 = vector.shape_cast %swap3A_494 : vector<16x1x3968xf32> to vector<16x3968xf32>
    %swap3A_496 = vector.shape_cast %slice3A_490 : vector<16x3968xf32> to vector<16x1x3968xf32>
    tpu.vector_store %arg1[%swap3A_491, %swap3A_492, %swap3A_493], %swap3A_496 {strides = array<i32>} : memref<16x128x3968xf32, #tpu.memory_space<vmem>>, vector<16x1x3968xf32>,
    %roll3A_497 = arith.constant 1 : i32
    %roll3A_498 = tpu.dynamic_rotate %roll3A_489 by %roll3A_497 dim 1 : vector<16x4096xf32>, i32 -> vector<16x4096xf32>
    %slice3A_499 = vector.extract_strided_slice %roll3A_498 {offsets = [0, 0], sizes = [16, 3968], strides = [1, 1]} : vector<16x4096xf32> to vector<16x3968xf32>
    %swap3A_500 = arith.constant 0 : index
    %swap3A_501 = arith.constant 21 : index
    %swap3A_502 = arith.constant 0 : index
    %swap3A_503 = vector.load %arg1[%swap3A_500, %swap3A_501, %swap3A_502] : memref<16x128x3968xf32, #tpu.memory_space<vmem>>, vector<16x1x3968xf32>
    %swap3A_504 = vector.shape_cast %swap3A_503 : vector<16x1x3968xf32> to vector<16x3968xf32>
    %swap3A_505 = vector.shape_cast %slice3A_499 : vector<16x3968xf32> to vector<16x1x3968xf32>
    tpu.vector_store %arg1[%swap3A_500, %swap3A_501, %swap3A_502], %swap3A_505 {strides = array<i32>} : memref<16x128x3968xf32, #tpu.memory_space<vmem>>, vector<16x1x3968xf32>,
    %roll3A_506 = arith.constant 1 : i32
    %roll3A_507 = tpu.dynamic_rotate %roll3A_498 by %roll3A_506 dim 1 : vector<16x4096xf32>, i32 -> vector<16x4096xf32>
    %slice3A_508 = vector.extract_strided_slice %roll3A_507 {offsets = [0, 0], sizes = [16, 3968], strides = [1, 1]} : vector<16x4096xf32> to vector<16x3968xf32>
    %swap3A_509 = arith.constant 0 : index
    %swap3A_510 = arith.constant 22 : index
    %swap3A_511 = arith.constant 0 : index
    %swap3A_512 = vector.load %arg1[%swap3A_509, %swap3A_510, %swap3A_511] : memref<16x128x3968xf32, #tpu.memory_space<vmem>>, vector<16x1x3968xf32>
    %swap3A_513 = vector.shape_cast %swap3A_512 : vector<16x1x3968xf32> to vector<16x3968xf32>
    %swap3A_514 = vector.shape_cast %slice3A_508 : vector<16x3968xf32> to vector<16x1x3968xf32>
    tpu.vector_store %arg1[%swap3A_509, %swap3A_510, %swap3A_511], %swap3A_514 {strides = array<i32>} : memref<16x128x3968xf32, #tpu.memory_space<vmem>>, vector<16x1x3968xf32>,
    %roll3A_515 = arith.constant 1 : i32
    %roll3A_516 = tpu.dynamic_rotate %roll3A_507 by %roll3A_515 dim 1 : vector<16x4096xf32>, i32 -> vector<16x4096xf32>
    %slice3A_517 = vector.extract_strided_slice %roll3A_516 {offsets = [0, 0], sizes = [16, 3968], strides = [1, 1]} : vector<16x4096xf32> to vector<16x3968xf32>
    %swap3A_518 = arith.constant 0 : index
    %swap3A_519 = arith.constant 23 : index
    %swap3A_520 = arith.constant 0 : index
    %swap3A_521 = vector.load %arg1[%swap3A_518, %swap3A_519, %swap3A_520] : memref<16x128x3968xf32, #tpu.memory_space<vmem>>, vector<16x1x3968xf32>
    %swap3A_522 = vector.shape_cast %swap3A_521 : vector<16x1x3968xf32> to vector<16x3968xf32>
    %swap3A_523 = vector.shape_cast %slice3A_517 : vector<16x3968xf32> to vector<16x1x3968xf32>
    tpu.vector_store %arg1[%swap3A_518, %swap3A_519, %swap3A_520], %swap3A_523 {strides = array<i32>} : memref<16x128x3968xf32, #tpu.memory_space<vmem>>, vector<16x1x3968xf32>,
    %roll3A_524 = arith.constant 1 : i32
    %roll3A_525 = tpu.dynamic_rotate %roll3A_516 by %roll3A_524 dim 1 : vector<16x4096xf32>, i32 -> vector<16x4096xf32>
    %slice3A_526 = vector.extract_strided_slice %roll3A_525 {offsets = [0, 0], sizes = [16, 3968], strides = [1, 1]} : vector<16x4096xf32> to vector<16x3968xf32>
    %swap3A_527 = arith.constant 0 : index
    %swap3A_528 = arith.constant 24 : index
    %swap3A_529 = arith.constant 0 : index
    %swap3A_530 = vector.load %arg1[%swap3A_527, %swap3A_528, %swap3A_529] : memref<16x128x3968xf32, #tpu.memory_space<vmem>>, vector<16x1x3968xf32>
    %swap3A_531 = vector.shape_cast %swap3A_530 : vector<16x1x3968xf32> to vector<16x3968xf32>
    %swap3A_532 = vector.shape_cast %slice3A_526 : vector<16x3968xf32> to vector<16x1x3968xf32>
    tpu.vector_store %arg1[%swap3A_527, %swap3A_528, %swap3A_529], %swap3A_532 {strides = array<i32>} : memref<16x128x3968xf32, #tpu.memory_space<vmem>>, vector<16x1x3968xf32>,
    %roll3A_533 = arith.constant 1 : i32
    %roll3A_534 = tpu.dynamic_rotate %roll3A_525 by %roll3A_533 dim 1 : vector<16x4096xf32>, i32 -> vector<16x4096xf32>
    %slice3A_535 = vector.extract_strided_slice %roll3A_534 {offsets = [0, 0], sizes = [16, 3968], strides = [1, 1]} : vector<16x4096xf32> to vector<16x3968xf32>
    %swap3A_536 = arith.constant 0 : index
    %swap3A_537 = arith.constant 25 : index
    %swap3A_538 = arith.constant 0 : index
    %swap3A_539 = vector.load %arg1[%swap3A_536, %swap3A_537, %swap3A_538] : memref<16x128x3968xf32, #tpu.memory_space<vmem>>, vector<16x1x3968xf32>
    %swap3A_540 = vector.shape_cast %swap3A_539 : vector<16x1x3968xf32> to vector<16x3968xf32>
    %swap3A_541 = vector.shape_cast %slice3A_535 : vector<16x3968xf32> to vector<16x1x3968xf32>
    tpu.vector_store %arg1[%swap3A_536, %swap3A_537, %swap3A_538], %swap3A_541 {strides = array<i32>} : memref<16x128x3968xf32, #tpu.memory_space<vmem>>, vector<16x1x3968xf32>,
    %roll3A_542 = arith.constant 1 : i32
    %roll3A_543 = tpu.dynamic_rotate %roll3A_534 by %roll3A_542 dim 1 : vector<16x4096xf32>, i32 -> vector<16x4096xf32>
    %slice3A_544 = vector.extract_strided_slice %roll3A_543 {offsets = [0, 0], sizes = [16, 3968], strides = [1, 1]} : vector<16x4096xf32> to vector<16x3968xf32>
    %swap3A_545 = arith.constant 0 : index
    %swap3A_546 = arith.constant 26 : index
    %swap3A_547 = arith.constant 0 : index
    %swap3A_548 = vector.load %arg1[%swap3A_545, %swap3A_546, %swap3A_547] : memref<16x128x3968xf32, #tpu.memory_space<vmem>>, vector<16x1x3968xf32>
    %swap3A_549 = vector.shape_cast %swap3A_548 : vector<16x1x3968xf32> to vector<16x3968xf32>
    %swap3A_550 = vector.shape_cast %slice3A_544 : vector<16x3968xf32> to vector<16x1x3968xf32>
    tpu.vector_store %arg1[%swap3A_545, %swap3A_546, %swap3A_547], %swap3A_550 {strides = array<i32>} : memref<16x128x3968xf32, #tpu.memory_space<vmem>>, vector<16x1x3968xf32>,
    %roll3A_551 = arith.constant 1 : i32
    %roll3A_552 = tpu.dynamic_rotate %roll3A_543 by %roll3A_551 dim 1 : vector<16x4096xf32>, i32 -> vector<16x4096xf32>
    %slice3A_553 = vector.extract_strided_slice %roll3A_552 {offsets = [0, 0], sizes = [16, 3968], strides = [1, 1]} : vector<16x4096xf32> to vector<16x3968xf32>
    %swap3A_554 = arith.constant 0 : index
    %swap3A_555 = arith.constant 27 : index
    %swap3A_556 = arith.constant 0 : index
    %swap3A_557 = vector.load %arg1[%swap3A_554, %swap3A_555, %swap3A_556] : memref<16x128x3968xf32, #tpu.memory_space<vmem>>, vector<16x1x3968xf32>
    %swap3A_558 = vector.shape_cast %swap3A_557 : vector<16x1x3968xf32> to vector<16x3968xf32>
    %swap3A_559 = vector.shape_cast %slice3A_553 : vector<16x3968xf32> to vector<16x1x3968xf32>
    tpu.vector_store %arg1[%swap3A_554, %swap3A_555, %swap3A_556], %swap3A_559 {strides = array<i32>} : memref<16x128x3968xf32, #tpu.memory_space<vmem>>, vector<16x1x3968xf32>,
    %roll3A_560 = arith.constant 1 : i32
    %roll3A_561 = tpu.dynamic_rotate %roll3A_552 by %roll3A_560 dim 1 : vector<16x4096xf32>, i32 -> vector<16x4096xf32>
    %slice3A_562 = vector.extract_strided_slice %roll3A_561 {offsets = [0, 0], sizes = [16, 3968], strides = [1, 1]} : vector<16x4096xf32> to vector<16x3968xf32>
    %swap3A_563 = arith.constant 0 : index
    %swap3A_564 = arith.constant 28 : index
    %swap3A_565 = arith.constant 0 : index
    %swap3A_566 = vector.load %arg1[%swap3A_563, %swap3A_564, %swap3A_565] : memref<16x128x3968xf32, #tpu.memory_space<vmem>>, vector<16x1x3968xf32>
    %swap3A_567 = vector.shape_cast %swap3A_566 : vector<16x1x3968xf32> to vector<16x3968xf32>
    %swap3A_568 = vector.shape_cast %slice3A_562 : vector<16x3968xf32> to vector<16x1x3968xf32>
    tpu.vector_store %arg1[%swap3A_563, %swap3A_564, %swap3A_565], %swap3A_568 {strides = array<i32>} : memref<16x128x3968xf32, #tpu.memory_space<vmem>>, vector<16x1x3968xf32>,
    %roll3A_569 = arith.constant 1 : i32
    %roll3A_570 = tpu.dynamic_rotate %roll3A_561 by %roll3A_569 dim 1 : vector<16x4096xf32>, i32 -> vector<16x4096xf32>
    %slice3A_571 = vector.extract_strided_slice %roll3A_570 {offsets = [0, 0], sizes = [16, 3968], strides = [1, 1]} : vector<16x4096xf32> to vector<16x3968xf32>
    %swap3A_572 = arith.constant 0 : index
    %swap3A_573 = arith.constant 29 : index
    %swap3A_574 = arith.constant 0 : index
    %swap3A_575 = vector.load %arg1[%swap3A_572, %swap3A_573, %swap3A_574] : memref<16x128x3968xf32, #tpu.memory_space<vmem>>, vector<16x1x3968xf32>
    %swap3A_576 = vector.shape_cast %swap3A_575 : vector<16x1x3968xf32> to vector<16x3968xf32>
    %swap3A_577 = vector.shape_cast %slice3A_571 : vector<16x3968xf32> to vector<16x1x3968xf32>
    tpu.vector_store %arg1[%swap3A_572, %swap3A_573, %swap3A_574], %swap3A_577 {strides = array<i32>} : memref<16x128x3968xf32, #tpu.memory_space<vmem>>, vector<16x1x3968xf32>,
    %roll3A_578 = arith.constant 1 : i32
    %roll3A_579 = tpu.dynamic_rotate %roll3A_570 by %roll3A_578 dim 1 : vector<16x4096xf32>, i32 -> vector<16x4096xf32>
    %slice3A_580 = vector.extract_strided_slice %roll3A_579 {offsets = [0, 0], sizes = [16, 3968], strides = [1, 1]} : vector<16x4096xf32> to vector<16x3968xf32>
    %swap3A_581 = arith.constant 0 : index
    %swap3A_582 = arith.constant 30 : index
    %swap3A_583 = arith.constant 0 : index
    %swap3A_584 = vector.load %arg1[%swap3A_581, %swap3A_582, %swap3A_583] : memref<16x128x3968xf32, #tpu.memory_space<vmem>>, vector<16x1x3968xf32>
    %swap3A_585 = vector.shape_cast %swap3A_584 : vector<16x1x3968xf32> to vector<16x3968xf32>
    %swap3A_586 = vector.shape_cast %slice3A_580 : vector<16x3968xf32> to vector<16x1x3968xf32>
    tpu.vector_store %arg1[%swap3A_581, %swap3A_582, %swap3A_583], %swap3A_586 {strides = array<i32>} : memref<16x128x3968xf32, #tpu.memory_space<vmem>>, vector<16x1x3968xf32>,
    %roll3A_587 = arith.constant 1 : i32
    %roll3A_588 = tpu.dynamic_rotate %roll3A_579 by %roll3A_587 dim 1 : vector<16x4096xf32>, i32 -> vector<16x4096xf32>
    %slice3A_589 = vector.extract_strided_slice %roll3A_588 {offsets = [0, 0], sizes = [16, 3968], strides = [1, 1]} : vector<16x4096xf32> to vector<16x3968xf32>
    %swap3A_590 = arith.constant 0 : index
    %swap3A_591 = arith.constant 31 : index
    %swap3A_592 = arith.constant 0 : index
    %swap3A_593 = vector.load %arg1[%swap3A_590, %swap3A_591, %swap3A_592] : memref<16x128x3968xf32, #tpu.memory_space<vmem>>, vector<16x1x3968xf32>
    %swap3A_594 = vector.shape_cast %swap3A_593 : vector<16x1x3968xf32> to vector<16x3968xf32>
    %swap3A_595 = vector.shape_cast %slice3A_589 : vector<16x3968xf32> to vector<16x1x3968xf32>
    tpu.vector_store %arg1[%swap3A_590, %swap3A_591, %swap3A_592], %swap3A_595 {strides = array<i32>} : memref<16x128x3968xf32, #tpu.memory_space<vmem>>, vector<16x1x3968xf32>,
    %roll3A_596 = arith.constant 1 : i32
    %roll3A_597 = tpu.dynamic_rotate %roll3A_588 by %roll3A_596 dim 1 : vector<16x4096xf32>, i32 -> vector<16x4096xf32>
    %slice3A_598 = vector.extract_strided_slice %roll3A_597 {offsets = [0, 0], sizes = [16, 3968], strides = [1, 1]} : vector<16x4096xf32> to vector<16x3968xf32>
    %swap3A_599 = arith.constant 0 : index
    %swap3A_600 = arith.constant 32 : index
    %swap3A_601 = arith.constant 0 : index
    %swap3A_602 = vector.load %arg1[%swap3A_599, %swap3A_600, %swap3A_601] : memref<16x128x3968xf32, #tpu.memory_space<vmem>>, vector<16x1x3968xf32>
    %swap3A_603 = vector.shape_cast %swap3A_602 : vector<16x1x3968xf32> to vector<16x3968xf32>
    %swap3A_604 = vector.shape_cast %slice3A_598 : vector<16x3968xf32> to vector<16x1x3968xf32>
    tpu.vector_store %arg1[%swap3A_599, %swap3A_600, %swap3A_601], %swap3A_604 {strides = array<i32>} : memref<16x128x3968xf32, #tpu.memory_space<vmem>>, vector<16x1x3968xf32>,
    %roll3A_605 = arith.constant 1 : i32
    %roll3A_606 = tpu.dynamic_rotate %roll3A_597 by %roll3A_605 dim 1 : vector<16x4096xf32>, i32 -> vector<16x4096xf32>
    %slice3A_607 = vector.extract_strided_slice %roll3A_606 {offsets = [0, 0], sizes = [16, 3968], strides = [1, 1]} : vector<16x4096xf32> to vector<16x3968xf32>
    %swap3A_608 = arith.constant 0 : index
    %swap3A_609 = arith.constant 33 : index
    %swap3A_610 = arith.constant 0 : index
    %swap3A_611 = vector.load %arg1[%swap3A_608, %swap3A_609, %swap3A_610] : memref<16x128x3968xf32, #tpu.memory_space<vmem>>, vector<16x1x3968xf32>
    %swap3A_612 = vector.shape_cast %swap3A_611 : vector<16x1x3968xf32> to vector<16x3968xf32>
    %swap3A_613 = vector.shape_cast %slice3A_607 : vector<16x3968xf32> to vector<16x1x3968xf32>
    tpu.vector_store %arg1[%swap3A_608, %swap3A_609, %swap3A_610], %swap3A_613 {strides = array<i32>} : memref<16x128x3968xf32, #tpu.memory_space<vmem>>, vector<16x1x3968xf32>,
    %roll3A_614 = arith.constant 1 : i32
    %roll3A_615 = tpu.dynamic_rotate %roll3A_606 by %roll3A_614 dim 1 : vector<16x4096xf32>, i32 -> vector<16x4096xf32>
    %slice3A_616 = vector.extract_strided_slice %roll3A_615 {offsets = [0, 0], sizes = [16, 3968], strides = [1, 1]} : vector<16x4096xf32> to vector<16x3968xf32>
    %swap3A_617 = arith.constant 0 : index
    %swap3A_618 = arith.constant 34 : index
    %swap3A_619 = arith.constant 0 : index
    %swap3A_620 = vector.load %arg1[%swap3A_617, %swap3A_618, %swap3A_619] : memref<16x128x3968xf32, #tpu.memory_space<vmem>>, vector<16x1x3968xf32>
    %swap3A_621 = vector.shape_cast %swap3A_620 : vector<16x1x3968xf32> to vector<16x3968xf32>
    %swap3A_622 = vector.shape_cast %slice3A_616 : vector<16x3968xf32> to vector<16x1x3968xf32>
    tpu.vector_store %arg1[%swap3A_617, %swap3A_618, %swap3A_619], %swap3A_622 {strides = array<i32>} : memref<16x128x3968xf32, #tpu.memory_space<vmem>>, vector<16x1x3968xf32>,
    %roll3A_623 = arith.constant 1 : i32
    %roll3A_624 = tpu.dynamic_rotate %roll3A_615 by %roll3A_623 dim 1 : vector<16x4096xf32>, i32 -> vector<16x4096xf32>
    %slice3A_625 = vector.extract_strided_slice %roll3A_624 {offsets = [0, 0], sizes = [16, 3968], strides = [1, 1]} : vector<16x4096xf32> to vector<16x3968xf32>
    %swap3A_626 = arith.constant 0 : index
    %swap3A_627 = arith.constant 35 : index
    %swap3A_628 = arith.constant 0 : index
    %swap3A_629 = vector.load %arg1[%swap3A_626, %swap3A_627, %swap3A_628] : memref<16x128x3968xf32, #tpu.memory_space<vmem>>, vector<16x1x3968xf32>
    %swap3A_630 = vector.shape_cast %swap3A_629 : vector<16x1x3968xf32> to vector<16x3968xf32>
    %swap3A_631 = vector.shape_cast %slice3A_625 : vector<16x3968xf32> to vector<16x1x3968xf32>
    tpu.vector_store %arg1[%swap3A_626, %swap3A_627, %swap3A_628], %swap3A_631 {strides = array<i32>} : memref<16x128x3968xf32, #tpu.memory_space<vmem>>, vector<16x1x3968xf32>,
    %roll3A_632 = arith.constant 1 : i32
    %roll3A_633 = tpu.dynamic_rotate %roll3A_624 by %roll3A_632 dim 1 : vector<16x4096xf32>, i32 -> vector<16x4096xf32>
    %slice3A_634 = vector.extract_strided_slice %roll3A_633 {offsets = [0, 0], sizes = [16, 3968], strides = [1, 1]} : vector<16x4096xf32> to vector<16x3968xf32>
    %swap3A_635 = arith.constant 0 : index
    %swap3A_636 = arith.constant 36 : index
    %swap3A_637 = arith.constant 0 : index
    %swap3A_638 = vector.load %arg1[%swap3A_635, %swap3A_636, %swap3A_637] : memref<16x128x3968xf32, #tpu.memory_space<vmem>>, vector<16x1x3968xf32>
    %swap3A_639 = vector.shape_cast %swap3A_638 : vector<16x1x3968xf32> to vector<16x3968xf32>
    %swap3A_640 = vector.shape_cast %slice3A_634 : vector<16x3968xf32> to vector<16x1x3968xf32>
    tpu.vector_store %arg1[%swap3A_635, %swap3A_636, %swap3A_637], %swap3A_640 {strides = array<i32>} : memref<16x128x3968xf32, #tpu.memory_space<vmem>>, vector<16x1x3968xf32>,
    %roll3A_641 = arith.constant 1 : i32
    %roll3A_642 = tpu.dynamic_rotate %roll3A_633 by %roll3A_641 dim 1 : vector<16x4096xf32>, i32 -> vector<16x4096xf32>
    %slice3A_643 = vector.extract_strided_slice %roll3A_642 {offsets = [0, 0], sizes = [16, 3968], strides = [1, 1]} : vector<16x4096xf32> to vector<16x3968xf32>
    %swap3A_644 = arith.constant 0 : index
    %swap3A_645 = arith.constant 37 : index
    %swap3A_646 = arith.constant 0 : index
    %swap3A_647 = vector.load %arg1[%swap3A_644, %swap3A_645, %swap3A_646] : memref<16x128x3968xf32, #tpu.memory_space<vmem>>, vector<16x1x3968xf32>
    %swap3A_648 = vector.shape_cast %swap3A_647 : vector<16x1x3968xf32> to vector<16x3968xf32>
    %swap3A_649 = vector.shape_cast %slice3A_643 : vector<16x3968xf32> to vector<16x1x3968xf32>
    tpu.vector_store %arg1[%swap3A_644, %swap3A_645, %swap3A_646], %swap3A_649 {strides = array<i32>} : memref<16x128x3968xf32, #tpu.memory_space<vmem>>, vector<16x1x3968xf32>,
    %roll3A_650 = arith.constant 1 : i32
    %roll3A_651 = tpu.dynamic_rotate %roll3A_642 by %roll3A_650 dim 1 : vector<16x4096xf32>, i32 -> vector<16x4096xf32>
    %slice3A_652 = vector.extract_strided_slice %roll3A_651 {offsets = [0, 0], sizes = [16, 3968], strides = [1, 1]} : vector<16x4096xf32> to vector<16x3968xf32>
    %swap3A_653 = arith.constant 0 : index
    %swap3A_654 = arith.constant 38 : index
    %swap3A_655 = arith.constant 0 : index
    %swap3A_656 = vector.load %arg1[%swap3A_653, %swap3A_654, %swap3A_655] : memref<16x128x3968xf32, #tpu.memory_space<vmem>>, vector<16x1x3968xf32>
    %swap3A_657 = vector.shape_cast %swap3A_656 : vector<16x1x3968xf32> to vector<16x3968xf32>
    %swap3A_658 = vector.shape_cast %slice3A_652 : vector<16x3968xf32> to vector<16x1x3968xf32>
    tpu.vector_store %arg1[%swap3A_653, %swap3A_654, %swap3A_655], %swap3A_658 {strides = array<i32>} : memref<16x128x3968xf32, #tpu.memory_space<vmem>>, vector<16x1x3968xf32>,
    %roll3A_659 = arith.constant 1 : i32
    %roll3A_660 = tpu.dynamic_rotate %roll3A_651 by %roll3A_659 dim 1 : vector<16x4096xf32>, i32 -> vector<16x4096xf32>
    %slice3A_661 = vector.extract_strided_slice %roll3A_660 {offsets = [0, 0], sizes = [16, 3968], strides = [1, 1]} : vector<16x4096xf32> to vector<16x3968xf32>
    %swap3A_662 = arith.constant 0 : index
    %swap3A_663 = arith.constant 39 : index
    %swap3A_664 = arith.constant 0 : index
    %swap3A_665 = vector.load %arg1[%swap3A_662, %swap3A_663, %swap3A_664] : memref<16x128x3968xf32, #tpu.memory_space<vmem>>, vector<16x1x3968xf32>
    %swap3A_666 = vector.shape_cast %swap3A_665 : vector<16x1x3968xf32> to vector<16x3968xf32>
    %swap3A_667 = vector.shape_cast %slice3A_661 : vector<16x3968xf32> to vector<16x1x3968xf32>
    tpu.vector_store %arg1[%swap3A_662, %swap3A_663, %swap3A_664], %swap3A_667 {strides = array<i32>} : memref<16x128x3968xf32, #tpu.memory_space<vmem>>, vector<16x1x3968xf32>,
    %roll3A_668 = arith.constant 1 : i32
    %roll3A_669 = tpu.dynamic_rotate %roll3A_660 by %roll3A_668 dim 1 : vector<16x4096xf32>, i32 -> vector<16x4096xf32>
    %slice3A_670 = vector.extract_strided_slice %roll3A_669 {offsets = [0, 0], sizes = [16, 3968], strides = [1, 1]} : vector<16x4096xf32> to vector<16x3968xf32>
    %swap3A_671 = arith.constant 0 : index
    %swap3A_672 = arith.constant 40 : index
    %swap3A_673 = arith.constant 0 : index
    %swap3A_674 = vector.load %arg1[%swap3A_671, %swap3A_672, %swap3A_673] : memref<16x128x3968xf32, #tpu.memory_space<vmem>>, vector<16x1x3968xf32>
    %swap3A_675 = vector.shape_cast %swap3A_674 : vector<16x1x3968xf32> to vector<16x3968xf32>
    %swap3A_676 = vector.shape_cast %slice3A_670 : vector<16x3968xf32> to vector<16x1x3968xf32>
    tpu.vector_store %arg1[%swap3A_671, %swap3A_672, %swap3A_673], %swap3A_676 {strides = array<i32>} : memref<16x128x3968xf32, #tpu.memory_space<vmem>>, vector<16x1x3968xf32>,
    %roll3A_677 = arith.constant 1 : i32
    %roll3A_678 = tpu.dynamic_rotate %roll3A_669 by %roll3A_677 dim 1 : vector<16x4096xf32>, i32 -> vector<16x4096xf32>
    %slice3A_679 = vector.extract_strided_slice %roll3A_678 {offsets = [0, 0], sizes = [16, 3968], strides = [1, 1]} : vector<16x4096xf32> to vector<16x3968xf32>
    %swap3A_680 = arith.constant 0 : index
    %swap3A_681 = arith.constant 41 : index
    %swap3A_682 = arith.constant 0 : index
    %swap3A_683 = vector.load %arg1[%swap3A_680, %swap3A_681, %swap3A_682] : memref<16x128x3968xf32, #tpu.memory_space<vmem>>, vector<16x1x3968xf32>
    %swap3A_684 = vector.shape_cast %swap3A_683 : vector<16x1x3968xf32> to vector<16x3968xf32>
    %swap3A_685 = vector.shape_cast %slice3A_679 : vector<16x3968xf32> to vector<16x1x3968xf32>
    tpu.vector_store %arg1[%swap3A_680, %swap3A_681, %swap3A_682], %swap3A_685 {strides = array<i32>} : memref<16x128x3968xf32, #tpu.memory_space<vmem>>, vector<16x1x3968xf32>,
    %roll3A_686 = arith.constant 1 : i32
    %roll3A_687 = tpu.dynamic_rotate %roll3A_678 by %roll3A_686 dim 1 : vector<16x4096xf32>, i32 -> vector<16x4096xf32>
    %slice3A_688 = vector.extract_strided_slice %roll3A_687 {offsets = [0, 0], sizes = [16, 3968], strides = [1, 1]} : vector<16x4096xf32> to vector<16x3968xf32>
    %swap3A_689 = arith.constant 0 : index
    %swap3A_690 = arith.constant 42 : index
    %swap3A_691 = arith.constant 0 : index
    %swap3A_692 = vector.load %arg1[%swap3A_689, %swap3A_690, %swap3A_691] : memref<16x128x3968xf32, #tpu.memory_space<vmem>>, vector<16x1x3968xf32>
    %swap3A_693 = vector.shape_cast %swap3A_692 : vector<16x1x3968xf32> to vector<16x3968xf32>
    %swap3A_694 = vector.shape_cast %slice3A_688 : vector<16x3968xf32> to vector<16x1x3968xf32>
    tpu.vector_store %arg1[%swap3A_689, %swap3A_690, %swap3A_691], %swap3A_694 {strides = array<i32>} : memref<16x128x3968xf32, #tpu.memory_space<vmem>>, vector<16x1x3968xf32>,
    %roll3A_695 = arith.constant 1 : i32
    %roll3A_696 = tpu.dynamic_rotate %roll3A_687 by %roll3A_695 dim 1 : vector<16x4096xf32>, i32 -> vector<16x4096xf32>
    %slice3A_697 = vector.extract_strided_slice %roll3A_696 {offsets = [0, 0], sizes = [16, 3968], strides = [1, 1]} : vector<16x4096xf32> to vector<16x3968xf32>
    %swap3A_698 = arith.constant 0 : index
    %swap3A_699 = arith.constant 43 : index
    %swap3A_700 = arith.constant 0 : index
    %swap3A_701 = vector.load %arg1[%swap3A_698, %swap3A_699, %swap3A_700] : memref<16x128x3968xf32, #tpu.memory_space<vmem>>, vector<16x1x3968xf32>
    %swap3A_702 = vector.shape_cast %swap3A_701 : vector<16x1x3968xf32> to vector<16x3968xf32>
    %swap3A_703 = vector.shape_cast %slice3A_697 : vector<16x3968xf32> to vector<16x1x3968xf32>
    tpu.vector_store %arg1[%swap3A_698, %swap3A_699, %swap3A_700], %swap3A_703 {strides = array<i32>} : memref<16x128x3968xf32, #tpu.memory_space<vmem>>, vector<16x1x3968xf32>,
    %roll3A_704 = arith.constant 1 : i32
    %roll3A_705 = tpu.dynamic_rotate %roll3A_696 by %roll3A_704 dim 1 : vector<16x4096xf32>, i32 -> vector<16x4096xf32>
    %slice3A_706 = vector.extract_strided_slice %roll3A_705 {offsets = [0, 0], sizes = [16, 3968], strides = [1, 1]} : vector<16x4096xf32> to vector<16x3968xf32>
    %swap3A_707 = arith.constant 0 : index
    %swap3A_708 = arith.constant 44 : index
    %swap3A_709 = arith.constant 0 : index
    %swap3A_710 = vector.load %arg1[%swap3A_707, %swap3A_708, %swap3A_709] : memref<16x128x3968xf32, #tpu.memory_space<vmem>>, vector<16x1x3968xf32>
    %swap3A_711 = vector.shape_cast %swap3A_710 : vector<16x1x3968xf32> to vector<16x3968xf32>
    %swap3A_712 = vector.shape_cast %slice3A_706 : vector<16x3968xf32> to vector<16x1x3968xf32>
    tpu.vector_store %arg1[%swap3A_707, %swap3A_708, %swap3A_709], %swap3A_712 {strides = array<i32>} : memref<16x128x3968xf32, #tpu.memory_space<vmem>>, vector<16x1x3968xf32>,
    %roll3A_713 = arith.constant 1 : i32
    %roll3A_714 = tpu.dynamic_rotate %roll3A_705 by %roll3A_713 dim 1 : vector<16x4096xf32>, i32 -> vector<16x4096xf32>
    %slice3A_715 = vector.extract_strided_slice %roll3A_714 {offsets = [0, 0], sizes = [16, 3968], strides = [1, 1]} : vector<16x4096xf32> to vector<16x3968xf32>
    %swap3A_716 = arith.constant 0 : index
    %swap3A_717 = arith.constant 45 : index
    %swap3A_718 = arith.constant 0 : index
    %swap3A_719 = vector.load %arg1[%swap3A_716, %swap3A_717, %swap3A_718] : memref<16x128x3968xf32, #tpu.memory_space<vmem>>, vector<16x1x3968xf32>
    %swap3A_720 = vector.shape_cast %swap3A_719 : vector<16x1x3968xf32> to vector<16x3968xf32>
    %swap3A_721 = vector.shape_cast %slice3A_715 : vector<16x3968xf32> to vector<16x1x3968xf32>
    tpu.vector_store %arg1[%swap3A_716, %swap3A_717, %swap3A_718], %swap3A_721 {strides = array<i32>} : memref<16x128x3968xf32, #tpu.memory_space<vmem>>, vector<16x1x3968xf32>,
    %roll3A_722 = arith.constant 1 : i32
    %roll3A_723 = tpu.dynamic_rotate %roll3A_714 by %roll3A_722 dim 1 : vector<16x4096xf32>, i32 -> vector<16x4096xf32>
    %slice3A_724 = vector.extract_strided_slice %roll3A_723 {offsets = [0, 0], sizes = [16, 3968], strides = [1, 1]} : vector<16x4096xf32> to vector<16x3968xf32>
    %swap3A_725 = arith.constant 0 : index
    %swap3A_726 = arith.constant 46 : index
    %swap3A_727 = arith.constant 0 : index
    %swap3A_728 = vector.load %arg1[%swap3A_725, %swap3A_726, %swap3A_727] : memref<16x128x3968xf32, #tpu.memory_space<vmem>>, vector<16x1x3968xf32>
    %swap3A_729 = vector.shape_cast %swap3A_728 : vector<16x1x3968xf32> to vector<16x3968xf32>
    %swap3A_730 = vector.shape_cast %slice3A_724 : vector<16x3968xf32> to vector<16x1x3968xf32>
    tpu.vector_store %arg1[%swap3A_725, %swap3A_726, %swap3A_727], %swap3A_730 {strides = array<i32>} : memref<16x128x3968xf32, #tpu.memory_space<vmem>>, vector<16x1x3968xf32>,
    %roll3A_731 = arith.constant 1 : i32
    %roll3A_732 = tpu.dynamic_rotate %roll3A_723 by %roll3A_731 dim 1 : vector<16x4096xf32>, i32 -> vector<16x4096xf32>
    %slice3A_733 = vector.extract_strided_slice %roll3A_732 {offsets = [0, 0], sizes = [16, 3968], strides = [1, 1]} : vector<16x4096xf32> to vector<16x3968xf32>
    %swap3A_734 = arith.constant 0 : index
    %swap3A_735 = arith.constant 47 : index
    %swap3A_736 = arith.constant 0 : index
    %swap3A_737 = vector.load %arg1[%swap3A_734, %swap3A_735, %swap3A_736] : memref<16x128x3968xf32, #tpu.memory_space<vmem>>, vector<16x1x3968xf32>
    %swap3A_738 = vector.shape_cast %swap3A_737 : vector<16x1x3968xf32> to vector<16x3968xf32>
    %swap3A_739 = vector.shape_cast %slice3A_733 : vector<16x3968xf32> to vector<16x1x3968xf32>
    tpu.vector_store %arg1[%swap3A_734, %swap3A_735, %swap3A_736], %swap3A_739 {strides = array<i32>} : memref<16x128x3968xf32, #tpu.memory_space<vmem>>, vector<16x1x3968xf32>,
    %roll3A_740 = arith.constant 1 : i32
    %roll3A_741 = tpu.dynamic_rotate %roll3A_732 by %roll3A_740 dim 1 : vector<16x4096xf32>, i32 -> vector<16x4096xf32>
    %slice3A_742 = vector.extract_strided_slice %roll3A_741 {offsets = [0, 0], sizes = [16, 3968], strides = [1, 1]} : vector<16x4096xf32> to vector<16x3968xf32>
    %swap3A_743 = arith.constant 0 : index
    %swap3A_744 = arith.constant 48 : index
    %swap3A_745 = arith.constant 0 : index
    %swap3A_746 = vector.load %arg1[%swap3A_743, %swap3A_744, %swap3A_745] : memref<16x128x3968xf32, #tpu.memory_space<vmem>>, vector<16x1x3968xf32>
    %swap3A_747 = vector.shape_cast %swap3A_746 : vector<16x1x3968xf32> to vector<16x3968xf32>
    %swap3A_748 = vector.shape_cast %slice3A_742 : vector<16x3968xf32> to vector<16x1x3968xf32>
    tpu.vector_store %arg1[%swap3A_743, %swap3A_744, %swap3A_745], %swap3A_748 {strides = array<i32>} : memref<16x128x3968xf32, #tpu.memory_space<vmem>>, vector<16x1x3968xf32>,
    %roll3A_749 = arith.constant 1 : i32
    %roll3A_750 = tpu.dynamic_rotate %roll3A_741 by %roll3A_749 dim 1 : vector<16x4096xf32>, i32 -> vector<16x4096xf32>
    %slice3A_751 = vector.extract_strided_slice %roll3A_750 {offsets = [0, 0], sizes = [16, 3968], strides = [1, 1]} : vector<16x4096xf32> to vector<16x3968xf32>
    %swap3A_752 = arith.constant 0 : index
    %swap3A_753 = arith.constant 49 : index
    %swap3A_754 = arith.constant 0 : index
    %swap3A_755 = vector.load %arg1[%swap3A_752, %swap3A_753, %swap3A_754] : memref<16x128x3968xf32, #tpu.memory_space<vmem>>, vector<16x1x3968xf32>
    %swap3A_756 = vector.shape_cast %swap3A_755 : vector<16x1x3968xf32> to vector<16x3968xf32>
    %swap3A_757 = vector.shape_cast %slice3A_751 : vector<16x3968xf32> to vector<16x1x3968xf32>
    tpu.vector_store %arg1[%swap3A_752, %swap3A_753, %swap3A_754], %swap3A_757 {strides = array<i32>} : memref<16x128x3968xf32, #tpu.memory_space<vmem>>, vector<16x1x3968xf32>,
    %roll3A_758 = arith.constant 1 : i32
    %roll3A_759 = tpu.dynamic_rotate %roll3A_750 by %roll3A_758 dim 1 : vector<16x4096xf32>, i32 -> vector<16x4096xf32>
    %slice3A_760 = vector.extract_strided_slice %roll3A_759 {offsets = [0, 0], sizes = [16, 3968], strides = [1, 1]} : vector<16x4096xf32> to vector<16x3968xf32>
    %swap3A_761 = arith.constant 0 : index
    %swap3A_762 = arith.constant 50 : index
    %swap3A_763 = arith.constant 0 : index
    %swap3A_764 = vector.load %arg1[%swap3A_761, %swap3A_762, %swap3A_763] : memref<16x128x3968xf32, #tpu.memory_space<vmem>>, vector<16x1x3968xf32>
    %swap3A_765 = vector.shape_cast %swap3A_764 : vector<16x1x3968xf32> to vector<16x3968xf32>
    %swap3A_766 = vector.shape_cast %slice3A_760 : vector<16x3968xf32> to vector<16x1x3968xf32>
    tpu.vector_store %arg1[%swap3A_761, %swap3A_762, %swap3A_763], %swap3A_766 {strides = array<i32>} : memref<16x128x3968xf32, #tpu.memory_space<vmem>>, vector<16x1x3968xf32>,
    %roll3A_767 = arith.constant 1 : i32
    %roll3A_768 = tpu.dynamic_rotate %roll3A_759 by %roll3A_767 dim 1 : vector<16x4096xf32>, i32 -> vector<16x4096xf32>
    %slice3A_769 = vector.extract_strided_slice %roll3A_768 {offsets = [0, 0], sizes = [16, 3968], strides = [1, 1]} : vector<16x4096xf32> to vector<16x3968xf32>
    %swap3A_770 = arith.constant 0 : index
    %swap3A_771 = arith.constant 51 : index
    %swap3A_772 = arith.constant 0 : index
    %swap3A_773 = vector.load %arg1[%swap3A_770, %swap3A_771, %swap3A_772] : memref<16x128x3968xf32, #tpu.memory_space<vmem>>, vector<16x1x3968xf32>
    %swap3A_774 = vector.shape_cast %swap3A_773 : vector<16x1x3968xf32> to vector<16x3968xf32>
    %swap3A_775 = vector.shape_cast %slice3A_769 : vector<16x3968xf32> to vector<16x1x3968xf32>
    tpu.vector_store %arg1[%swap3A_770, %swap3A_771, %swap3A_772], %swap3A_775 {strides = array<i32>} : memref<16x128x3968xf32, #tpu.memory_space<vmem>>, vector<16x1x3968xf32>,
    %roll3A_776 = arith.constant 1 : i32
    %roll3A_777 = tpu.dynamic_rotate %roll3A_768 by %roll3A_776 dim 1 : vector<16x4096xf32>, i32 -> vector<16x4096xf32>
    %slice3A_778 = vector.extract_strided_slice %roll3A_777 {offsets = [0, 0], sizes = [16, 3968], strides = [1, 1]} : vector<16x4096xf32> to vector<16x3968xf32>
    %swap3A_779 = arith.constant 0 : index
    %swap3A_780 = arith.constant 52 : index
    %swap3A_781 = arith.constant 0 : index
    %swap3A_782 = vector.load %arg1[%swap3A_779, %swap3A_780, %swap3A_781] : memref<16x128x3968xf32, #tpu.memory_space<vmem>>, vector<16x1x3968xf32>
    %swap3A_783 = vector.shape_cast %swap3A_782 : vector<16x1x3968xf32> to vector<16x3968xf32>
    %swap3A_784 = vector.shape_cast %slice3A_778 : vector<16x3968xf32> to vector<16x1x3968xf32>
    tpu.vector_store %arg1[%swap3A_779, %swap3A_780, %swap3A_781], %swap3A_784 {strides = array<i32>} : memref<16x128x3968xf32, #tpu.memory_space<vmem>>, vector<16x1x3968xf32>,
    %roll3A_785 = arith.constant 1 : i32
    %roll3A_786 = tpu.dynamic_rotate %roll3A_777 by %roll3A_785 dim 1 : vector<16x4096xf32>, i32 -> vector<16x4096xf32>
    %slice3A_787 = vector.extract_strided_slice %roll3A_786 {offsets = [0, 0], sizes = [16, 3968], strides = [1, 1]} : vector<16x4096xf32> to vector<16x3968xf32>
    %swap3A_788 = arith.constant 0 : index
    %swap3A_789 = arith.constant 53 : index
    %swap3A_790 = arith.constant 0 : index
    %swap3A_791 = vector.load %arg1[%swap3A_788, %swap3A_789, %swap3A_790] : memref<16x128x3968xf32, #tpu.memory_space<vmem>>, vector<16x1x3968xf32>
    %swap3A_792 = vector.shape_cast %swap3A_791 : vector<16x1x3968xf32> to vector<16x3968xf32>
    %swap3A_793 = vector.shape_cast %slice3A_787 : vector<16x3968xf32> to vector<16x1x3968xf32>
    tpu.vector_store %arg1[%swap3A_788, %swap3A_789, %swap3A_790], %swap3A_793 {strides = array<i32>} : memref<16x128x3968xf32, #tpu.memory_space<vmem>>, vector<16x1x3968xf32>,
    %roll3A_794 = arith.constant 1 : i32
    %roll3A_795 = tpu.dynamic_rotate %roll3A_786 by %roll3A_794 dim 1 : vector<16x4096xf32>, i32 -> vector<16x4096xf32>
    %slice3A_796 = vector.extract_strided_slice %roll3A_795 {offsets = [0, 0], sizes = [16, 3968], strides = [1, 1]} : vector<16x4096xf32> to vector<16x3968xf32>
    %swap3A_797 = arith.constant 0 : index
    %swap3A_798 = arith.constant 54 : index
    %swap3A_799 = arith.constant 0 : index
    %swap3A_800 = vector.load %arg1[%swap3A_797, %swap3A_798, %swap3A_799] : memref<16x128x3968xf32, #tpu.memory_space<vmem>>, vector<16x1x3968xf32>
    %swap3A_801 = vector.shape_cast %swap3A_800 : vector<16x1x3968xf32> to vector<16x3968xf32>
    %swap3A_802 = vector.shape_cast %slice3A_796 : vector<16x3968xf32> to vector<16x1x3968xf32>
    tpu.vector_store %arg1[%swap3A_797, %swap3A_798, %swap3A_799], %swap3A_802 {strides = array<i32>} : memref<16x128x3968xf32, #tpu.memory_space<vmem>>, vector<16x1x3968xf32>,
    %roll3A_803 = arith.constant 1 : i32
    %roll3A_804 = tpu.dynamic_rotate %roll3A_795 by %roll3A_803 dim 1 : vector<16x4096xf32>, i32 -> vector<16x4096xf32>
    %slice3A_805 = vector.extract_strided_slice %roll3A_804 {offsets = [0, 0], sizes = [16, 3968], strides = [1, 1]} : vector<16x4096xf32> to vector<16x3968xf32>
    %swap3A_806 = arith.constant 0 : index
    %swap3A_807 = arith.constant 55 : index
    %swap3A_808 = arith.constant 0 : index
    %swap3A_809 = vector.load %arg1[%swap3A_806, %swap3A_807, %swap3A_808] : memref<16x128x3968xf32, #tpu.memory_space<vmem>>, vector<16x1x3968xf32>
    %swap3A_810 = vector.shape_cast %swap3A_809 : vector<16x1x3968xf32> to vector<16x3968xf32>
    %swap3A_811 = vector.shape_cast %slice3A_805 : vector<16x3968xf32> to vector<16x1x3968xf32>
    tpu.vector_store %arg1[%swap3A_806, %swap3A_807, %swap3A_808], %swap3A_811 {strides = array<i32>} : memref<16x128x3968xf32, #tpu.memory_space<vmem>>, vector<16x1x3968xf32>,
    %roll3A_812 = arith.constant 1 : i32
    %roll3A_813 = tpu.dynamic_rotate %roll3A_804 by %roll3A_812 dim 1 : vector<16x4096xf32>, i32 -> vector<16x4096xf32>
    %slice3A_814 = vector.extract_strided_slice %roll3A_813 {offsets = [0, 0], sizes = [16, 3968], strides = [1, 1]} : vector<16x4096xf32> to vector<16x3968xf32>
    %swap3A_815 = arith.constant 0 : index
    %swap3A_816 = arith.constant 56 : index
    %swap3A_817 = arith.constant 0 : index
    %swap3A_818 = vector.load %arg1[%swap3A_815, %swap3A_816, %swap3A_817] : memref<16x128x3968xf32, #tpu.memory_space<vmem>>, vector<16x1x3968xf32>
    %swap3A_819 = vector.shape_cast %swap3A_818 : vector<16x1x3968xf32> to vector<16x3968xf32>
    %swap3A_820 = vector.shape_cast %slice3A_814 : vector<16x3968xf32> to vector<16x1x3968xf32>
    tpu.vector_store %arg1[%swap3A_815, %swap3A_816, %swap3A_817], %swap3A_820 {strides = array<i32>} : memref<16x128x3968xf32, #tpu.memory_space<vmem>>, vector<16x1x3968xf32>,
    %roll3A_821 = arith.constant 1 : i32
    %roll3A_822 = tpu.dynamic_rotate %roll3A_813 by %roll3A_821 dim 1 : vector<16x4096xf32>, i32 -> vector<16x4096xf32>
    %slice3A_823 = vector.extract_strided_slice %roll3A_822 {offsets = [0, 0], sizes = [16, 3968], strides = [1, 1]} : vector<16x4096xf32> to vector<16x3968xf32>
    %swap3A_824 = arith.constant 0 : index
    %swap3A_825 = arith.constant 57 : index
    %swap3A_826 = arith.constant 0 : index
    %swap3A_827 = vector.load %arg1[%swap3A_824, %swap3A_825, %swap3A_826] : memref<16x128x3968xf32, #tpu.memory_space<vmem>>, vector<16x1x3968xf32>
    %swap3A_828 = vector.shape_cast %swap3A_827 : vector<16x1x3968xf32> to vector<16x3968xf32>
    %swap3A_829 = vector.shape_cast %slice3A_823 : vector<16x3968xf32> to vector<16x1x3968xf32>
    tpu.vector_store %arg1[%swap3A_824, %swap3A_825, %swap3A_826], %swap3A_829 {strides = array<i32>} : memref<16x128x3968xf32, #tpu.memory_space<vmem>>, vector<16x1x3968xf32>,
    %roll3A_830 = arith.constant 1 : i32
    %roll3A_831 = tpu.dynamic_rotate %roll3A_822 by %roll3A_830 dim 1 : vector<16x4096xf32>, i32 -> vector<16x4096xf32>
    %slice3A_832 = vector.extract_strided_slice %roll3A_831 {offsets = [0, 0], sizes = [16, 3968], strides = [1, 1]} : vector<16x4096xf32> to vector<16x3968xf32>
    %swap3A_833 = arith.constant 0 : index
    %swap3A_834 = arith.constant 58 : index
    %swap3A_835 = arith.constant 0 : index
    %swap3A_836 = vector.load %arg1[%swap3A_833, %swap3A_834, %swap3A_835] : memref<16x128x3968xf32, #tpu.memory_space<vmem>>, vector<16x1x3968xf32>
    %swap3A_837 = vector.shape_cast %swap3A_836 : vector<16x1x3968xf32> to vector<16x3968xf32>
    %swap3A_838 = vector.shape_cast %slice3A_832 : vector<16x3968xf32> to vector<16x1x3968xf32>
    tpu.vector_store %arg1[%swap3A_833, %swap3A_834, %swap3A_835], %swap3A_838 {strides = array<i32>} : memref<16x128x3968xf32, #tpu.memory_space<vmem>>, vector<16x1x3968xf32>,
    %roll3A_839 = arith.constant 1 : i32
    %roll3A_840 = tpu.dynamic_rotate %roll3A_831 by %roll3A_839 dim 1 : vector<16x4096xf32>, i32 -> vector<16x4096xf32>
    %slice3A_841 = vector.extract_strided_slice %roll3A_840 {offsets = [0, 0], sizes = [16, 3968], strides = [1, 1]} : vector<16x4096xf32> to vector<16x3968xf32>
    %swap3A_842 = arith.constant 0 : index
    %swap3A_843 = arith.constant 59 : index
    %swap3A_844 = arith.constant 0 : index
    %swap3A_845 = vector.load %arg1[%swap3A_842, %swap3A_843, %swap3A_844] : memref<16x128x3968xf32, #tpu.memory_space<vmem>>, vector<16x1x3968xf32>
    %swap3A_846 = vector.shape_cast %swap3A_845 : vector<16x1x3968xf32> to vector<16x3968xf32>
    %swap3A_847 = vector.shape_cast %slice3A_841 : vector<16x3968xf32> to vector<16x1x3968xf32>
    tpu.vector_store %arg1[%swap3A_842, %swap3A_843, %swap3A_844], %swap3A_847 {strides = array<i32>} : memref<16x128x3968xf32, #tpu.memory_space<vmem>>, vector<16x1x3968xf32>,
    %roll3A_848 = arith.constant 1 : i32
    %roll3A_849 = tpu.dynamic_rotate %roll3A_840 by %roll3A_848 dim 1 : vector<16x4096xf32>, i32 -> vector<16x4096xf32>
    %slice3A_850 = vector.extract_strided_slice %roll3A_849 {offsets = [0, 0], sizes = [16, 3968], strides = [1, 1]} : vector<16x4096xf32> to vector<16x3968xf32>
    %swap3A_851 = arith.constant 0 : index
    %swap3A_852 = arith.constant 60 : index
    %swap3A_853 = arith.constant 0 : index
    %swap3A_854 = vector.load %arg1[%swap3A_851, %swap3A_852, %swap3A_853] : memref<16x128x3968xf32, #tpu.memory_space<vmem>>, vector<16x1x3968xf32>
    %swap3A_855 = vector.shape_cast %swap3A_854 : vector<16x1x3968xf32> to vector<16x3968xf32>
    %swap3A_856 = vector.shape_cast %slice3A_850 : vector<16x3968xf32> to vector<16x1x3968xf32>
    tpu.vector_store %arg1[%swap3A_851, %swap3A_852, %swap3A_853], %swap3A_856 {strides = array<i32>} : memref<16x128x3968xf32, #tpu.memory_space<vmem>>, vector<16x1x3968xf32>,
    %roll3A_857 = arith.constant 1 : i32
    %roll3A_858 = tpu.dynamic_rotate %roll3A_849 by %roll3A_857 dim 1 : vector<16x4096xf32>, i32 -> vector<16x4096xf32>
    %slice3A_859 = vector.extract_strided_slice %roll3A_858 {offsets = [0, 0], sizes = [16, 3968], strides = [1, 1]} : vector<16x4096xf32> to vector<16x3968xf32>
    %swap3A_860 = arith.constant 0 : index
    %swap3A_861 = arith.constant 61 : index
    %swap3A_862 = arith.constant 0 : index
    %swap3A_863 = vector.load %arg1[%swap3A_860, %swap3A_861, %swap3A_862] : memref<16x128x3968xf32, #tpu.memory_space<vmem>>, vector<16x1x3968xf32>
    %swap3A_864 = vector.shape_cast %swap3A_863 : vector<16x1x3968xf32> to vector<16x3968xf32>
    %swap3A_865 = vector.shape_cast %slice3A_859 : vector<16x3968xf32> to vector<16x1x3968xf32>
    tpu.vector_store %arg1[%swap3A_860, %swap3A_861, %swap3A_862], %swap3A_865 {strides = array<i32>} : memref<16x128x3968xf32, #tpu.memory_space<vmem>>, vector<16x1x3968xf32>,
    %roll3A_866 = arith.constant 1 : i32
    %roll3A_867 = tpu.dynamic_rotate %roll3A_858 by %roll3A_866 dim 1 : vector<16x4096xf32>, i32 -> vector<16x4096xf32>
    %slice3A_868 = vector.extract_strided_slice %roll3A_867 {offsets = [0, 0], sizes = [16, 3968], strides = [1, 1]} : vector<16x4096xf32> to vector<16x3968xf32>
    %swap3A_869 = arith.constant 0 : index
    %swap3A_870 = arith.constant 62 : index
    %swap3A_871 = arith.constant 0 : index
    %swap3A_872 = vector.load %arg1[%swap3A_869, %swap3A_870, %swap3A_871] : memref<16x128x3968xf32, #tpu.memory_space<vmem>>, vector<16x1x3968xf32>
    %swap3A_873 = vector.shape_cast %swap3A_872 : vector<16x1x3968xf32> to vector<16x3968xf32>
    %swap3A_874 = vector.shape_cast %slice3A_868 : vector<16x3968xf32> to vector<16x1x3968xf32>
    tpu.vector_store %arg1[%swap3A_869, %swap3A_870, %swap3A_871], %swap3A_874 {strides = array<i32>} : memref<16x128x3968xf32, #tpu.memory_space<vmem>>, vector<16x1x3968xf32>,
    %roll3A_875 = arith.constant 1 : i32
    %roll3A_876 = tpu.dynamic_rotate %roll3A_867 by %roll3A_875 dim 1 : vector<16x4096xf32>, i32 -> vector<16x4096xf32>
    %slice3A_877 = vector.extract_strided_slice %roll3A_876 {offsets = [0, 0], sizes = [16, 3968], strides = [1, 1]} : vector<16x4096xf32> to vector<16x3968xf32>
    %swap3A_878 = arith.constant 0 : index
    %swap3A_879 = arith.constant 63 : index
    %swap3A_880 = arith.constant 0 : index
    %swap3A_881 = vector.load %arg1[%swap3A_878, %swap3A_879, %swap3A_880] : memref<16x128x3968xf32, #tpu.memory_space<vmem>>, vector<16x1x3968xf32>
    %swap3A_882 = vector.shape_cast %swap3A_881 : vector<16x1x3968xf32> to vector<16x3968xf32>
    %swap3A_883 = vector.shape_cast %slice3A_877 : vector<16x3968xf32> to vector<16x1x3968xf32>
    tpu.vector_store %arg1[%swap3A_878, %swap3A_879, %swap3A_880], %swap3A_883 {strides = array<i32>} : memref<16x128x3968xf32, #tpu.memory_space<vmem>>, vector<16x1x3968xf32>,
    %roll3A_884 = arith.constant 1 : i32
    %roll3A_885 = tpu.dynamic_rotate %roll3A_876 by %roll3A_884 dim 1 : vector<16x4096xf32>, i32 -> vector<16x4096xf32>
    %slice3A_886 = vector.extract_strided_slice %roll3A_885 {offsets = [0, 0], sizes = [16, 3968], strides = [1, 1]} : vector<16x4096xf32> to vector<16x3968xf32>
    %swap3A_887 = arith.constant 0 : index
    %swap3A_888 = arith.constant 64 : index
    %swap3A_889 = arith.constant 0 : index
    %swap3A_890 = vector.load %arg1[%swap3A_887, %swap3A_888, %swap3A_889] : memref<16x128x3968xf32, #tpu.memory_space<vmem>>, vector<16x1x3968xf32>
    %swap3A_891 = vector.shape_cast %swap3A_890 : vector<16x1x3968xf32> to vector<16x3968xf32>
    %swap3A_892 = vector.shape_cast %slice3A_886 : vector<16x3968xf32> to vector<16x1x3968xf32>
    tpu.vector_store %arg1[%swap3A_887, %swap3A_888, %swap3A_889], %swap3A_892 {strides = array<i32>} : memref<16x128x3968xf32, #tpu.memory_space<vmem>>, vector<16x1x3968xf32>,
    %roll3A_893 = arith.constant 1 : i32
    %roll3A_894 = tpu.dynamic_rotate %roll3A_885 by %roll3A_893 dim 1 : vector<16x4096xf32>, i32 -> vector<16x4096xf32>
    %slice3A_895 = vector.extract_strided_slice %roll3A_894 {offsets = [0, 0], sizes = [16, 3968], strides = [1, 1]} : vector<16x4096xf32> to vector<16x3968xf32>
    %swap3A_896 = arith.constant 0 : index
    %swap3A_897 = arith.constant 65 : index
    %swap3A_898 = arith.constant 0 : index
    %swap3A_899 = vector.load %arg1[%swap3A_896, %swap3A_897, %swap3A_898] : memref<16x128x3968xf32, #tpu.memory_space<vmem>>, vector<16x1x3968xf32>
    %swap3A_900 = vector.shape_cast %swap3A_899 : vector<16x1x3968xf32> to vector<16x3968xf32>
    %swap3A_901 = vector.shape_cast %slice3A_895 : vector<16x3968xf32> to vector<16x1x3968xf32>
    tpu.vector_store %arg1[%swap3A_896, %swap3A_897, %swap3A_898], %swap3A_901 {strides = array<i32>} : memref<16x128x3968xf32, #tpu.memory_space<vmem>>, vector<16x1x3968xf32>,
    %roll3A_902 = arith.constant 1 : i32
    %roll3A_903 = tpu.dynamic_rotate %roll3A_894 by %roll3A_902 dim 1 : vector<16x4096xf32>, i32 -> vector<16x4096xf32>
    %slice3A_904 = vector.extract_strided_slice %roll3A_903 {offsets = [0, 0], sizes = [16, 3968], strides = [1, 1]} : vector<16x4096xf32> to vector<16x3968xf32>
    %swap3A_905 = arith.constant 0 : index
    %swap3A_906 = arith.constant 66 : index
    %swap3A_907 = arith.constant 0 : index
    %swap3A_908 = vector.load %arg1[%swap3A_905, %swap3A_906, %swap3A_907] : memref<16x128x3968xf32, #tpu.memory_space<vmem>>, vector<16x1x3968xf32>
    %swap3A_909 = vector.shape_cast %swap3A_908 : vector<16x1x3968xf32> to vector<16x3968xf32>
    %swap3A_910 = vector.shape_cast %slice3A_904 : vector<16x3968xf32> to vector<16x1x3968xf32>
    tpu.vector_store %arg1[%swap3A_905, %swap3A_906, %swap3A_907], %swap3A_910 {strides = array<i32>} : memref<16x128x3968xf32, #tpu.memory_space<vmem>>, vector<16x1x3968xf32>,
    %roll3A_911 = arith.constant 1 : i32
    %roll3A_912 = tpu.dynamic_rotate %roll3A_903 by %roll3A_911 dim 1 : vector<16x4096xf32>, i32 -> vector<16x4096xf32>
    %slice3A_913 = vector.extract_strided_slice %roll3A_912 {offsets = [0, 0], sizes = [16, 3968], strides = [1, 1]} : vector<16x4096xf32> to vector<16x3968xf32>
    %swap3A_914 = arith.constant 0 : index
    %swap3A_915 = arith.constant 67 : index
    %swap3A_916 = arith.constant 0 : index
    %swap3A_917 = vector.load %arg1[%swap3A_914, %swap3A_915, %swap3A_916] : memref<16x128x3968xf32, #tpu.memory_space<vmem>>, vector<16x1x3968xf32>
    %swap3A_918 = vector.shape_cast %swap3A_917 : vector<16x1x3968xf32> to vector<16x3968xf32>
    %swap3A_919 = vector.shape_cast %slice3A_913 : vector<16x3968xf32> to vector<16x1x3968xf32>
    tpu.vector_store %arg1[%swap3A_914, %swap3A_915, %swap3A_916], %swap3A_919 {strides = array<i32>} : memref<16x128x3968xf32, #tpu.memory_space<vmem>>, vector<16x1x3968xf32>,
    %roll3A_920 = arith.constant 1 : i32
    %roll3A_921 = tpu.dynamic_rotate %roll3A_912 by %roll3A_920 dim 1 : vector<16x4096xf32>, i32 -> vector<16x4096xf32>
    %slice3A_922 = vector.extract_strided_slice %roll3A_921 {offsets = [0, 0], sizes = [16, 3968], strides = [1, 1]} : vector<16x4096xf32> to vector<16x3968xf32>
    %swap3A_923 = arith.constant 0 : index
    %swap3A_924 = arith.constant 68 : index
    %swap3A_925 = arith.constant 0 : index
    %swap3A_926 = vector.load %arg1[%swap3A_923, %swap3A_924, %swap3A_925] : memref<16x128x3968xf32, #tpu.memory_space<vmem>>, vector<16x1x3968xf32>
    %swap3A_927 = vector.shape_cast %swap3A_926 : vector<16x1x3968xf32> to vector<16x3968xf32>
    %swap3A_928 = vector.shape_cast %slice3A_922 : vector<16x3968xf32> to vector<16x1x3968xf32>
    tpu.vector_store %arg1[%swap3A_923, %swap3A_924, %swap3A_925], %swap3A_928 {strides = array<i32>} : memref<16x128x3968xf32, #tpu.memory_space<vmem>>, vector<16x1x3968xf32>,
    %roll3A_929 = arith.constant 1 : i32
    %roll3A_930 = tpu.dynamic_rotate %roll3A_921 by %roll3A_929 dim 1 : vector<16x4096xf32>, i32 -> vector<16x4096xf32>
    %slice3A_931 = vector.extract_strided_slice %roll3A_930 {offsets = [0, 0], sizes = [16, 3968], strides = [1, 1]} : vector<16x4096xf32> to vector<16x3968xf32>
    %swap3A_932 = arith.constant 0 : index
    %swap3A_933 = arith.constant 69 : index
    %swap3A_934 = arith.constant 0 : index
    %swap3A_935 = vector.load %arg1[%swap3A_932, %swap3A_933, %swap3A_934] : memref<16x128x3968xf32, #tpu.memory_space<vmem>>, vector<16x1x3968xf32>
    %swap3A_936 = vector.shape_cast %swap3A_935 : vector<16x1x3968xf32> to vector<16x3968xf32>
    %swap3A_937 = vector.shape_cast %slice3A_931 : vector<16x3968xf32> to vector<16x1x3968xf32>
    tpu.vector_store %arg1[%swap3A_932, %swap3A_933, %swap3A_934], %swap3A_937 {strides = array<i32>} : memref<16x128x3968xf32, #tpu.memory_space<vmem>>, vector<16x1x3968xf32>,
    %roll3A_938 = arith.constant 1 : i32
    %roll3A_939 = tpu.dynamic_rotate %roll3A_930 by %roll3A_938 dim 1 : vector<16x4096xf32>, i32 -> vector<16x4096xf32>
    %slice3A_940 = vector.extract_strided_slice %roll3A_939 {offsets = [0, 0], sizes = [16, 3968], strides = [1, 1]} : vector<16x4096xf32> to vector<16x3968xf32>
    %swap3A_941 = arith.constant 0 : index
    %swap3A_942 = arith.constant 70 : index
    %swap3A_943 = arith.constant 0 : index
    %swap3A_944 = vector.load %arg1[%swap3A_941, %swap3A_942, %swap3A_943] : memref<16x128x3968xf32, #tpu.memory_space<vmem>>, vector<16x1x3968xf32>
    %swap3A_945 = vector.shape_cast %swap3A_944 : vector<16x1x3968xf32> to vector<16x3968xf32>
    %swap3A_946 = vector.shape_cast %slice3A_940 : vector<16x3968xf32> to vector<16x1x3968xf32>
    tpu.vector_store %arg1[%swap3A_941, %swap3A_942, %swap3A_943], %swap3A_946 {strides = array<i32>} : memref<16x128x3968xf32, #tpu.memory_space<vmem>>, vector<16x1x3968xf32>,
    %roll3A_947 = arith.constant 1 : i32
    %roll3A_948 = tpu.dynamic_rotate %roll3A_939 by %roll3A_947 dim 1 : vector<16x4096xf32>, i32 -> vector<16x4096xf32>
    %slice3A_949 = vector.extract_strided_slice %roll3A_948 {offsets = [0, 0], sizes = [16, 3968], strides = [1, 1]} : vector<16x4096xf32> to vector<16x3968xf32>
    %swap3A_950 = arith.constant 0 : index
    %swap3A_951 = arith.constant 71 : index
    %swap3A_952 = arith.constant 0 : index
    %swap3A_953 = vector.load %arg1[%swap3A_950, %swap3A_951, %swap3A_952] : memref<16x128x3968xf32, #tpu.memory_space<vmem>>, vector<16x1x3968xf32>
    %swap3A_954 = vector.shape_cast %swap3A_953 : vector<16x1x3968xf32> to vector<16x3968xf32>
    %swap3A_955 = vector.shape_cast %slice3A_949 : vector<16x3968xf32> to vector<16x1x3968xf32>
    tpu.vector_store %arg1[%swap3A_950, %swap3A_951, %swap3A_952], %swap3A_955 {strides = array<i32>} : memref<16x128x3968xf32, #tpu.memory_space<vmem>>, vector<16x1x3968xf32>,
    %roll3A_956 = arith.constant 1 : i32
    %roll3A_957 = tpu.dynamic_rotate %roll3A_948 by %roll3A_956 dim 1 : vector<16x4096xf32>, i32 -> vector<16x4096xf32>
    %slice3A_958 = vector.extract_strided_slice %roll3A_957 {offsets = [0, 0], sizes = [16, 3968], strides = [1, 1]} : vector<16x4096xf32> to vector<16x3968xf32>
    %swap3A_959 = arith.constant 0 : index
    %swap3A_960 = arith.constant 72 : index
    %swap3A_961 = arith.constant 0 : index
    %swap3A_962 = vector.load %arg1[%swap3A_959, %swap3A_960, %swap3A_961] : memref<16x128x3968xf32, #tpu.memory_space<vmem>>, vector<16x1x3968xf32>
    %swap3A_963 = vector.shape_cast %swap3A_962 : vector<16x1x3968xf32> to vector<16x3968xf32>
    %swap3A_964 = vector.shape_cast %slice3A_958 : vector<16x3968xf32> to vector<16x1x3968xf32>
    tpu.vector_store %arg1[%swap3A_959, %swap3A_960, %swap3A_961], %swap3A_964 {strides = array<i32>} : memref<16x128x3968xf32, #tpu.memory_space<vmem>>, vector<16x1x3968xf32>,
    %roll3A_965 = arith.constant 1 : i32
    %roll3A_966 = tpu.dynamic_rotate %roll3A_957 by %roll3A_965 dim 1 : vector<16x4096xf32>, i32 -> vector<16x4096xf32>
    %slice3A_967 = vector.extract_strided_slice %roll3A_966 {offsets = [0, 0], sizes = [16, 3968], strides = [1, 1]} : vector<16x4096xf32> to vector<16x3968xf32>
    %swap3A_968 = arith.constant 0 : index
    %swap3A_969 = arith.constant 73 : index
    %swap3A_970 = arith.constant 0 : index
    %swap3A_971 = vector.load %arg1[%swap3A_968, %swap3A_969, %swap3A_970] : memref<16x128x3968xf32, #tpu.memory_space<vmem>>, vector<16x1x3968xf32>
    %swap3A_972 = vector.shape_cast %swap3A_971 : vector<16x1x3968xf32> to vector<16x3968xf32>
    %swap3A_973 = vector.shape_cast %slice3A_967 : vector<16x3968xf32> to vector<16x1x3968xf32>
    tpu.vector_store %arg1[%swap3A_968, %swap3A_969, %swap3A_970], %swap3A_973 {strides = array<i32>} : memref<16x128x3968xf32, #tpu.memory_space<vmem>>, vector<16x1x3968xf32>,
    %roll3A_974 = arith.constant 1 : i32
    %roll3A_975 = tpu.dynamic_rotate %roll3A_966 by %roll3A_974 dim 1 : vector<16x4096xf32>, i32 -> vector<16x4096xf32>
    %slice3A_976 = vector.extract_strided_slice %roll3A_975 {offsets = [0, 0], sizes = [16, 3968], strides = [1, 1]} : vector<16x4096xf32> to vector<16x3968xf32>
    %swap3A_977 = arith.constant 0 : index
    %swap3A_978 = arith.constant 74 : index
    %swap3A_979 = arith.constant 0 : index
    %swap3A_980 = vector.load %arg1[%swap3A_977, %swap3A_978, %swap3A_979] : memref<16x128x3968xf32, #tpu.memory_space<vmem>>, vector<16x1x3968xf32>
    %swap3A_981 = vector.shape_cast %swap3A_980 : vector<16x1x3968xf32> to vector<16x3968xf32>
    %swap3A_982 = vector.shape_cast %slice3A_976 : vector<16x3968xf32> to vector<16x1x3968xf32>
    tpu.vector_store %arg1[%swap3A_977, %swap3A_978, %swap3A_979], %swap3A_982 {strides = array<i32>} : memref<16x128x3968xf32, #tpu.memory_space<vmem>>, vector<16x1x3968xf32>,
    %roll3A_983 = arith.constant 1 : i32
    %roll3A_984 = tpu.dynamic_rotate %roll3A_975 by %roll3A_983 dim 1 : vector<16x4096xf32>, i32 -> vector<16x4096xf32>
    %slice3A_985 = vector.extract_strided_slice %roll3A_984 {offsets = [0, 0], sizes = [16, 3968], strides = [1, 1]} : vector<16x4096xf32> to vector<16x3968xf32>
    %swap3A_986 = arith.constant 0 : index
    %swap3A_987 = arith.constant 75 : index
    %swap3A_988 = arith.constant 0 : index
    %swap3A_989 = vector.load %arg1[%swap3A_986, %swap3A_987, %swap3A_988] : memref<16x128x3968xf32, #tpu.memory_space<vmem>>, vector<16x1x3968xf32>
    %swap3A_990 = vector.shape_cast %swap3A_989 : vector<16x1x3968xf32> to vector<16x3968xf32>
    %swap3A_991 = vector.shape_cast %slice3A_985 : vector<16x3968xf32> to vector<16x1x3968xf32>
    tpu.vector_store %arg1[%swap3A_986, %swap3A_987, %swap3A_988], %swap3A_991 {strides = array<i32>} : memref<16x128x3968xf32, #tpu.memory_space<vmem>>, vector<16x1x3968xf32>,
    %roll3A_992 = arith.constant 1 : i32
    %roll3A_993 = tpu.dynamic_rotate %roll3A_984 by %roll3A_992 dim 1 : vector<16x4096xf32>, i32 -> vector<16x4096xf32>
    %slice3A_994 = vector.extract_strided_slice %roll3A_993 {offsets = [0, 0], sizes = [16, 3968], strides = [1, 1]} : vector<16x4096xf32> to vector<16x3968xf32>
    %swap3A_995 = arith.constant 0 : index
    %swap3A_996 = arith.constant 76 : index
    %swap3A_997 = arith.constant 0 : index
    %swap3A_998 = vector.load %arg1[%swap3A_995, %swap3A_996, %swap3A_997] : memref<16x128x3968xf32, #tpu.memory_space<vmem>>, vector<16x1x3968xf32>
    %swap3A_999 = vector.shape_cast %swap3A_998 : vector<16x1x3968xf32> to vector<16x3968xf32>
    %swap3A_1000 = vector.shape_cast %slice3A_994 : vector<16x3968xf32> to vector<16x1x3968xf32>
    tpu.vector_store %arg1[%swap3A_995, %swap3A_996, %swap3A_997], %swap3A_1000 {strides = array<i32>} : memref<16x128x3968xf32, #tpu.memory_space<vmem>>, vector<16x1x3968xf32>,
    %roll3A_1001 = arith.constant 1 : i32
    %roll3A_1002 = tpu.dynamic_rotate %roll3A_993 by %roll3A_1001 dim 1 : vector<16x4096xf32>, i32 -> vector<16x4096xf32>
    %slice3A_1003 = vector.extract_strided_slice %roll3A_1002 {offsets = [0, 0], sizes = [16, 3968], strides = [1, 1]} : vector<16x4096xf32> to vector<16x3968xf32>
    %swap3A_1004 = arith.constant 0 : index
    %swap3A_1005 = arith.constant 77 : index
    %swap3A_1006 = arith.constant 0 : index
    %swap3A_1007 = vector.load %arg1[%swap3A_1004, %swap3A_1005, %swap3A_1006] : memref<16x128x3968xf32, #tpu.memory_space<vmem>>, vector<16x1x3968xf32>
    %swap3A_1008 = vector.shape_cast %swap3A_1007 : vector<16x1x3968xf32> to vector<16x3968xf32>
    %swap3A_1009 = vector.shape_cast %slice3A_1003 : vector<16x3968xf32> to vector<16x1x3968xf32>
    tpu.vector_store %arg1[%swap3A_1004, %swap3A_1005, %swap3A_1006], %swap3A_1009 {strides = array<i32>} : memref<16x128x3968xf32, #tpu.memory_space<vmem>>, vector<16x1x3968xf32>,
    %roll3A_1010 = arith.constant 1 : i32
    %roll3A_1011 = tpu.dynamic_rotate %roll3A_1002 by %roll3A_1010 dim 1 : vector<16x4096xf32>, i32 -> vector<16x4096xf32>
    %slice3A_1012 = vector.extract_strided_slice %roll3A_1011 {offsets = [0, 0], sizes = [16, 3968], strides = [1, 1]} : vector<16x4096xf32> to vector<16x3968xf32>
    %swap3A_1013 = arith.constant 0 : index
    %swap3A_1014 = arith.constant 78 : index
    %swap3A_1015 = arith.constant 0 : index
    %swap3A_1016 = vector.load %arg1[%swap3A_1013, %swap3A_1014, %swap3A_1015] : memref<16x128x3968xf32, #tpu.memory_space<vmem>>, vector<16x1x3968xf32>
    %swap3A_1017 = vector.shape_cast %swap3A_1016 : vector<16x1x3968xf32> to vector<16x3968xf32>
    %swap3A_1018 = vector.shape_cast %slice3A_1012 : vector<16x3968xf32> to vector<16x1x3968xf32>
    tpu.vector_store %arg1[%swap3A_1013, %swap3A_1014, %swap3A_1015], %swap3A_1018 {strides = array<i32>} : memref<16x128x3968xf32, #tpu.memory_space<vmem>>, vector<16x1x3968xf32>,
    %roll3A_1019 = arith.constant 1 : i32
    %roll3A_1020 = tpu.dynamic_rotate %roll3A_1011 by %roll3A_1019 dim 1 : vector<16x4096xf32>, i32 -> vector<16x4096xf32>
    %slice3A_1021 = vector.extract_strided_slice %roll3A_1020 {offsets = [0, 0], sizes = [16, 3968], strides = [1, 1]} : vector<16x4096xf32> to vector<16x3968xf32>
    %swap3A_1022 = arith.constant 0 : index
    %swap3A_1023 = arith.constant 79 : index
    %swap3A_1024 = arith.constant 0 : index
    %swap3A_1025 = vector.load %arg1[%swap3A_1022, %swap3A_1023, %swap3A_1024] : memref<16x128x3968xf32, #tpu.memory_space<vmem>>, vector<16x1x3968xf32>
    %swap3A_1026 = vector.shape_cast %swap3A_1025 : vector<16x1x3968xf32> to vector<16x3968xf32>
    %swap3A_1027 = vector.shape_cast %slice3A_1021 : vector<16x3968xf32> to vector<16x1x3968xf32>
    tpu.vector_store %arg1[%swap3A_1022, %swap3A_1023, %swap3A_1024], %swap3A_1027 {strides = array<i32>} : memref<16x128x3968xf32, #tpu.memory_space<vmem>>, vector<16x1x3968xf32>,
    %roll3A_1028 = arith.constant 1 : i32
    %roll3A_1029 = tpu.dynamic_rotate %roll3A_1020 by %roll3A_1028 dim 1 : vector<16x4096xf32>, i32 -> vector<16x4096xf32>
    %slice3A_1030 = vector.extract_strided_slice %roll3A_1029 {offsets = [0, 0], sizes = [16, 3968], strides = [1, 1]} : vector<16x4096xf32> to vector<16x3968xf32>
    %swap3A_1031 = arith.constant 0 : index
    %swap3A_1032 = arith.constant 80 : index
    %swap3A_1033 = arith.constant 0 : index
    %swap3A_1034 = vector.load %arg1[%swap3A_1031, %swap3A_1032, %swap3A_1033] : memref<16x128x3968xf32, #tpu.memory_space<vmem>>, vector<16x1x3968xf32>
    %swap3A_1035 = vector.shape_cast %swap3A_1034 : vector<16x1x3968xf32> to vector<16x3968xf32>
    %swap3A_1036 = vector.shape_cast %slice3A_1030 : vector<16x3968xf32> to vector<16x1x3968xf32>
    tpu.vector_store %arg1[%swap3A_1031, %swap3A_1032, %swap3A_1033], %swap3A_1036 {strides = array<i32>} : memref<16x128x3968xf32, #tpu.memory_space<vmem>>, vector<16x1x3968xf32>,
    %roll3A_1037 = arith.constant 1 : i32
    %roll3A_1038 = tpu.dynamic_rotate %roll3A_1029 by %roll3A_1037 dim 1 : vector<16x4096xf32>, i32 -> vector<16x4096xf32>
    %slice3A_1039 = vector.extract_strided_slice %roll3A_1038 {offsets = [0, 0], sizes = [16, 3968], strides = [1, 1]} : vector<16x4096xf32> to vector<16x3968xf32>
    %swap3A_1040 = arith.constant 0 : index
    %swap3A_1041 = arith.constant 81 : index
    %swap3A_1042 = arith.constant 0 : index
    %swap3A_1043 = vector.load %arg1[%swap3A_1040, %swap3A_1041, %swap3A_1042] : memref<16x128x3968xf32, #tpu.memory_space<vmem>>, vector<16x1x3968xf32>
    %swap3A_1044 = vector.shape_cast %swap3A_1043 : vector<16x1x3968xf32> to vector<16x3968xf32>
    %swap3A_1045 = vector.shape_cast %slice3A_1039 : vector<16x3968xf32> to vector<16x1x3968xf32>
    tpu.vector_store %arg1[%swap3A_1040, %swap3A_1041, %swap3A_1042], %swap3A_1045 {strides = array<i32>} : memref<16x128x3968xf32, #tpu.memory_space<vmem>>, vector<16x1x3968xf32>,
    %roll3A_1046 = arith.constant 1 : i32
    %roll3A_1047 = tpu.dynamic_rotate %roll3A_1038 by %roll3A_1046 dim 1 : vector<16x4096xf32>, i32 -> vector<16x4096xf32>
    %slice3A_1048 = vector.extract_strided_slice %roll3A_1047 {offsets = [0, 0], sizes = [16, 3968], strides = [1, 1]} : vector<16x4096xf32> to vector<16x3968xf32>
    %swap3A_1049 = arith.constant 0 : index
    %swap3A_1050 = arith.constant 82 : index
    %swap3A_1051 = arith.constant 0 : index
    %swap3A_1052 = vector.load %arg1[%swap3A_1049, %swap3A_1050, %swap3A_1051] : memref<16x128x3968xf32, #tpu.memory_space<vmem>>, vector<16x1x3968xf32>
    %swap3A_1053 = vector.shape_cast %swap3A_1052 : vector<16x1x3968xf32> to vector<16x3968xf32>
    %swap3A_1054 = vector.shape_cast %slice3A_1048 : vector<16x3968xf32> to vector<16x1x3968xf32>
    tpu.vector_store %arg1[%swap3A_1049, %swap3A_1050, %swap3A_1051], %swap3A_1054 {strides = array<i32>} : memref<16x128x3968xf32, #tpu.memory_space<vmem>>, vector<16x1x3968xf32>,
    %roll3A_1055 = arith.constant 1 : i32
    %roll3A_1056 = tpu.dynamic_rotate %roll3A_1047 by %roll3A_1055 dim 1 : vector<16x4096xf32>, i32 -> vector<16x4096xf32>
    %slice3A_1057 = vector.extract_strided_slice %roll3A_1056 {offsets = [0, 0], sizes = [16, 3968], strides = [1, 1]} : vector<16x4096xf32> to vector<16x3968xf32>
    %swap3A_1058 = arith.constant 0 : index
    %swap3A_1059 = arith.constant 83 : index
    %swap3A_1060 = arith.constant 0 : index
    %swap3A_1061 = vector.load %arg1[%swap3A_1058, %swap3A_1059, %swap3A_1060] : memref<16x128x3968xf32, #tpu.memory_space<vmem>>, vector<16x1x3968xf32>
    %swap3A_1062 = vector.shape_cast %swap3A_1061 : vector<16x1x3968xf32> to vector<16x3968xf32>
    %swap3A_1063 = vector.shape_cast %slice3A_1057 : vector<16x3968xf32> to vector<16x1x3968xf32>
    tpu.vector_store %arg1[%swap3A_1058, %swap3A_1059, %swap3A_1060], %swap3A_1063 {strides = array<i32>} : memref<16x128x3968xf32, #tpu.memory_space<vmem>>, vector<16x1x3968xf32>,
    %roll3A_1064 = arith.constant 1 : i32
    %roll3A_1065 = tpu.dynamic_rotate %roll3A_1056 by %roll3A_1064 dim 1 : vector<16x4096xf32>, i32 -> vector<16x4096xf32>
    %slice3A_1066 = vector.extract_strided_slice %roll3A_1065 {offsets = [0, 0], sizes = [16, 3968], strides = [1, 1]} : vector<16x4096xf32> to vector<16x3968xf32>
    %swap3A_1067 = arith.constant 0 : index
    %swap3A_1068 = arith.constant 84 : index
    %swap3A_1069 = arith.constant 0 : index
    %swap3A_1070 = vector.load %arg1[%swap3A_1067, %swap3A_1068, %swap3A_1069] : memref<16x128x3968xf32, #tpu.memory_space<vmem>>, vector<16x1x3968xf32>
    %swap3A_1071 = vector.shape_cast %swap3A_1070 : vector<16x1x3968xf32> to vector<16x3968xf32>
    %swap3A_1072 = vector.shape_cast %slice3A_1066 : vector<16x3968xf32> to vector<16x1x3968xf32>
    tpu.vector_store %arg1[%swap3A_1067, %swap3A_1068, %swap3A_1069], %swap3A_1072 {strides = array<i32>} : memref<16x128x3968xf32, #tpu.memory_space<vmem>>, vector<16x1x3968xf32>,
    %roll3A_1073 = arith.constant 1 : i32
    %roll3A_1074 = tpu.dynamic_rotate %roll3A_1065 by %roll3A_1073 dim 1 : vector<16x4096xf32>, i32 -> vector<16x4096xf32>
    %slice3A_1075 = vector.extract_strided_slice %roll3A_1074 {offsets = [0, 0], sizes = [16, 3968], strides = [1, 1]} : vector<16x4096xf32> to vector<16x3968xf32>
    %swap3A_1076 = arith.constant 0 : index
    %swap3A_1077 = arith.constant 85 : index
    %swap3A_1078 = arith.constant 0 : index
    %swap3A_1079 = vector.load %arg1[%swap3A_1076, %swap3A_1077, %swap3A_1078] : memref<16x128x3968xf32, #tpu.memory_space<vmem>>, vector<16x1x3968xf32>
    %swap3A_1080 = vector.shape_cast %swap3A_1079 : vector<16x1x3968xf32> to vector<16x3968xf32>
    %swap3A_1081 = vector.shape_cast %slice3A_1075 : vector<16x3968xf32> to vector<16x1x3968xf32>
    tpu.vector_store %arg1[%swap3A_1076, %swap3A_1077, %swap3A_1078], %swap3A_1081 {strides = array<i32>} : memref<16x128x3968xf32, #tpu.memory_space<vmem>>, vector<16x1x3968xf32>,
    %roll3A_1082 = arith.constant 1 : i32
    %roll3A_1083 = tpu.dynamic_rotate %roll3A_1074 by %roll3A_1082 dim 1 : vector<16x4096xf32>, i32 -> vector<16x4096xf32>
    %slice3A_1084 = vector.extract_strided_slice %roll3A_1083 {offsets = [0, 0], sizes = [16, 3968], strides = [1, 1]} : vector<16x4096xf32> to vector<16x3968xf32>
    %swap3A_1085 = arith.constant 0 : index
    %swap3A_1086 = arith.constant 86 : index
    %swap3A_1087 = arith.constant 0 : index
    %swap3A_1088 = vector.load %arg1[%swap3A_1085, %swap3A_1086, %swap3A_1087] : memref<16x128x3968xf32, #tpu.memory_space<vmem>>, vector<16x1x3968xf32>
    %swap3A_1089 = vector.shape_cast %swap3A_1088 : vector<16x1x3968xf32> to vector<16x3968xf32>
    %swap3A_1090 = vector.shape_cast %slice3A_1084 : vector<16x3968xf32> to vector<16x1x3968xf32>
    tpu.vector_store %arg1[%swap3A_1085, %swap3A_1086, %swap3A_1087], %swap3A_1090 {strides = array<i32>} : memref<16x128x3968xf32, #tpu.memory_space<vmem>>, vector<16x1x3968xf32>,
    %roll3A_1091 = arith.constant 1 : i32
    %roll3A_1092 = tpu.dynamic_rotate %roll3A_1083 by %roll3A_1091 dim 1 : vector<16x4096xf32>, i32 -> vector<16x4096xf32>
    %slice3A_1093 = vector.extract_strided_slice %roll3A_1092 {offsets = [0, 0], sizes = [16, 3968], strides = [1, 1]} : vector<16x4096xf32> to vector<16x3968xf32>
    %swap3A_1094 = arith.constant 0 : index
    %swap3A_1095 = arith.constant 87 : index
    %swap3A_1096 = arith.constant 0 : index
    %swap3A_1097 = vector.load %arg1[%swap3A_1094, %swap3A_1095, %swap3A_1096] : memref<16x128x3968xf32, #tpu.memory_space<vmem>>, vector<16x1x3968xf32>
    %swap3A_1098 = vector.shape_cast %swap3A_1097 : vector<16x1x3968xf32> to vector<16x3968xf32>
    %swap3A_1099 = vector.shape_cast %slice3A_1093 : vector<16x3968xf32> to vector<16x1x3968xf32>
    tpu.vector_store %arg1[%swap3A_1094, %swap3A_1095, %swap3A_1096], %swap3A_1099 {strides = array<i32>} : memref<16x128x3968xf32, #tpu.memory_space<vmem>>, vector<16x1x3968xf32>,
    %roll3A_1100 = arith.constant 1 : i32
    %roll3A_1101 = tpu.dynamic_rotate %roll3A_1092 by %roll3A_1100 dim 1 : vector<16x4096xf32>, i32 -> vector<16x4096xf32>
    %slice3A_1102 = vector.extract_strided_slice %roll3A_1101 {offsets = [0, 0], sizes = [16, 3968], strides = [1, 1]} : vector<16x4096xf32> to vector<16x3968xf32>
    %swap3A_1103 = arith.constant 0 : index
    %swap3A_1104 = arith.constant 88 : index
    %swap3A_1105 = arith.constant 0 : index
    %swap3A_1106 = vector.load %arg1[%swap3A_1103, %swap3A_1104, %swap3A_1105] : memref<16x128x3968xf32, #tpu.memory_space<vmem>>, vector<16x1x3968xf32>
    %swap3A_1107 = vector.shape_cast %swap3A_1106 : vector<16x1x3968xf32> to vector<16x3968xf32>
    %swap3A_1108 = vector.shape_cast %slice3A_1102 : vector<16x3968xf32> to vector<16x1x3968xf32>
    tpu.vector_store %arg1[%swap3A_1103, %swap3A_1104, %swap3A_1105], %swap3A_1108 {strides = array<i32>} : memref<16x128x3968xf32, #tpu.memory_space<vmem>>, vector<16x1x3968xf32>,
    %roll3A_1109 = arith.constant 1 : i32
    %roll3A_1110 = tpu.dynamic_rotate %roll3A_1101 by %roll3A_1109 dim 1 : vector<16x4096xf32>, i32 -> vector<16x4096xf32>
    %slice3A_1111 = vector.extract_strided_slice %roll3A_1110 {offsets = [0, 0], sizes = [16, 3968], strides = [1, 1]} : vector<16x4096xf32> to vector<16x3968xf32>
    %swap3A_1112 = arith.constant 0 : index
    %swap3A_1113 = arith.constant 89 : index
    %swap3A_1114 = arith.constant 0 : index
    %swap3A_1115 = vector.load %arg1[%swap3A_1112, %swap3A_1113, %swap3A_1114] : memref<16x128x3968xf32, #tpu.memory_space<vmem>>, vector<16x1x3968xf32>
    %swap3A_1116 = vector.shape_cast %swap3A_1115 : vector<16x1x3968xf32> to vector<16x3968xf32>
    %swap3A_1117 = vector.shape_cast %slice3A_1111 : vector<16x3968xf32> to vector<16x1x3968xf32>
    tpu.vector_store %arg1[%swap3A_1112, %swap3A_1113, %swap3A_1114], %swap3A_1117 {strides = array<i32>} : memref<16x128x3968xf32, #tpu.memory_space<vmem>>, vector<16x1x3968xf32>,
    %roll3A_1118 = arith.constant 1 : i32
    %roll3A_1119 = tpu.dynamic_rotate %roll3A_1110 by %roll3A_1118 dim 1 : vector<16x4096xf32>, i32 -> vector<16x4096xf32>
    %slice3A_1120 = vector.extract_strided_slice %roll3A_1119 {offsets = [0, 0], sizes = [16, 3968], strides = [1, 1]} : vector<16x4096xf32> to vector<16x3968xf32>
    %swap3A_1121 = arith.constant 0 : index
    %swap3A_1122 = arith.constant 90 : index
    %swap3A_1123 = arith.constant 0 : index
    %swap3A_1124 = vector.load %arg1[%swap3A_1121, %swap3A_1122, %swap3A_1123] : memref<16x128x3968xf32, #tpu.memory_space<vmem>>, vector<16x1x3968xf32>
    %swap3A_1125 = vector.shape_cast %swap3A_1124 : vector<16x1x3968xf32> to vector<16x3968xf32>
    %swap3A_1126 = vector.shape_cast %slice3A_1120 : vector<16x3968xf32> to vector<16x1x3968xf32>
    tpu.vector_store %arg1[%swap3A_1121, %swap3A_1122, %swap3A_1123], %swap3A_1126 {strides = array<i32>} : memref<16x128x3968xf32, #tpu.memory_space<vmem>>, vector<16x1x3968xf32>,
    %roll3A_1127 = arith.constant 1 : i32
    %roll3A_1128 = tpu.dynamic_rotate %roll3A_1119 by %roll3A_1127 dim 1 : vector<16x4096xf32>, i32 -> vector<16x4096xf32>
    %slice3A_1129 = vector.extract_strided_slice %roll3A_1128 {offsets = [0, 0], sizes = [16, 3968], strides = [1, 1]} : vector<16x4096xf32> to vector<16x3968xf32>
    %swap3A_1130 = arith.constant 0 : index
    %swap3A_1131 = arith.constant 91 : index
    %swap3A_1132 = arith.constant 0 : index
    %swap3A_1133 = vector.load %arg1[%swap3A_1130, %swap3A_1131, %swap3A_1132] : memref<16x128x3968xf32, #tpu.memory_space<vmem>>, vector<16x1x3968xf32>
    %swap3A_1134 = vector.shape_cast %swap3A_1133 : vector<16x1x3968xf32> to vector<16x3968xf32>
    %swap3A_1135 = vector.shape_cast %slice3A_1129 : vector<16x3968xf32> to vector<16x1x3968xf32>
    tpu.vector_store %arg1[%swap3A_1130, %swap3A_1131, %swap3A_1132], %swap3A_1135 {strides = array<i32>} : memref<16x128x3968xf32, #tpu.memory_space<vmem>>, vector<16x1x3968xf32>,
    %roll3A_1136 = arith.constant 1 : i32
    %roll3A_1137 = tpu.dynamic_rotate %roll3A_1128 by %roll3A_1136 dim 1 : vector<16x4096xf32>, i32 -> vector<16x4096xf32>
    %slice3A_1138 = vector.extract_strided_slice %roll3A_1137 {offsets = [0, 0], sizes = [16, 3968], strides = [1, 1]} : vector<16x4096xf32> to vector<16x3968xf32>
    %swap3A_1139 = arith.constant 0 : index
    %swap3A_1140 = arith.constant 92 : index
    %swap3A_1141 = arith.constant 0 : index
    %swap3A_1142 = vector.load %arg1[%swap3A_1139, %swap3A_1140, %swap3A_1141] : memref<16x128x3968xf32, #tpu.memory_space<vmem>>, vector<16x1x3968xf32>
    %swap3A_1143 = vector.shape_cast %swap3A_1142 : vector<16x1x3968xf32> to vector<16x3968xf32>
    %swap3A_1144 = vector.shape_cast %slice3A_1138 : vector<16x3968xf32> to vector<16x1x3968xf32>
    tpu.vector_store %arg1[%swap3A_1139, %swap3A_1140, %swap3A_1141], %swap3A_1144 {strides = array<i32>} : memref<16x128x3968xf32, #tpu.memory_space<vmem>>, vector<16x1x3968xf32>,
    %roll3A_1145 = arith.constant 1 : i32
    %roll3A_1146 = tpu.dynamic_rotate %roll3A_1137 by %roll3A_1145 dim 1 : vector<16x4096xf32>, i32 -> vector<16x4096xf32>
    %slice3A_1147 = vector.extract_strided_slice %roll3A_1146 {offsets = [0, 0], sizes = [16, 3968], strides = [1, 1]} : vector<16x4096xf32> to vector<16x3968xf32>
    %swap3A_1148 = arith.constant 0 : index
    %swap3A_1149 = arith.constant 93 : index
    %swap3A_1150 = arith.constant 0 : index
    %swap3A_1151 = vector.load %arg1[%swap3A_1148, %swap3A_1149, %swap3A_1150] : memref<16x128x3968xf32, #tpu.memory_space<vmem>>, vector<16x1x3968xf32>
    %swap3A_1152 = vector.shape_cast %swap3A_1151 : vector<16x1x3968xf32> to vector<16x3968xf32>
    %swap3A_1153 = vector.shape_cast %slice3A_1147 : vector<16x3968xf32> to vector<16x1x3968xf32>
    tpu.vector_store %arg1[%swap3A_1148, %swap3A_1149, %swap3A_1150], %swap3A_1153 {strides = array<i32>} : memref<16x128x3968xf32, #tpu.memory_space<vmem>>, vector<16x1x3968xf32>,
    %roll3A_1154 = arith.constant 1 : i32
    %roll3A_1155 = tpu.dynamic_rotate %roll3A_1146 by %roll3A_1154 dim 1 : vector<16x4096xf32>, i32 -> vector<16x4096xf32>
    %slice3A_1156 = vector.extract_strided_slice %roll3A_1155 {offsets = [0, 0], sizes = [16, 3968], strides = [1, 1]} : vector<16x4096xf32> to vector<16x3968xf32>
    %swap3A_1157 = arith.constant 0 : index
    %swap3A_1158 = arith.constant 94 : index
    %swap3A_1159 = arith.constant 0 : index
    %swap3A_1160 = vector.load %arg1[%swap3A_1157, %swap3A_1158, %swap3A_1159] : memref<16x128x3968xf32, #tpu.memory_space<vmem>>, vector<16x1x3968xf32>
    %swap3A_1161 = vector.shape_cast %swap3A_1160 : vector<16x1x3968xf32> to vector<16x3968xf32>
    %swap3A_1162 = vector.shape_cast %slice3A_1156 : vector<16x3968xf32> to vector<16x1x3968xf32>
    tpu.vector_store %arg1[%swap3A_1157, %swap3A_1158, %swap3A_1159], %swap3A_1162 {strides = array<i32>} : memref<16x128x3968xf32, #tpu.memory_space<vmem>>, vector<16x1x3968xf32>,
    %roll3A_1163 = arith.constant 1 : i32
    %roll3A_1164 = tpu.dynamic_rotate %roll3A_1155 by %roll3A_1163 dim 1 : vector<16x4096xf32>, i32 -> vector<16x4096xf32>
    %slice3A_1165 = vector.extract_strided_slice %roll3A_1164 {offsets = [0, 0], sizes = [16, 3968], strides = [1, 1]} : vector<16x4096xf32> to vector<16x3968xf32>
    %swap3A_1166 = arith.constant 0 : index
    %swap3A_1167 = arith.constant 95 : index
    %swap3A_1168 = arith.constant 0 : index
    %swap3A_1169 = vector.load %arg1[%swap3A_1166, %swap3A_1167, %swap3A_1168] : memref<16x128x3968xf32, #tpu.memory_space<vmem>>, vector<16x1x3968xf32>
    %swap3A_1170 = vector.shape_cast %swap3A_1169 : vector<16x1x3968xf32> to vector<16x3968xf32>
    %swap3A_1171 = vector.shape_cast %slice3A_1165 : vector<16x3968xf32> to vector<16x1x3968xf32>
    tpu.vector_store %arg1[%swap3A_1166, %swap3A_1167, %swap3A_1168], %swap3A_1171 {strides = array<i32>} : memref<16x128x3968xf32, #tpu.memory_space<vmem>>, vector<16x1x3968xf32>,
    %roll3A_1172 = arith.constant 1 : i32
    %roll3A_1173 = tpu.dynamic_rotate %roll3A_1164 by %roll3A_1172 dim 1 : vector<16x4096xf32>, i32 -> vector<16x4096xf32>
    %slice3A_1174 = vector.extract_strided_slice %roll3A_1173 {offsets = [0, 0], sizes = [16, 3968], strides = [1, 1]} : vector<16x4096xf32> to vector<16x3968xf32>
    %swap3A_1175 = arith.constant 0 : index
    %swap3A_1176 = arith.constant 96 : index
    %swap3A_1177 = arith.constant 0 : index
    %swap3A_1178 = vector.load %arg1[%swap3A_1175, %swap3A_1176, %swap3A_1177] : memref<16x128x3968xf32, #tpu.memory_space<vmem>>, vector<16x1x3968xf32>
    %swap3A_1179 = vector.shape_cast %swap3A_1178 : vector<16x1x3968xf32> to vector<16x3968xf32>
    %swap3A_1180 = vector.shape_cast %slice3A_1174 : vector<16x3968xf32> to vector<16x1x3968xf32>
    tpu.vector_store %arg1[%swap3A_1175, %swap3A_1176, %swap3A_1177], %swap3A_1180 {strides = array<i32>} : memref<16x128x3968xf32, #tpu.memory_space<vmem>>, vector<16x1x3968xf32>,
    %roll3A_1181 = arith.constant 1 : i32
    %roll3A_1182 = tpu.dynamic_rotate %roll3A_1173 by %roll3A_1181 dim 1 : vector<16x4096xf32>, i32 -> vector<16x4096xf32>
    %slice3A_1183 = vector.extract_strided_slice %roll3A_1182 {offsets = [0, 0], sizes = [16, 3968], strides = [1, 1]} : vector<16x4096xf32> to vector<16x3968xf32>
    %swap3A_1184 = arith.constant 0 : index
    %swap3A_1185 = arith.constant 97 : index
    %swap3A_1186 = arith.constant 0 : index
    %swap3A_1187 = vector.load %arg1[%swap3A_1184, %swap3A_1185, %swap3A_1186] : memref<16x128x3968xf32, #tpu.memory_space<vmem>>, vector<16x1x3968xf32>
    %swap3A_1188 = vector.shape_cast %swap3A_1187 : vector<16x1x3968xf32> to vector<16x3968xf32>
    %swap3A_1189 = vector.shape_cast %slice3A_1183 : vector<16x3968xf32> to vector<16x1x3968xf32>
    tpu.vector_store %arg1[%swap3A_1184, %swap3A_1185, %swap3A_1186], %swap3A_1189 {strides = array<i32>} : memref<16x128x3968xf32, #tpu.memory_space<vmem>>, vector<16x1x3968xf32>,
    %roll3A_1190 = arith.constant 1 : i32
    %roll3A_1191 = tpu.dynamic_rotate %roll3A_1182 by %roll3A_1190 dim 1 : vector<16x4096xf32>, i32 -> vector<16x4096xf32>
    %slice3A_1192 = vector.extract_strided_slice %roll3A_1191 {offsets = [0, 0], sizes = [16, 3968], strides = [1, 1]} : vector<16x4096xf32> to vector<16x3968xf32>
    %swap3A_1193 = arith.constant 0 : index
    %swap3A_1194 = arith.constant 98 : index
    %swap3A_1195 = arith.constant 0 : index
    %swap3A_1196 = vector.load %arg1[%swap3A_1193, %swap3A_1194, %swap3A_1195] : memref<16x128x3968xf32, #tpu.memory_space<vmem>>, vector<16x1x3968xf32>
    %swap3A_1197 = vector.shape_cast %swap3A_1196 : vector<16x1x3968xf32> to vector<16x3968xf32>
    %swap3A_1198 = vector.shape_cast %slice3A_1192 : vector<16x3968xf32> to vector<16x1x3968xf32>
    tpu.vector_store %arg1[%swap3A_1193, %swap3A_1194, %swap3A_1195], %swap3A_1198 {strides = array<i32>} : memref<16x128x3968xf32, #tpu.memory_space<vmem>>, vector<16x1x3968xf32>,
    %roll3A_1199 = arith.constant 1 : i32
    %roll3A_1200 = tpu.dynamic_rotate %roll3A_1191 by %roll3A_1199 dim 1 : vector<16x4096xf32>, i32 -> vector<16x4096xf32>
    %slice3A_1201 = vector.extract_strided_slice %roll3A_1200 {offsets = [0, 0], sizes = [16, 3968], strides = [1, 1]} : vector<16x4096xf32> to vector<16x3968xf32>
    %swap3A_1202 = arith.constant 0 : index
    %swap3A_1203 = arith.constant 99 : index
    %swap3A_1204 = arith.constant 0 : index
    %swap3A_1205 = vector.load %arg1[%swap3A_1202, %swap3A_1203, %swap3A_1204] : memref<16x128x3968xf32, #tpu.memory_space<vmem>>, vector<16x1x3968xf32>
    %swap3A_1206 = vector.shape_cast %swap3A_1205 : vector<16x1x3968xf32> to vector<16x3968xf32>
    %swap3A_1207 = vector.shape_cast %slice3A_1201 : vector<16x3968xf32> to vector<16x1x3968xf32>
    tpu.vector_store %arg1[%swap3A_1202, %swap3A_1203, %swap3A_1204], %swap3A_1207 {strides = array<i32>} : memref<16x128x3968xf32, #tpu.memory_space<vmem>>, vector<16x1x3968xf32>,
    %roll3A_1208 = arith.constant 1 : i32
    %roll3A_1209 = tpu.dynamic_rotate %roll3A_1200 by %roll3A_1208 dim 1 : vector<16x4096xf32>, i32 -> vector<16x4096xf32>
    %slice3A_1210 = vector.extract_strided_slice %roll3A_1209 {offsets = [0, 0], sizes = [16, 3968], strides = [1, 1]} : vector<16x4096xf32> to vector<16x3968xf32>
    %swap3A_1211 = arith.constant 0 : index
    %swap3A_1212 = arith.constant 100 : index
    %swap3A_1213 = arith.constant 0 : index
    %swap3A_1214 = vector.load %arg1[%swap3A_1211, %swap3A_1212, %swap3A_1213] : memref<16x128x3968xf32, #tpu.memory_space<vmem>>, vector<16x1x3968xf32>
    %swap3A_1215 = vector.shape_cast %swap3A_1214 : vector<16x1x3968xf32> to vector<16x3968xf32>
    %swap3A_1216 = vector.shape_cast %slice3A_1210 : vector<16x3968xf32> to vector<16x1x3968xf32>
    tpu.vector_store %arg1[%swap3A_1211, %swap3A_1212, %swap3A_1213], %swap3A_1216 {strides = array<i32>} : memref<16x128x3968xf32, #tpu.memory_space<vmem>>, vector<16x1x3968xf32>,
    %roll3A_1217 = arith.constant 1 : i32
    %roll3A_1218 = tpu.dynamic_rotate %roll3A_1209 by %roll3A_1217 dim 1 : vector<16x4096xf32>, i32 -> vector<16x4096xf32>
    %slice3A_1219 = vector.extract_strided_slice %roll3A_1218 {offsets = [0, 0], sizes = [16, 3968], strides = [1, 1]} : vector<16x4096xf32> to vector<16x3968xf32>
    %swap3A_1220 = arith.constant 0 : index
    %swap3A_1221 = arith.constant 101 : index
    %swap3A_1222 = arith.constant 0 : index
    %swap3A_1223 = vector.load %arg1[%swap3A_1220, %swap3A_1221, %swap3A_1222] : memref<16x128x3968xf32, #tpu.memory_space<vmem>>, vector<16x1x3968xf32>
    %swap3A_1224 = vector.shape_cast %swap3A_1223 : vector<16x1x3968xf32> to vector<16x3968xf32>
    %swap3A_1225 = vector.shape_cast %slice3A_1219 : vector<16x3968xf32> to vector<16x1x3968xf32>
    tpu.vector_store %arg1[%swap3A_1220, %swap3A_1221, %swap3A_1222], %swap3A_1225 {strides = array<i32>} : memref<16x128x3968xf32, #tpu.memory_space<vmem>>, vector<16x1x3968xf32>,
    %roll3A_1226 = arith.constant 1 : i32
    %roll3A_1227 = tpu.dynamic_rotate %roll3A_1218 by %roll3A_1226 dim 1 : vector<16x4096xf32>, i32 -> vector<16x4096xf32>
    %slice3A_1228 = vector.extract_strided_slice %roll3A_1227 {offsets = [0, 0], sizes = [16, 3968], strides = [1, 1]} : vector<16x4096xf32> to vector<16x3968xf32>
    %swap3A_1229 = arith.constant 0 : index
    %swap3A_1230 = arith.constant 102 : index
    %swap3A_1231 = arith.constant 0 : index
    %swap3A_1232 = vector.load %arg1[%swap3A_1229, %swap3A_1230, %swap3A_1231] : memref<16x128x3968xf32, #tpu.memory_space<vmem>>, vector<16x1x3968xf32>
    %swap3A_1233 = vector.shape_cast %swap3A_1232 : vector<16x1x3968xf32> to vector<16x3968xf32>
    %swap3A_1234 = vector.shape_cast %slice3A_1228 : vector<16x3968xf32> to vector<16x1x3968xf32>
    tpu.vector_store %arg1[%swap3A_1229, %swap3A_1230, %swap3A_1231], %swap3A_1234 {strides = array<i32>} : memref<16x128x3968xf32, #tpu.memory_space<vmem>>, vector<16x1x3968xf32>,
    %roll3A_1235 = arith.constant 1 : i32
    %roll3A_1236 = tpu.dynamic_rotate %roll3A_1227 by %roll3A_1235 dim 1 : vector<16x4096xf32>, i32 -> vector<16x4096xf32>
    %slice3A_1237 = vector.extract_strided_slice %roll3A_1236 {offsets = [0, 0], sizes = [16, 3968], strides = [1, 1]} : vector<16x4096xf32> to vector<16x3968xf32>
    %swap3A_1238 = arith.constant 0 : index
    %swap3A_1239 = arith.constant 103 : index
    %swap3A_1240 = arith.constant 0 : index
    %swap3A_1241 = vector.load %arg1[%swap3A_1238, %swap3A_1239, %swap3A_1240] : memref<16x128x3968xf32, #tpu.memory_space<vmem>>, vector<16x1x3968xf32>
    %swap3A_1242 = vector.shape_cast %swap3A_1241 : vector<16x1x3968xf32> to vector<16x3968xf32>
    %swap3A_1243 = vector.shape_cast %slice3A_1237 : vector<16x3968xf32> to vector<16x1x3968xf32>
    tpu.vector_store %arg1[%swap3A_1238, %swap3A_1239, %swap3A_1240], %swap3A_1243 {strides = array<i32>} : memref<16x128x3968xf32, #tpu.memory_space<vmem>>, vector<16x1x3968xf32>,
    %roll3A_1244 = arith.constant 1 : i32
    %roll3A_1245 = tpu.dynamic_rotate %roll3A_1236 by %roll3A_1244 dim 1 : vector<16x4096xf32>, i32 -> vector<16x4096xf32>
    %slice3A_1246 = vector.extract_strided_slice %roll3A_1245 {offsets = [0, 0], sizes = [16, 3968], strides = [1, 1]} : vector<16x4096xf32> to vector<16x3968xf32>
    %swap3A_1247 = arith.constant 0 : index
    %swap3A_1248 = arith.constant 104 : index
    %swap3A_1249 = arith.constant 0 : index
    %swap3A_1250 = vector.load %arg1[%swap3A_1247, %swap3A_1248, %swap3A_1249] : memref<16x128x3968xf32, #tpu.memory_space<vmem>>, vector<16x1x3968xf32>
    %swap3A_1251 = vector.shape_cast %swap3A_1250 : vector<16x1x3968xf32> to vector<16x3968xf32>
    %swap3A_1252 = vector.shape_cast %slice3A_1246 : vector<16x3968xf32> to vector<16x1x3968xf32>
    tpu.vector_store %arg1[%swap3A_1247, %swap3A_1248, %swap3A_1249], %swap3A_1252 {strides = array<i32>} : memref<16x128x3968xf32, #tpu.memory_space<vmem>>, vector<16x1x3968xf32>,
    %roll3A_1253 = arith.constant 1 : i32
    %roll3A_1254 = tpu.dynamic_rotate %roll3A_1245 by %roll3A_1253 dim 1 : vector<16x4096xf32>, i32 -> vector<16x4096xf32>
    %slice3A_1255 = vector.extract_strided_slice %roll3A_1254 {offsets = [0, 0], sizes = [16, 3968], strides = [1, 1]} : vector<16x4096xf32> to vector<16x3968xf32>
    %swap3A_1256 = arith.constant 0 : index
    %swap3A_1257 = arith.constant 105 : index
    %swap3A_1258 = arith.constant 0 : index
    %swap3A_1259 = vector.load %arg1[%swap3A_1256, %swap3A_1257, %swap3A_1258] : memref<16x128x3968xf32, #tpu.memory_space<vmem>>, vector<16x1x3968xf32>
    %swap3A_1260 = vector.shape_cast %swap3A_1259 : vector<16x1x3968xf32> to vector<16x3968xf32>
    %swap3A_1261 = vector.shape_cast %slice3A_1255 : vector<16x3968xf32> to vector<16x1x3968xf32>
    tpu.vector_store %arg1[%swap3A_1256, %swap3A_1257, %swap3A_1258], %swap3A_1261 {strides = array<i32>} : memref<16x128x3968xf32, #tpu.memory_space<vmem>>, vector<16x1x3968xf32>,
    %roll3A_1262 = arith.constant 1 : i32
    %roll3A_1263 = tpu.dynamic_rotate %roll3A_1254 by %roll3A_1262 dim 1 : vector<16x4096xf32>, i32 -> vector<16x4096xf32>
    %slice3A_1264 = vector.extract_strided_slice %roll3A_1263 {offsets = [0, 0], sizes = [16, 3968], strides = [1, 1]} : vector<16x4096xf32> to vector<16x3968xf32>
    %swap3A_1265 = arith.constant 0 : index
    %swap3A_1266 = arith.constant 106 : index
    %swap3A_1267 = arith.constant 0 : index
    %swap3A_1268 = vector.load %arg1[%swap3A_1265, %swap3A_1266, %swap3A_1267] : memref<16x128x3968xf32, #tpu.memory_space<vmem>>, vector<16x1x3968xf32>
    %swap3A_1269 = vector.shape_cast %swap3A_1268 : vector<16x1x3968xf32> to vector<16x3968xf32>
    %swap3A_1270 = vector.shape_cast %slice3A_1264 : vector<16x3968xf32> to vector<16x1x3968xf32>
    tpu.vector_store %arg1[%swap3A_1265, %swap3A_1266, %swap3A_1267], %swap3A_1270 {strides = array<i32>} : memref<16x128x3968xf32, #tpu.memory_space<vmem>>, vector<16x1x3968xf32>,
    %roll3A_1271 = arith.constant 1 : i32
    %roll3A_1272 = tpu.dynamic_rotate %roll3A_1263 by %roll3A_1271 dim 1 : vector<16x4096xf32>, i32 -> vector<16x4096xf32>
    %slice3A_1273 = vector.extract_strided_slice %roll3A_1272 {offsets = [0, 0], sizes = [16, 3968], strides = [1, 1]} : vector<16x4096xf32> to vector<16x3968xf32>
    %swap3A_1274 = arith.constant 0 : index
    %swap3A_1275 = arith.constant 107 : index
    %swap3A_1276 = arith.constant 0 : index
    %swap3A_1277 = vector.load %arg1[%swap3A_1274, %swap3A_1275, %swap3A_1276] : memref<16x128x3968xf32, #tpu.memory_space<vmem>>, vector<16x1x3968xf32>
    %swap3A_1278 = vector.shape_cast %swap3A_1277 : vector<16x1x3968xf32> to vector<16x3968xf32>
    %swap3A_1279 = vector.shape_cast %slice3A_1273 : vector<16x3968xf32> to vector<16x1x3968xf32>
    tpu.vector_store %arg1[%swap3A_1274, %swap3A_1275, %swap3A_1276], %swap3A_1279 {strides = array<i32>} : memref<16x128x3968xf32, #tpu.memory_space<vmem>>, vector<16x1x3968xf32>,
    %roll3A_1280 = arith.constant 1 : i32
    %roll3A_1281 = tpu.dynamic_rotate %roll3A_1272 by %roll3A_1280 dim 1 : vector<16x4096xf32>, i32 -> vector<16x4096xf32>
    %slice3A_1282 = vector.extract_strided_slice %roll3A_1281 {offsets = [0, 0], sizes = [16, 3968], strides = [1, 1]} : vector<16x4096xf32> to vector<16x3968xf32>
    %swap3A_1283 = arith.constant 0 : index
    %swap3A_1284 = arith.constant 108 : index
    %swap3A_1285 = arith.constant 0 : index
    %swap3A_1286 = vector.load %arg1[%swap3A_1283, %swap3A_1284, %swap3A_1285] : memref<16x128x3968xf32, #tpu.memory_space<vmem>>, vector<16x1x3968xf32>
    %swap3A_1287 = vector.shape_cast %swap3A_1286 : vector<16x1x3968xf32> to vector<16x3968xf32>
    %swap3A_1288 = vector.shape_cast %slice3A_1282 : vector<16x3968xf32> to vector<16x1x3968xf32>
    tpu.vector_store %arg1[%swap3A_1283, %swap3A_1284, %swap3A_1285], %swap3A_1288 {strides = array<i32>} : memref<16x128x3968xf32, #tpu.memory_space<vmem>>, vector<16x1x3968xf32>,
    %roll3A_1289 = arith.constant 1 : i32
    %roll3A_1290 = tpu.dynamic_rotate %roll3A_1281 by %roll3A_1289 dim 1 : vector<16x4096xf32>, i32 -> vector<16x4096xf32>
    %slice3A_1291 = vector.extract_strided_slice %roll3A_1290 {offsets = [0, 0], sizes = [16, 3968], strides = [1, 1]} : vector<16x4096xf32> to vector<16x3968xf32>
    %swap3A_1292 = arith.constant 0 : index
    %swap3A_1293 = arith.constant 109 : index
    %swap3A_1294 = arith.constant 0 : index
    %swap3A_1295 = vector.load %arg1[%swap3A_1292, %swap3A_1293, %swap3A_1294] : memref<16x128x3968xf32, #tpu.memory_space<vmem>>, vector<16x1x3968xf32>
    %swap3A_1296 = vector.shape_cast %swap3A_1295 : vector<16x1x3968xf32> to vector<16x3968xf32>
    %swap3A_1297 = vector.shape_cast %slice3A_1291 : vector<16x3968xf32> to vector<16x1x3968xf32>
    tpu.vector_store %arg1[%swap3A_1292, %swap3A_1293, %swap3A_1294], %swap3A_1297 {strides = array<i32>} : memref<16x128x3968xf32, #tpu.memory_space<vmem>>, vector<16x1x3968xf32>,
    %roll3A_1298 = arith.constant 1 : i32
    %roll3A_1299 = tpu.dynamic_rotate %roll3A_1290 by %roll3A_1298 dim 1 : vector<16x4096xf32>, i32 -> vector<16x4096xf32>
    %slice3A_1300 = vector.extract_strided_slice %roll3A_1299 {offsets = [0, 0], sizes = [16, 3968], strides = [1, 1]} : vector<16x4096xf32> to vector<16x3968xf32>
    %swap3A_1301 = arith.constant 0 : index
    %swap3A_1302 = arith.constant 110 : index
    %swap3A_1303 = arith.constant 0 : index
    %swap3A_1304 = vector.load %arg1[%swap3A_1301, %swap3A_1302, %swap3A_1303] : memref<16x128x3968xf32, #tpu.memory_space<vmem>>, vector<16x1x3968xf32>
    %swap3A_1305 = vector.shape_cast %swap3A_1304 : vector<16x1x3968xf32> to vector<16x3968xf32>
    %swap3A_1306 = vector.shape_cast %slice3A_1300 : vector<16x3968xf32> to vector<16x1x3968xf32>
    tpu.vector_store %arg1[%swap3A_1301, %swap3A_1302, %swap3A_1303], %swap3A_1306 {strides = array<i32>} : memref<16x128x3968xf32, #tpu.memory_space<vmem>>, vector<16x1x3968xf32>,
    %roll3A_1307 = arith.constant 1 : i32
    %roll3A_1308 = tpu.dynamic_rotate %roll3A_1299 by %roll3A_1307 dim 1 : vector<16x4096xf32>, i32 -> vector<16x4096xf32>
    %slice3A_1309 = vector.extract_strided_slice %roll3A_1308 {offsets = [0, 0], sizes = [16, 3968], strides = [1, 1]} : vector<16x4096xf32> to vector<16x3968xf32>
    %swap3A_1310 = arith.constant 0 : index
    %swap3A_1311 = arith.constant 111 : index
    %swap3A_1312 = arith.constant 0 : index
    %swap3A_1313 = vector.load %arg1[%swap3A_1310, %swap3A_1311, %swap3A_1312] : memref<16x128x3968xf32, #tpu.memory_space<vmem>>, vector<16x1x3968xf32>
    %swap3A_1314 = vector.shape_cast %swap3A_1313 : vector<16x1x3968xf32> to vector<16x3968xf32>
    %swap3A_1315 = vector.shape_cast %slice3A_1309 : vector<16x3968xf32> to vector<16x1x3968xf32>
    tpu.vector_store %arg1[%swap3A_1310, %swap3A_1311, %swap3A_1312], %swap3A_1315 {strides = array<i32>} : memref<16x128x3968xf32, #tpu.memory_space<vmem>>, vector<16x1x3968xf32>,
    %roll3A_1316 = arith.constant 1 : i32
    %roll3A_1317 = tpu.dynamic_rotate %roll3A_1308 by %roll3A_1316 dim 1 : vector<16x4096xf32>, i32 -> vector<16x4096xf32>
    %slice3A_1318 = vector.extract_strided_slice %roll3A_1317 {offsets = [0, 0], sizes = [16, 3968], strides = [1, 1]} : vector<16x4096xf32> to vector<16x3968xf32>
    %swap3A_1319 = arith.constant 0 : index
    %swap3A_1320 = arith.constant 112 : index
    %swap3A_1321 = arith.constant 0 : index
    %swap3A_1322 = vector.load %arg1[%swap3A_1319, %swap3A_1320, %swap3A_1321] : memref<16x128x3968xf32, #tpu.memory_space<vmem>>, vector<16x1x3968xf32>
    %swap3A_1323 = vector.shape_cast %swap3A_1322 : vector<16x1x3968xf32> to vector<16x3968xf32>
    %swap3A_1324 = vector.shape_cast %slice3A_1318 : vector<16x3968xf32> to vector<16x1x3968xf32>
    tpu.vector_store %arg1[%swap3A_1319, %swap3A_1320, %swap3A_1321], %swap3A_1324 {strides = array<i32>} : memref<16x128x3968xf32, #tpu.memory_space<vmem>>, vector<16x1x3968xf32>,
    %roll3A_1325 = arith.constant 1 : i32
    %roll3A_1326 = tpu.dynamic_rotate %roll3A_1317 by %roll3A_1325 dim 1 : vector<16x4096xf32>, i32 -> vector<16x4096xf32>
    %slice3A_1327 = vector.extract_strided_slice %roll3A_1326 {offsets = [0, 0], sizes = [16, 3968], strides = [1, 1]} : vector<16x4096xf32> to vector<16x3968xf32>
    %swap3A_1328 = arith.constant 0 : index
    %swap3A_1329 = arith.constant 113 : index
    %swap3A_1330 = arith.constant 0 : index
    %swap3A_1331 = vector.load %arg1[%swap3A_1328, %swap3A_1329, %swap3A_1330] : memref<16x128x3968xf32, #tpu.memory_space<vmem>>, vector<16x1x3968xf32>
    %swap3A_1332 = vector.shape_cast %swap3A_1331 : vector<16x1x3968xf32> to vector<16x3968xf32>
    %swap3A_1333 = vector.shape_cast %slice3A_1327 : vector<16x3968xf32> to vector<16x1x3968xf32>
    tpu.vector_store %arg1[%swap3A_1328, %swap3A_1329, %swap3A_1330], %swap3A_1333 {strides = array<i32>} : memref<16x128x3968xf32, #tpu.memory_space<vmem>>, vector<16x1x3968xf32>,
    %roll3A_1334 = arith.constant 1 : i32
    %roll3A_1335 = tpu.dynamic_rotate %roll3A_1326 by %roll3A_1334 dim 1 : vector<16x4096xf32>, i32 -> vector<16x4096xf32>
    %slice3A_1336 = vector.extract_strided_slice %roll3A_1335 {offsets = [0, 0], sizes = [16, 3968], strides = [1, 1]} : vector<16x4096xf32> to vector<16x3968xf32>
    %swap3A_1337 = arith.constant 0 : index
    %swap3A_1338 = arith.constant 114 : index
    %swap3A_1339 = arith.constant 0 : index
    %swap3A_1340 = vector.load %arg1[%swap3A_1337, %swap3A_1338, %swap3A_1339] : memref<16x128x3968xf32, #tpu.memory_space<vmem>>, vector<16x1x3968xf32>
    %swap3A_1341 = vector.shape_cast %swap3A_1340 : vector<16x1x3968xf32> to vector<16x3968xf32>
    %swap3A_1342 = vector.shape_cast %slice3A_1336 : vector<16x3968xf32> to vector<16x1x3968xf32>
    tpu.vector_store %arg1[%swap3A_1337, %swap3A_1338, %swap3A_1339], %swap3A_1342 {strides = array<i32>} : memref<16x128x3968xf32, #tpu.memory_space<vmem>>, vector<16x1x3968xf32>,
    %roll3A_1343 = arith.constant 1 : i32
    %roll3A_1344 = tpu.dynamic_rotate %roll3A_1335 by %roll3A_1343 dim 1 : vector<16x4096xf32>, i32 -> vector<16x4096xf32>
    %slice3A_1345 = vector.extract_strided_slice %roll3A_1344 {offsets = [0, 0], sizes = [16, 3968], strides = [1, 1]} : vector<16x4096xf32> to vector<16x3968xf32>
    %swap3A_1346 = arith.constant 0 : index
    %swap3A_1347 = arith.constant 115 : index
    %swap3A_1348 = arith.constant 0 : index
    %swap3A_1349 = vector.load %arg1[%swap3A_1346, %swap3A_1347, %swap3A_1348] : memref<16x128x3968xf32, #tpu.memory_space<vmem>>, vector<16x1x3968xf32>
    %swap3A_1350 = vector.shape_cast %swap3A_1349 : vector<16x1x3968xf32> to vector<16x3968xf32>
    %swap3A_1351 = vector.shape_cast %slice3A_1345 : vector<16x3968xf32> to vector<16x1x3968xf32>
    tpu.vector_store %arg1[%swap3A_1346, %swap3A_1347, %swap3A_1348], %swap3A_1351 {strides = array<i32>} : memref<16x128x3968xf32, #tpu.memory_space<vmem>>, vector<16x1x3968xf32>,
    %roll3A_1352 = arith.constant 1 : i32
    %roll3A_1353 = tpu.dynamic_rotate %roll3A_1344 by %roll3A_1352 dim 1 : vector<16x4096xf32>, i32 -> vector<16x4096xf32>
    %slice3A_1354 = vector.extract_strided_slice %roll3A_1353 {offsets = [0, 0], sizes = [16, 3968], strides = [1, 1]} : vector<16x4096xf32> to vector<16x3968xf32>
    %swap3A_1355 = arith.constant 0 : index
    %swap3A_1356 = arith.constant 116 : index
    %swap3A_1357 = arith.constant 0 : index
    %swap3A_1358 = vector.load %arg1[%swap3A_1355, %swap3A_1356, %swap3A_1357] : memref<16x128x3968xf32, #tpu.memory_space<vmem>>, vector<16x1x3968xf32>
    %swap3A_1359 = vector.shape_cast %swap3A_1358 : vector<16x1x3968xf32> to vector<16x3968xf32>
    %swap3A_1360 = vector.shape_cast %slice3A_1354 : vector<16x3968xf32> to vector<16x1x3968xf32>
    tpu.vector_store %arg1[%swap3A_1355, %swap3A_1356, %swap3A_1357], %swap3A_1360 {strides = array<i32>} : memref<16x128x3968xf32, #tpu.memory_space<vmem>>, vector<16x1x3968xf32>,
    %roll3A_1361 = arith.constant 1 : i32
    %roll3A_1362 = tpu.dynamic_rotate %roll3A_1353 by %roll3A_1361 dim 1 : vector<16x4096xf32>, i32 -> vector<16x4096xf32>
    %slice3A_1363 = vector.extract_strided_slice %roll3A_1362 {offsets = [0, 0], sizes = [16, 3968], strides = [1, 1]} : vector<16x4096xf32> to vector<16x3968xf32>
    %swap3A_1364 = arith.constant 0 : index
    %swap3A_1365 = arith.constant 117 : index
    %swap3A_1366 = arith.constant 0 : index
    %swap3A_1367 = vector.load %arg1[%swap3A_1364, %swap3A_1365, %swap3A_1366] : memref<16x128x3968xf32, #tpu.memory_space<vmem>>, vector<16x1x3968xf32>
    %swap3A_1368 = vector.shape_cast %swap3A_1367 : vector<16x1x3968xf32> to vector<16x3968xf32>
    %swap3A_1369 = vector.shape_cast %slice3A_1363 : vector<16x3968xf32> to vector<16x1x3968xf32>
    tpu.vector_store %arg1[%swap3A_1364, %swap3A_1365, %swap3A_1366], %swap3A_1369 {strides = array<i32>} : memref<16x128x3968xf32, #tpu.memory_space<vmem>>, vector<16x1x3968xf32>,
    %roll3A_1370 = arith.constant 1 : i32
    %roll3A_1371 = tpu.dynamic_rotate %roll3A_1362 by %roll3A_1370 dim 1 : vector<16x4096xf32>, i32 -> vector<16x4096xf32>
    %slice3A_1372 = vector.extract_strided_slice %roll3A_1371 {offsets = [0, 0], sizes = [16, 3968], strides = [1, 1]} : vector<16x4096xf32> to vector<16x3968xf32>
    %swap3A_1373 = arith.constant 0 : index
    %swap3A_1374 = arith.constant 118 : index
    %swap3A_1375 = arith.constant 0 : index
    %swap3A_1376 = vector.load %arg1[%swap3A_1373, %swap3A_1374, %swap3A_1375] : memref<16x128x3968xf32, #tpu.memory_space<vmem>>, vector<16x1x3968xf32>
    %swap3A_1377 = vector.shape_cast %swap3A_1376 : vector<16x1x3968xf32> to vector<16x3968xf32>
    %swap3A_1378 = vector.shape_cast %slice3A_1372 : vector<16x3968xf32> to vector<16x1x3968xf32>
    tpu.vector_store %arg1[%swap3A_1373, %swap3A_1374, %swap3A_1375], %swap3A_1378 {strides = array<i32>} : memref<16x128x3968xf32, #tpu.memory_space<vmem>>, vector<16x1x3968xf32>,
    %roll3A_1379 = arith.constant 1 : i32
    %roll3A_1380 = tpu.dynamic_rotate %roll3A_1371 by %roll3A_1379 dim 1 : vector<16x4096xf32>, i32 -> vector<16x4096xf32>
    %slice3A_1381 = vector.extract_strided_slice %roll3A_1380 {offsets = [0, 0], sizes = [16, 3968], strides = [1, 1]} : vector<16x4096xf32> to vector<16x3968xf32>
    %swap3A_1382 = arith.constant 0 : index
    %swap3A_1383 = arith.constant 119 : index
    %swap3A_1384 = arith.constant 0 : index
    %swap3A_1385 = vector.load %arg1[%swap3A_1382, %swap3A_1383, %swap3A_1384] : memref<16x128x3968xf32, #tpu.memory_space<vmem>>, vector<16x1x3968xf32>
    %swap3A_1386 = vector.shape_cast %swap3A_1385 : vector<16x1x3968xf32> to vector<16x3968xf32>
    %swap3A_1387 = vector.shape_cast %slice3A_1381 : vector<16x3968xf32> to vector<16x1x3968xf32>
    tpu.vector_store %arg1[%swap3A_1382, %swap3A_1383, %swap3A_1384], %swap3A_1387 {strides = array<i32>} : memref<16x128x3968xf32, #tpu.memory_space<vmem>>, vector<16x1x3968xf32>,
    %roll3A_1388 = arith.constant 1 : i32
    %roll3A_1389 = tpu.dynamic_rotate %roll3A_1380 by %roll3A_1388 dim 1 : vector<16x4096xf32>, i32 -> vector<16x4096xf32>
    %slice3A_1390 = vector.extract_strided_slice %roll3A_1389 {offsets = [0, 0], sizes = [16, 3968], strides = [1, 1]} : vector<16x4096xf32> to vector<16x3968xf32>
    %swap3A_1391 = arith.constant 0 : index
    %swap3A_1392 = arith.constant 120 : index
    %swap3A_1393 = arith.constant 0 : index
    %swap3A_1394 = vector.load %arg1[%swap3A_1391, %swap3A_1392, %swap3A_1393] : memref<16x128x3968xf32, #tpu.memory_space<vmem>>, vector<16x1x3968xf32>
    %swap3A_1395 = vector.shape_cast %swap3A_1394 : vector<16x1x3968xf32> to vector<16x3968xf32>
    %swap3A_1396 = vector.shape_cast %slice3A_1390 : vector<16x3968xf32> to vector<16x1x3968xf32>
    tpu.vector_store %arg1[%swap3A_1391, %swap3A_1392, %swap3A_1393], %swap3A_1396 {strides = array<i32>} : memref<16x128x3968xf32, #tpu.memory_space<vmem>>, vector<16x1x3968xf32>,
    %roll3A_1397 = arith.constant 1 : i32
    %roll3A_1398 = tpu.dynamic_rotate %roll3A_1389 by %roll3A_1397 dim 1 : vector<16x4096xf32>, i32 -> vector<16x4096xf32>
    %slice3A_1399 = vector.extract_strided_slice %roll3A_1398 {offsets = [0, 0], sizes = [16, 3968], strides = [1, 1]} : vector<16x4096xf32> to vector<16x3968xf32>
    %swap3A_1400 = arith.constant 0 : index
    %swap3A_1401 = arith.constant 121 : index
    %swap3A_1402 = arith.constant 0 : index
    %swap3A_1403 = vector.load %arg1[%swap3A_1400, %swap3A_1401, %swap3A_1402] : memref<16x128x3968xf32, #tpu.memory_space<vmem>>, vector<16x1x3968xf32>
    %swap3A_1404 = vector.shape_cast %swap3A_1403 : vector<16x1x3968xf32> to vector<16x3968xf32>
    %swap3A_1405 = vector.shape_cast %slice3A_1399 : vector<16x3968xf32> to vector<16x1x3968xf32>
    tpu.vector_store %arg1[%swap3A_1400, %swap3A_1401, %swap3A_1402], %swap3A_1405 {strides = array<i32>} : memref<16x128x3968xf32, #tpu.memory_space<vmem>>, vector<16x1x3968xf32>,
    %roll3A_1406 = arith.constant 1 : i32
    %roll3A_1407 = tpu.dynamic_rotate %roll3A_1398 by %roll3A_1406 dim 1 : vector<16x4096xf32>, i32 -> vector<16x4096xf32>
    %slice3A_1408 = vector.extract_strided_slice %roll3A_1407 {offsets = [0, 0], sizes = [16, 3968], strides = [1, 1]} : vector<16x4096xf32> to vector<16x3968xf32>
    %swap3A_1409 = arith.constant 0 : index
    %swap3A_1410 = arith.constant 122 : index
    %swap3A_1411 = arith.constant 0 : index
    %swap3A_1412 = vector.load %arg1[%swap3A_1409, %swap3A_1410, %swap3A_1411] : memref<16x128x3968xf32, #tpu.memory_space<vmem>>, vector<16x1x3968xf32>
    %swap3A_1413 = vector.shape_cast %swap3A_1412 : vector<16x1x3968xf32> to vector<16x3968xf32>
    %swap3A_1414 = vector.shape_cast %slice3A_1408 : vector<16x3968xf32> to vector<16x1x3968xf32>
    tpu.vector_store %arg1[%swap3A_1409, %swap3A_1410, %swap3A_1411], %swap3A_1414 {strides = array<i32>} : memref<16x128x3968xf32, #tpu.memory_space<vmem>>, vector<16x1x3968xf32>,
    %roll3A_1415 = arith.constant 1 : i32
    %roll3A_1416 = tpu.dynamic_rotate %roll3A_1407 by %roll3A_1415 dim 1 : vector<16x4096xf32>, i32 -> vector<16x4096xf32>
    %slice3A_1417 = vector.extract_strided_slice %roll3A_1416 {offsets = [0, 0], sizes = [16, 3968], strides = [1, 1]} : vector<16x4096xf32> to vector<16x3968xf32>
    %swap3A_1418 = arith.constant 0 : index
    %swap3A_1419 = arith.constant 123 : index
    %swap3A_1420 = arith.constant 0 : index
    %swap3A_1421 = vector.load %arg1[%swap3A_1418, %swap3A_1419, %swap3A_1420] : memref<16x128x3968xf32, #tpu.memory_space<vmem>>, vector<16x1x3968xf32>
    %swap3A_1422 = vector.shape_cast %swap3A_1421 : vector<16x1x3968xf32> to vector<16x3968xf32>
    %swap3A_1423 = vector.shape_cast %slice3A_1417 : vector<16x3968xf32> to vector<16x1x3968xf32>
    tpu.vector_store %arg1[%swap3A_1418, %swap3A_1419, %swap3A_1420], %swap3A_1423 {strides = array<i32>} : memref<16x128x3968xf32, #tpu.memory_space<vmem>>, vector<16x1x3968xf32>,
    %roll3A_1424 = arith.constant 1 : i32
    %roll3A_1425 = tpu.dynamic_rotate %roll3A_1416 by %roll3A_1424 dim 1 : vector<16x4096xf32>, i32 -> vector<16x4096xf32>
    %slice3A_1426 = vector.extract_strided_slice %roll3A_1425 {offsets = [0, 0], sizes = [16, 3968], strides = [1, 1]} : vector<16x4096xf32> to vector<16x3968xf32>
    %swap3A_1427 = arith.constant 0 : index
    %swap3A_1428 = arith.constant 124 : index
    %swap3A_1429 = arith.constant 0 : index
    %swap3A_1430 = vector.load %arg1[%swap3A_1427, %swap3A_1428, %swap3A_1429] : memref<16x128x3968xf32, #tpu.memory_space<vmem>>, vector<16x1x3968xf32>
    %swap3A_1431 = vector.shape_cast %swap3A_1430 : vector<16x1x3968xf32> to vector<16x3968xf32>
    %swap3A_1432 = vector.shape_cast %slice3A_1426 : vector<16x3968xf32> to vector<16x1x3968xf32>
    tpu.vector_store %arg1[%swap3A_1427, %swap3A_1428, %swap3A_1429], %swap3A_1432 {strides = array<i32>} : memref<16x128x3968xf32, #tpu.memory_space<vmem>>, vector<16x1x3968xf32>,
    %roll3A_1433 = arith.constant 1 : i32
    %roll3A_1434 = tpu.dynamic_rotate %roll3A_1425 by %roll3A_1433 dim 1 : vector<16x4096xf32>, i32 -> vector<16x4096xf32>
    %slice3A_1435 = vector.extract_strided_slice %roll3A_1434 {offsets = [0, 0], sizes = [16, 3968], strides = [1, 1]} : vector<16x4096xf32> to vector<16x3968xf32>
    %swap3A_1436 = arith.constant 0 : index
    %swap3A_1437 = arith.constant 125 : index
    %swap3A_1438 = arith.constant 0 : index
    %swap3A_1439 = vector.load %arg1[%swap3A_1436, %swap3A_1437, %swap3A_1438] : memref<16x128x3968xf32, #tpu.memory_space<vmem>>, vector<16x1x3968xf32>
    %swap3A_1440 = vector.shape_cast %swap3A_1439 : vector<16x1x3968xf32> to vector<16x3968xf32>
    %swap3A_1441 = vector.shape_cast %slice3A_1435 : vector<16x3968xf32> to vector<16x1x3968xf32>
    tpu.vector_store %arg1[%swap3A_1436, %swap3A_1437, %swap3A_1438], %swap3A_1441 {strides = array<i32>} : memref<16x128x3968xf32, #tpu.memory_space<vmem>>, vector<16x1x3968xf32>,
    %roll3A_1442 = arith.constant 1 : i32
    %roll3A_1443 = tpu.dynamic_rotate %roll3A_1434 by %roll3A_1442 dim 1 : vector<16x4096xf32>, i32 -> vector<16x4096xf32>
    %slice3A_1444 = vector.extract_strided_slice %roll3A_1443 {offsets = [0, 0], sizes = [16, 3968], strides = [1, 1]} : vector<16x4096xf32> to vector<16x3968xf32>
    %swap3A_1445 = arith.constant 0 : index
    %swap3A_1446 = arith.constant 126 : index
    %swap3A_1447 = arith.constant 0 : index
    %swap3A_1448 = vector.load %arg1[%swap3A_1445, %swap3A_1446, %swap3A_1447] : memref<16x128x3968xf32, #tpu.memory_space<vmem>>, vector<16x1x3968xf32>
    %swap3A_1449 = vector.shape_cast %swap3A_1448 : vector<16x1x3968xf32> to vector<16x3968xf32>
    %swap3A_1450 = vector.shape_cast %slice3A_1444 : vector<16x3968xf32> to vector<16x1x3968xf32>
    tpu.vector_store %arg1[%swap3A_1445, %swap3A_1446, %swap3A_1447], %swap3A_1450 {strides = array<i32>} : memref<16x128x3968xf32, #tpu.memory_space<vmem>>, vector<16x1x3968xf32>,
    %roll3A_1451 = arith.constant 1 : i32
    %roll3A_1452 = tpu.dynamic_rotate %roll3A_1443 by %roll3A_1451 dim 1 : vector<16x4096xf32>, i32 -> vector<16x4096xf32>
    %slice3A_1453 = vector.extract_strided_slice %roll3A_1452 {offsets = [0, 0], sizes = [16, 3968], strides = [1, 1]} : vector<16x4096xf32> to vector<16x3968xf32>
    %swap3A_1454 = arith.constant 0 : index
    %swap3A_1455 = arith.constant 127 : index
    %swap3A_1456 = arith.constant 0 : index
    %swap3A_1457 = vector.load %arg1[%swap3A_1454, %swap3A_1455, %swap3A_1456] : memref<16x128x3968xf32, #tpu.memory_space<vmem>>, vector<16x1x3968xf32>
    %swap3A_1458 = vector.shape_cast %swap3A_1457 : vector<16x1x3968xf32> to vector<16x3968xf32>
    %swap3A_1459 = vector.shape_cast %slice3A_1453 : vector<16x3968xf32> to vector<16x1x3968xf32>
    tpu.vector_store %arg1[%swap3A_1454, %swap3A_1455, %swap3A_1456], %swap3A_1459 {strides = array<i32>} : memref<16x128x3968xf32, #tpu.memory_space<vmem>>, vector<16x1x3968xf32>,
    return
  }
}

</mosaic_0001>

<sc_bundles>
// kernel: kernel.4.cloned.1.call-start
scs
__scs_entry_jumppad:
0x0: {  	(pc) =	sbr.rel $0x88, $3  }
0x1: {  	(tag) =	ssettag $0x0;
	lr =	simm.s32 $0x1  }
0x2: {  	[smem:$0x3FA0] =	sst lr;
	_ =	strace $0xD0000000  }
0x3: {  	_ = 	snop  }
0x4: {  	_ = 	snop  }
0x5: {  	_ = 	snop  }
0x6: {  	_ = 	snop  }
0x7: {  	_ = 	snop  }
__scs_overlays_trampoline_lowered:
0x8: {  	[smem:$0x3FAF] =	sst s0  }
0x9: {  	[smem:$0x3FB0] =	sst s1  }
0xa: {  	[smem:$0x3FB1] =	sst s2  }
0xb: {  	[smem:$0x3FB2] =	sst s3  }
0xc: {  	[smem:$0x3FB3] =	sst s4  }
0xd: {  	[smem:$0x3FB4] =	sst s5  }
0xe: {  	[smem:$0x3FB5] =	sst s6  }
0xf: {  	[smem:$0x3FB6] =	sst s7  }
0x10: {  	[smem:$0x3FB7] =	sst s8  }
0x11: {  	[smem:$0x3FB8] =	sst s9;
	s0 =	simm.s32 @!p0 $0x0  }
0x12: {  	s1 =	sld [smem:$0x3F9E];
	s0 =	simm.s32 @p0 $0x1  }
0x13: {  	[smem:$0x3FB9] =	sst s0;
	s0 =	simm.s32 @!p1 $0x0  }
0x14: {  	s2 =	sld [smem:$0x3F9D];
	s0 =	simm.s32 @p1 $0x1  }
0x15: {  	[smem:$0x3FBA] =	sst s0;
	s0 =	simm.s32 @!p2 $0x0  }
0x16: {  	s3 =	sld [smem:$0x3FDB];
	s0 =	simm.s32 @p2 $0x1  }
0x17: {  	s4 =	simm.s32 $0x1BF5;
	[smem:$0x3FBC] =	sst s0  }
0x18: {  	s0 =	sld [smem:$0x3F9F];
	_ =	swait.ge [sflag:s4], $0x0  }
0x19: {  	s7 =	sld [smem:$0x3FA0]  }
0x1a: {  	s8 =	sadd.s32 $0xFFFFE003, lr  }
0x1b: {  	s9 =	sadd.s32 $0xFFFFFEF7, lr;
	s5 =	simm.s32 $0xFFFFFFFF;
	p2 =	slt.u32 s8, $0xFFFFF086  }
0x1c: {  	p1 =	slt.u32 s9, $0xF7A;
	s5 =	simm.s32 @!p2 $0x0  }
0x1d: {  	s5 =	simm.s32 @p1 $0x1;
	p0 =	seq.s32 s7, s2  }
0x1e: {  	s7 =	smul.u32 @!p0 $0xF7A, s2;
	p2 =	seq.s32 @!p0 s5, $0x0  }
0x1f: {  	s9 =	smul.u32 $0xF7A, s1;
	s8 =	simm.s32 @!p0 $0x1BF5;
	p2 =	por !p2, p0  }
0x20: {  	[sflag:s8] =	ssyncset.s32 @!p0 $0xFFFFF086;
	s6 =	sadd.s32 @!p0 s3, s7;
	s7 =	simm.s32 @!p0 $0x108  }
0x21: {  	s3 =	sadd.s32 s3, s9;
	s6 =	sadd.s32 @!p0 $0x88, s6;
	s7 =	simm.s32 @p2 $0x1082  }
0x22: {  	[simem:s7], [sflag:s8] =	dma.local @!p0 [hbm:s6], $0xF7A  }
0x23: {  	s9 =	sor.u32 $0xD0000000, s2;
	s6 =	simm.s32 $0x108;
	_ =	swait.ge @!p0 [sflag:s8], $0x0  }
0x24: {  	s3 =	sadd.s32 $0x88, s3;
	s6 =	simm.s32 @!p1 $0x1082;
	[sflag:s4] =	ssyncset.s32 $0xFFFFF086  }
0x25: {  	[simem:s6], [sflag:s4] =	dma.local [hbm:s3], $0xF7A  }
0x26: {  	[smem:$0x3FA0] =	sst s1;
	(tag) =	ssettag s2;
	_ =	strace s9  }
0x27: {  	s1 =	sld [smem:$0x3FB0]  }
0x28: {  	s2 =	sld [smem:$0x3FB1]  }
0x29: {  	s4 =	sld [smem:$0x3FB3]  }
0x2a: {  	p0 =	seq.s32 s5, $0x0;
	s5 =	sld [smem:$0x3FB4]  }
0x2b: {  	s6 =	sld [smem:$0x3FB5]  }
0x2c: {  	s7 =	sld [smem:$0x3FB6]  }
0x2d: {  	s3 =	simm.s32 $0x108;
	s8 =	sld [smem:$0x3FB7]  }
0x2e: {  	s3 =	simm.s32 @!p0 $0x1082;
	s9 =	sld [smem:$0x3FB8]  }
0x2f: {  	lr =	sadd.s32 s0, s3;
	s0 =	sld [smem:$0x3FAF]  }
0x30: {  	s3 =	sld [smem:$0x3FB2]  }
0x31: {  	[smem:$0x3FBB] =	sst s10  }
0x32: {  	s10 =	sld [smem:$0x3FB9];
	_ =	sdelay $0x3  }
0x33: {  	p0 =	seq.s32 s10, $0x1;
	s10 =	sld [smem:$0x3FBB];
	_ =	sdelay $0x3  }
0x34: {  	[smem:$0x3FBB] =	sst s10  }
0x35: {  	s10 =	sld [smem:$0x3FBA];
	_ =	sdelay $0x3  }
0x36: {  	p1 =	seq.s32 s10, $0x1;
	s10 =	sld [smem:$0x3FBB];
	_ =	sdelay $0x3  }
0x37: {  	[smem:$0x3FBB] =	sst s10  }
0x38: {  	s10 =	sld [smem:$0x3FBC]  }
0x39: {  	_ = 	snop;
	(pc) =	sbr.ind lr, $3  }
0x3a: {  	_ = 	snop  }
0x3b: {  	_ = 	snop  }
0x3c: {  	p2 =	seq.s32 s10, $0x1;
	s10 =	sld [smem:$0x3FBB]  }
0x3d: {  	_ =	shalt  }
0x3e: {  	_ =	shalt  }
0x3f: {  	_ =	shalt  }
0x40: {  	_ =	shalt  }
0x41: {  	_ =	shalt  }
0x42: {  	_ =	shalt  }
0x43: {  	_ =	shalt  }
0x44: {  	_ =	shalt  }
0x45: {  	_ =	shalt  }
0x46: {  	_ =	shalt  }
0x47: {  	_ =	shalt  }
0x48: {  	_ =	shalt  }
0x49: {  	_ =	shalt  }
0x4a: {  	_ =	shalt  }
0x4b: {  	_ =	shalt  }
0x4c: {  	_ =	shalt  }
0x4d: {  	_ =	shalt  }
0x4e: {  	_ =	shalt  }
0x4f: {  	_ =	shalt  }
0x50: {  	_ =	shalt  }
0x51: {  	_ =	shalt  }
0x52: {  	_ =	shalt  }
0x53: {  	_ =	shalt  }
0x54: {  	_ =	shalt  }
0x55: {  	_ =	shalt  }
0x56: {  	_ =	shalt  }
0x57: {  	_ =	shalt  }
0x58: {  	_ =	shalt  }
0x59: {  	_ =	shalt  }
0x5a: {  	_ =	shalt  }
0x5b: {  	_ =	shalt  }
0x5c: {  	_ =	shalt  }
0x5d: {  	_ =	shalt  }
0x5e: {  	_ =	shalt  }
0x5f: {  	_ =	shalt  }
0x60: {  	_ =	shalt  }
0x61: {  	_ =	shalt  }
0x62: {  	_ =	shalt  }
0x63: {  	_ =	shalt  }
0x64: {  	_ =	shalt  }
0x65: {  	_ =	shalt  }
0x66: {  	_ =	shalt  }
0x67: {  	_ =	shalt  }
0x68: {  	_ =	shalt  }
0x69: {  	_ =	shalt  }
0x6a: {  	_ =	shalt  }
0x6b: {  	_ =	shalt  }
0x6c: {  	_ =	shalt  }
0x6d: {  	_ =	shalt  }
0x6e: {  	_ =	shalt  }
0x6f: {  	_ =	shalt  }
0x70: {  	_ =	shalt  }
0x71: {  	_ =	shalt  }
0x72: {  	_ =	shalt  }
0x73: {  	_ =	shalt  }
0x74: {  	_ =	shalt  }
0x75: {  	_ =	shalt  }
0x76: {  	_ =	shalt  }
0x77: {  	_ =	shalt  }
0x78: {  	_ =	shalt  }
0x79: {  	_ =	shalt  }
0x7a: {  	_ =	shalt  }
0x7b: {  	_ =	shalt  }
0x7c: {  	_ =	shalt  }
0x7d: {  	_ =	shalt  }
0x7e: {  	_ =	shalt  }
0x7f: {  	_ =	shalt  }
0x80: {  	_ =	shalt  }
0x81: {  	_ =	shalt  }
0x82: {  	_ =	shalt  }
0x83: {  	_ =	shalt  }
0x84: {  	_ =	shalt  }
0x85: {  	_ =	shalt  }
0x86: {  	_ =	shalt  }
0x87: {  	_ =	shalt  }
.Lfunc_end0:
.L_simem_size_0:
called_computation_lowered:
.L_overlay_start_0:
0x88: {  	s2 =	sld [smem:$0x3FD9]  }
0x89: {  	s3 =	sld [smem:$0x3FFE];
	_ =	sdelay $0x1  }
0x8a: {  	s1 =	srdreg.scid  }
0x8b: {  	s0 =	sand.u32 $0x1, s1  }
0x8c: {  	s17 =	sshll.u32 s0, $0xA;
	s2 =	sadd.s32 s3, s2  }
0x8d: {  	s2 =	sadd.s32 s2, s17  }
0x8e: {  	[smem:$0x3FC7] =	sst s2  }
0x8f: {  	_ = 	snop  }
0x90: {  	s2 =	sld [smem:$0x3FD0];
	(tm) =	ssettm $0x1  }
0x91: {  	s18 =	sld [smem:$0x3FFB];
	_ =	sdelay $0x3  }
0x92: {  	_ =	strace s18  }
0x93: {  	s3 =	sld [smem:$0x3FFC];
	_ =	sdelay $0x3  }
0x94: {  	_ =	strace s3  }
0x95: {  	s3 =	sld [smem:$0x3FFD];
	_ =	sdelay $0x3  }
0x96: {  	_ =	strace s3  }
0x97: {  	_ =	strace $0x8FFFFFFF  }
0x98: {  	s19 =	sld [smem:$0x3FDB];
	_ =	sdelay $0x1  }
0x99: {  	s4 =	simm.s32 $_scs_section_size  }
0x9a: {  	s5 =	simm.s32 $_size__tile_overlayer_lowered;
	s6 =	simm.s32 $_tile_overlayer_lowered  }
0x9b: {  	s22 =	simm.s32 $0x1BFF;
	s21 =	sshll.u32 s6, $0x1;
	s3 =	sadd.s32 s4, s19  }
0x9c: {  	s7 =	simm.s32 $0x0;
	s20 =	sshll.u32 s5, $0x1;
	s5 =	sadd.s32 s21, s3  }
0x9d: {  	[timem:s7], [sflag:s22] =	dma.local [hbm:s5], s20  }
0x9e: {  	_ =	swait.ge [sflag:s22], s20  }
0x9f: {  	s4 =	ssub.s32 $0x0, s20;
	[sflag:s22] =	ssyncset.done $0x0  }
0xa0: {  	[sflag:s22] =	ssyncadd.s32 s4;
	_ =	sdelay $0x1  }
0xa1: {  	s23 =	simm.s32 $0x1B8B  }
0xa2: {  	_ =	swait.ge [sflag:s23], $0x1  }
0xa3: {  	[sflag:s23] =	ssyncset.done $0x0  }
0xa4: {  	s25 =	simm.s32 $0x1B8E;
	s24 =	sld [smem:$0x3FFE];
	[sflag:s23] =	ssyncadd.s32 $0xFFFFFFFF  }
0xa5: {  	s26 =	simm.s32 $execute0_lowered;
	[smem:$0x3FD2] =	sst s25  }
0xa6: {  	s5 =	sshll.u32 s26, $0x1;
	_ =	strace $0x80000046;
	[dreg:$0x1] =	wrdreg $0xFFFFFFFF  }
0xa7: {  	s28 =	simm.s32 $_size_execute0_lowered;
	s3 =	sadd.s32 s3, s5;
	[dreg:$0x0] =	wrdreg $0x0  }
0xa8: {  	s5 =	sshll.u32 s28, $0x1;
	[dreg:$0x2] =	wrdreg s3  }
0xa9: {  	[dreg:$0x3] =	wrdreg s5  }
0xaa: {  	[dreg:$0x4] =	wrdreg $0xC0  }
0xab: {  	_ =	task [dreg:s7], $0x5FFFF  }
0xac: {  	[dreg:$0x1] =	wrdreg $0xFFFFFFFF  }
0xad: {  	[dreg:$0x0] =	wrdreg $0x60  }
0xae: {  	[dreg:$0x2] =	wrdreg s24  }
0xaf: {  	[dreg:$0x3] =	wrdreg s2  }
0xb0: {  	[dreg:$0x4] =	wrdreg $0x0  }
0xb1: {  	[dreg:$0x5] =	wrdreg $0x9  }
0xb2: {  	_ =	task.clear_ibuf [dreg:s7], $0x6FFFF;
	_ =	strace $0x90000046  }
0xb3: {  	s29 =	simm.s32 $0x9;
	_ =	strace $0x80000048  }
0xb4: {  	_ =	swait.ge [sflag:s29], $0x1  }
0xb5: {  	[sflag:s29] =	ssyncadd.s32 $0xFFFFFFFF  }
0xb6: {  	_ =	strace $0x90000048  }
0xb7: {  	_ =	sfence  }
0xb8: {  	s30 =	sld [smem:$0x0];
	_ =	sdelay $0x2  }
0xb9: {  	s31 =	sshll.u32 s1, $0xD;
	s1 =	sshrl.u32 s1, $0x2  }
0xba: {  	s3 =	sand.u32 $0x4000, s31;
	s1 =	sadd.s32 s1, s30  }
0xbb: {  	s0 =	sor.u32 s3, s0;
	s1 =	sshll.u32 s1, $0x11  }
0xbc: {  	s0 =	sor.u32 s1, s0  }
0xbd: {  	s0 =	sadd.s32 $0x8F2B, s0  }
0xbe: {  	[sflag:s0] =	ssyncadd.remote.s32 $0x1  }
0xbf: {  	_ =	sfence.sel $0xFFFF  }
0xc0: {  	[dreg:$0x0] =	wrdreg $0xFFFFFFFF;
	(pc) =	sbr.abs _section_cstart, $3  }
0xc1: {  	[dreg:$0x1] =	wrdreg $0xFFFFFFFF  }
0xc2: {  	_ =	task.clear_ibuf [dreg:s7], $0x2FFFF;
	_ =	strace $0x9FFFFFFF  }
0xc3: {  	(tm) =	ssettm $0x7FFFFFFF  }
tec
execute0_lowered:
.L_overlay_start_1:
0x0: {  	(tag) =	ssettag $0x1  }
0x1: {  	s2 =	rddreg [dreg:$0x0]  }
0x2: {  	s17 =	rddreg [dreg:$0x1]  }
0x3: {  	s5 =	rddreg [dreg:$0x2]  }
0x4: {  	s0 =	rddreg [dreg:$0x3]  }
0x5: {  	s3 =	srdreg.scid;
	s1 =	stileid.u32;
	s4 =	simm.s32 $0x0  }
0x6: {  	s6 =	sand.u32 $0x1, s3;
	s7 =	smul.u32 $0x7C00, s1;
	[smem:$0x7FF] =	sst s4  }
0x7: {  	s18 =	sadd.s32 $0x600, s2;
	s21 =	sshll.u32 s1, $0x12;
	s23 =	sshll.u32 s1, $0xA  }
0x8: {  	s3 =	smul.u32 $0x3E0000, s6;
	_ =	strace $0x80000047;
	s26 =	ssub.s32 $0x2, s6  }
0x9: {  	s8 =	sshll.u32 s6, $0x3;
	s25 =	sshllo.u32 s6, $0x3;
	s6 =	sshll.u32 s6, $0x19  }
0xa: {  	s23 =	ssub.s32 s5, s23;
	s9 =	sor.u32 $0x1, s8;
	s31 =	smul.u32 $0x7C000, s25  }
0xb: {  	s30 =	sshrl.u32 s26, $0x1;
	s11 =	sor.u32 $0x2, s8;
	s10 =	smul.u32 $0x7C000, s9  }
0xc: {  	s2 =	sadd.s32 s7, s5;
	s13 =	sor.u32 $0x3, s8;
	s12 =	smul.u32 $0x7C000, s11  }
0xd: {  	s15 =	sor.u32 $0x4, s8;
	s19 =	sor.u32 $0x5, s8;
	s14 =	smul.u32 $0x7C000, s13  }
0xe: {  	s8 =	sor.u32 $0x6, s8;
	s6 =	sor.u32 s21, s6;
	s16 =	smul.u32 $0x7C000, s15  }
0xf: {  	s29 =	sadd.s32 $0x3C00, s23;
	s3 =	sadd.s32 s7, s3;
	s22 =	smul.u32 $0x7C000, s19  }
0x10: {  	s20 =	ssub.s32 s26, s30;
	s24 =	smul.u32 $0x7C000, s8;
	s28 =	sadd.s32 $0x7C000, s2  }
0x11: {  	s6 =	sshrl.u32 s6, $0x3;
	s11 =	sshll.u32 s11, $0x16;
	s15 =	sshll.u32 s15, $0x16  }
0x12: {  	s19 =	sshll.u32 s19, $0x16;
	s8 =	sshll.u32 s8, $0x16;
	s30 =	sshll.u32 s25, $0x16  }
0x13: {  	s3 =	sshrl.u32 s3, $0x3;
	s26 =	sadd.s32 s7, s31;
	s6 =	sadd.s32 s17, s6  }
0x14: {  	s15 =	sor.u32 s21, s15;
	s19 =	sor.u32 s21, s19;
	s31 =	sor.u32 s21, s8  }
0x15: {  	s20 =	smax.u32 s20, $0x1;
	s3 =	sadd.s32 s18, s3;
	s10 =	sadd.s32 s7, s10  }
0x16: {  	s12 =	sadd.s32 s7, s12;
	s14 =	sadd.s32 s7, s14;
	s16 =	sadd.s32 s7, s16  }
0x17: {  	s22 =	sadd.s32 s7, s22;
	s24 =	sadd.s32 s7, s24;
	s26 =	sshrl.u32 s26, $0x3  }
0x18: {  	s31 =	sshrl.u32 s31, $0x3;
	[dreg:$0x4] =	wrdreg s3;
	s3 =	sshll.u32 s1, $0x6  }
0x19: {  	s7 =	sshrl.u32 s10, $0x3;
	s10 =	sshll.u32 s9, $0x16;
	s9 =	sshrl.u32 s12, $0x3  }
0x1a: {  	s12 =	sshll.u32 s13, $0x16;
	s13 =	sor.u32 s21, s11;
	s4 =	sor.u32 $0x1C02, s3  }
0x1b: {  	s5 =	sadd.s32 s18, s7;
	s10 =	sor.u32 s21, s10;
	s11 =	sor.u32 s21, s12  }
0x1c: {  	s21 =	sor.u32 s21, s30;
	s7 =	sadd.s32 s18, s9;
	s12 =	sshrl.u32 s13, $0x3  }
0x1d: {  	s30 =	sadd.s32 $0x7FC00, s23;
	s13 =	sshrl.u32 s16, $0x3;
	s16 =	sshrl.u32 s22, $0x3  }
0x1e: {  	s22 =	sshrl.u32 s15, $0x3;
	s23 =	sshrl.u32 s24, $0x3;
	s24 =	sshrl.u32 s19, $0x3  }
0x1f: {  	s19 =	sadd.s32 s17, s31;
	s9 =	sshrl.u32 s10, $0x3;
	s10 =	sshrl.u32 s14, $0x3  }
0x20: {  	s14 =	sshrl.u32 s11, $0x3;
	s11 =	sadd.s32 s18, s13;
	s13 =	sadd.s32 s18, s16  }
0x21: {  	s15 =	sadd.s32 s18, s23;
	s16 =	sadd.s32 s17, s24;
	s21 =	sshrl.u32 s21, $0x3  }
0x22: {  	s23 =	sshrl.u32 s29, $0x3;
	s24 =	simm.s32 $0x80;
	s25 =	sshrl.u32 s30, $0x3  }
0x23: {  	s29 =	simm.s32 $0x1;
	s8 =	sadd.s32 s17, s9;
	s9 =	sadd.s32 s18, s10  }
0x24: {  	s10 =	sadd.s32 s17, s12;
	s12 =	sadd.s32 s17, s14;
	s14 =	sadd.s32 s17, s22  }
0x25: {  	s18 =	sadd.s32 s18, s26;
	s17 =	sadd.s32 s17, s21;
	s21 =	simm.s32 $0x2  }
0x26: {  	s22 =	sshrl.u32 s28, $0x3;
	s26 =	simm.s32 $0x800;
	s28 =	simm.s32 $0xF80  }
.LBB2_1:
0x27: {  	s30 =	rddreg [dreg:$0x4];
	s31 =	sshrl.u32 s2, $0x3  }
0x28: {  	[spmem:s31], [sflag:s4] =	dma.local [hbm:s30], $0xF80  }
0x29: {  	_ =	swait.ge [sflag:s21], $0xF80  }
0x2a: {  	[sflag:s21] =	ssyncset.done $0x0  }
0x2b: {  	[sflag:s21] =	ssyncadd.s32 $0xFFFFF080  }
0x2c: {  	s30 =	sor.u32 $0x1C01, s3;
	[bflag:$0x0] =	sbarrier.arrive $0xFFFF  }
0x2d: {  	[spmem:s22], [sflag:s30] =	dma.local [hbm:s5], $0xF80  }
0x2e: {  	[hbm:s6@s26], [sflag:s4] =	dma.strided [spmem:s23@s28], $0x8000, s24, $0x10   }
0x2f: {  	_ =	swait.ge [sflag:s21], $0x8000  }
0x30: {  	[sflag:s21] =	ssyncset.done $0x0  }
0x31: {  	[sflag:s21] =	ssyncadd.s32 $0xFFFF8000  }
0x32: {  	_ =	swait.ge [sflag:s29], $0xF80  }
0x33: {  	[sflag:s29] =	ssyncset.done $0x0  }
0x34: {  	[sflag:s29] =	ssyncadd.s32 $0xFFFFF080  }
0x35: {  	[bflag:$0x0] =	sbarrier.arrive $0xFFFF  }
0x36: {  	[spmem:s31], [sflag:s30] =	dma.local [hbm:s7], $0xF80  }
0x37: {  	[hbm:s8@s26], [sflag:s4] =	dma.strided [spmem:s25@s28], $0x8000, s24, $0x10   }
0x38: {  	_ =	swait.ge [sflag:s21], $0x8000  }
0x39: {  	[sflag:s21] =	ssyncset.done $0x0  }
0x3a: {  	[sflag:s21] =	ssyncadd.s32 $0xFFFF8000  }
0x3b: {  	_ =	swait.ge [sflag:s29], $0xF80  }
0x3c: {  	[sflag:s29] =	ssyncset.done $0x0  }
0x3d: {  	[sflag:s29] =	ssyncadd.s32 $0xFFFFF080  }
0x3e: {  	[bflag:$0x0] =	sbarrier.arrive $0xFFFF  }
0x3f: {  	[spmem:s22], [sflag:s30] =	dma.local [hbm:s9], $0xF80  }
0x40: {  	[hbm:s10@s26], [sflag:s4] =	dma.strided [spmem:s23@s28], $0x8000, s24, $0x10   }
0x41: {  	_ =	swait.ge [sflag:s21], $0x8000  }
0x42: {  	[sflag:s21] =	ssyncset.done $0x0  }
0x43: {  	[sflag:s21] =	ssyncadd.s32 $0xFFFF8000  }
0x44: {  	_ =	swait.ge [sflag:s29], $0xF80  }
0x45: {  	[sflag:s29] =	ssyncset.done $0x0  }
0x46: {  	[sflag:s29] =	ssyncadd.s32 $0xFFFFF080  }
0x47: {  	[bflag:$0x0] =	sbarrier.arrive $0xFFFF  }
0x48: {  	[spmem:s31], [sflag:s30] =	dma.local [hbm:s11], $0xF80  }
0x49: {  	[hbm:s12@s26], [sflag:s4] =	dma.strided [spmem:s25@s28], $0x8000, s24, $0x10   }
0x4a: {  	_ =	swait.ge [sflag:s21], $0x8000  }
0x4b: {  	[sflag:s21] =	ssyncset.done $0x0  }
0x4c: {  	[sflag:s21] =	ssyncadd.s32 $0xFFFF8000  }
0x4d: {  	_ =	swait.ge [sflag:s29], $0xF80  }
0x4e: {  	[sflag:s29] =	ssyncset.done $0x0  }
0x4f: {  	[sflag:s29] =	ssyncadd.s32 $0xFFFFF080  }
0x50: {  	[bflag:$0x0] =	sbarrier.arrive $0xFFFF  }
0x51: {  	[spmem:s22], [sflag:s30] =	dma.local [hbm:s13], $0xF80  }
0x52: {  	[hbm:s14@s26], [sflag:s4] =	dma.strided [spmem:s23@s28], $0x8000, s24, $0x10   }
0x53: {  	_ =	swait.ge [sflag:s21], $0x8000  }
0x54: {  	[sflag:s21] =	ssyncset.done $0x0  }
0x55: {  	[sflag:s21] =	ssyncadd.s32 $0xFFFF8000  }
0x56: {  	_ =	swait.ge [sflag:s29], $0xF80  }
0x57: {  	[sflag:s29] =	ssyncset.done $0x0  }
0x58: {  	[sflag:s29] =	ssyncadd.s32 $0xFFFFF080  }
0x59: {  	[bflag:$0x0] =	sbarrier.arrive $0xFFFF  }
0x5a: {  	[spmem:s31], [sflag:s30] =	dma.local [hbm:s15], $0xF80  }
0x5b: {  	[hbm:s16@s26], [sflag:s4] =	dma.strided [spmem:s25@s28], $0x8000, s24, $0x10   }
0x5c: {  	_ =	swait.ge [sflag:s21], $0x8000  }
0x5d: {  	[sflag:s21] =	ssyncset.done $0x0  }
0x5e: {  	[sflag:s21] =	ssyncadd.s32 $0xFFFF8000  }
0x5f: {  	_ =	swait.ge [sflag:s29], $0xF80  }
0x60: {  	[sflag:s29] =	ssyncset.done $0x0  }
0x61: {  	[sflag:s29] =	ssyncadd.s32 $0xFFFFF080  }
0x62: {  	[bflag:$0x0] =	sbarrier.arrive $0xFFFF  }
0x63: {  	[spmem:s22], [sflag:s30] =	dma.local [hbm:s18], $0xF80  }
0x64: {  	[hbm:s19@s26], [sflag:s4] =	dma.strided [spmem:s23@s28], $0x8000, s24, $0x10   }
0x65: {  	_ =	swait.ge [sflag:s21], $0x8000  }
0x66: {  	[sflag:s21] =	ssyncset.done $0x0  }
0x67: {  	[sflag:s21] =	ssyncadd.s32 $0xFFFF8000  }
0x68: {  	_ =	swait.ge [sflag:s29], $0xF80  }
0x69: {  	[sflag:s29] =	ssyncset.done $0x0  }
0x6a: {  	[sflag:s29] =	ssyncadd.s32 $0xFFFFF080  }
0x6b: {  	p0 =	sne.s32 s20, $0x1;
	[bflag:$0x0] =	sbarrier.arrive $0xFFFF  }
0x6c: {  	[hbm:s17@s26], [sflag:s4] =	dma.strided [spmem:s25@s28], $0x8000, s24, $0x10   }
.Ltmp0:
0x6d: {  	_ =	swait.ge [sflag:s21], $0x8000;
	(pc) =	sbr.rel @p0 .LBB2_1-.Ltmp0, $4  }
0x6e: {  	[sflag:s21] =	ssyncset.done $0x0  }
0x6f: {  	[sflag:s21] =	ssyncadd.s32 $0xFFFF8000  }
0x70: {  	[bflag:$0x0] =	sbarrier.arrive $0xFFFF  }
0x71: {  	s20 =	sadd.s32 $0xFFFFFFFF, s20  }
0x72: {  	_ =	sfence.sel $0x180000  }
0x73: {  	[bflag:$0x0] =	sbarrier.arrive $0xFFFF  }
0x74: {  	p0 =	sne.s32 s1, $0x0;
	_ =	strace $0x90000047  }
0x75: {  	s0 =	sadd.s32 @!p0 $0x100000, s0;
	[bflag:$0x2] =	sbarrier.arrive $0xFFFF  }
0x76: {  	[sflag:s0] =	ssyncadd.tile.s32 @!p0 $0x1;
	_ =	shalt  }
.Lfunc_end2:
_tile_overlayer_lowered:
.L_overlay_start_2:
0x77: {  	(tag) =	ssettag $0x2  }
0x78: {  	s0 =	rddreg [dreg:$0x0];
	s2 =	stileid.u32  }
0x79: {  	s1 =	rddreg [dreg:$0x1];
	p0 =	sne.s32 s2, $0x0  }
0x7a: {  	s3 =	rddreg [dreg:$0x2];
	[bflag:$0x3] =	sbarrier.arrive $0xFFFF;
	s2 =	simm.s32 @!p0 $0x1C02  }
0x7b: {  	[timem:s3], [sflag:s2] =	dma.local @!p0 [hbm:s0], s1  }
0x7c: {  	s0 =	simm.s32 @!p0 $0x2  }
0x7d: {  	_ =	swait.ge @!p0 [sflag:s0], s1  }
0x7e: {  	s1 =	ssub.s32 @!p0 $0x0, s1;
	[sflag:s0] =	ssyncset.done @!p0 $0x0  }
0x7f: {  	[sflag:s0] =	ssyncadd.s32 @!p0 s1  }
0x80: {  	[bflag:$0x3] =	sbarrier.arrive $0xFFFF  }
0x81: {  	_ =	shalt  }

</sc_bundles>
